<compile_context>
chip_gen: v7x
topology: tpu7x:2x2x1
jax: 0.10.2.dev20260603
libtpu: 0.0.44.dev20260713+nightly
codegen_flags: <defaults>
</compile_context>

<pallas_src>
import functools

import jax
import jax.numpy as jnp
from jax import lax
from jax.experimental import pallas as pl
from jax.experimental.pallas import tpu as pltpu
from jax.experimental.pallas import tpu_sc as plsc

NC, NS = 2, 16
NW = NC * NS
EK = 80
NUM_GRAPHS = 128


def _sc_aggregate(h, src2, dst3, zeros):
    N, F = h.shape
    e_per_tile = src2.shape[1]
    n_chunks = e_per_tile // EK
    assert n_chunks % 2 == 1 and n_chunks >= 5
    rpt = ((N + NS - 1) // NS + 7) // 8 * 8
    last = N - (NS - 1) * rpt
    mesh = plsc.VectorSubcoreMesh(core_axis_name="c", subcore_axis_name="s")

    @functools.partial(
        pl.kernel,
        out_type=jax.ShapeDtypeStruct((NC, N, F), jnp.float32),
        mesh=mesh,
        scratch_types=[
            pltpu.VMEM((e_per_tile,), jnp.int32),
            pltpu.VMEM((n_chunks, EK), jnp.int32),
            pltpu.VMEM((EK, F), jnp.float32),
            pltpu.VMEM((EK, F), jnp.float32),
            pltpu.VMEM_SHARED((N, F), jnp.float32),
            pltpu.SemaphoreType.DMA,
            pltpu.SemaphoreType.DMA,
        ],
    )
    def agg(h_hbm, src_hbm, dst_hbm, z_hbm, out_hbm,
            sidx, didx, rows0, rows1, accum, sem0, sem1):
        c = lax.axis_index("c")
        s = lax.axis_index("s")
        tid = c * NS + s

        def gather(k, rows, sem):
            pltpu.async_copy(h_hbm.at[sidx.at[pl.ds(k * EK, EK)]], rows, sem)

        def wait(rows, sem):
            pltpu.make_async_copy(h_hbm.at[sidx.at[pl.ds(0, EK)]],
                                  rows, sem).wait()

        def scatter(k, rows):
            pltpu.sync_copy(rows, accum.at[didx.at[k]], add=True)

        pltpu.sync_copy(src_hbm.at[tid], sidx)
        pltpu.sync_copy(dst_hbm.at[tid], didx)
        gather(0, rows0, sem0)

        @pl.when(s < NS - 1)
        def _():
            pltpu.sync_copy(z_hbm, accum.at[pl.ds(s * rpt, rpt)])

        @pl.when(s == NS - 1)
        def _():
            pltpu.sync_copy(z_hbm.at[pl.ds(0, last)],
                            accum.at[pl.ds(s * rpt, last)])

        plsc.subcore_barrier()

        @pl.loop(0, (n_chunks - 1) // 2, unroll=2)
        def _pair(i):
            k = 2 * i
            gather(k + 1, rows1, sem1)
            wait(rows0, sem0)
            scatter(k, rows0)
            gather(k + 2, rows0, sem0)
            wait(rows1, sem1)
            scatter(k + 1, rows1)

        wait(rows0, sem0)
        scatter(n_chunks - 1, rows0)

        plsc.subcore_barrier()

        @pl.when(s < NS - 1)
        def _():
            pltpu.sync_copy(accum.at[pl.ds(s * rpt, rpt)],
                            out_hbm.at[c, pl.ds(s * rpt, rpt)])

        @pl.when(s == NS - 1)
        def _():
            pltpu.sync_copy(accum.at[pl.ds(s * rpt, last)],
                            out_hbm.at[c, pl.ds(s * rpt, last)])

    return agg(h, src2, dst3, zeros)


def _mlp_layer(parts, h, w1, b1, w2, b2, blk=2000):
    N, F = h.shape

    def body(p_ref, h_ref, w1_ref, b1_ref, w2_ref, b2_ref, o_ref):
        z = p_ref[0] + p_ref[1] + h_ref[...]
        t = jnp.dot(z, w1_ref[...], preferred_element_type=jnp.float32)
        t = jnp.maximum(t + b1_ref[...], 0.0)
        o = jnp.dot(t, w2_ref[...], preferred_element_type=jnp.float32)
        o_ref[...] = jnp.maximum(o + b2_ref[...], 0.0)

    return pl.pallas_call(
        body,
        grid=(N // blk,),
        in_specs=[
            pl.BlockSpec((NC, blk, F), lambda i: (0, i, 0)),
            pl.BlockSpec((blk, F), lambda i: (i, 0)),
            pl.BlockSpec((F, F), lambda i: (0, 0)),
            pl.BlockSpec((1, F), lambda i: (0, 0)),
            pl.BlockSpec((F, F), lambda i: (0, 0)),
            pl.BlockSpec((1, F), lambda i: (0, 0)),
        ],
        out_specs=pl.BlockSpec((blk, F), lambda i: (i, 0)),
        out_shape=jax.ShapeDtypeStruct((N, F), jnp.float32),
    )(parts, h, w1, b1, w2, b2)


def _mlp_pool_fc(parts, h, w1, b1, w2, b2, hs, batch3d, wfc, bfc, blk=2000):
    N, F = h.shape
    nblk = N // blk
    Lh = len(hs) + 1
    G = NUM_GRAPHS
    C = wfc.shape[-1]

    def body(b_ref, p_ref, h_ref, w1_ref, b1_ref, w2_ref, b2_ref,
             h1_ref, h2_ref, h3_ref, wfc_ref, bfc_ref, o_ref, acc, cnt):
        i = pl.program_id(0)

        @pl.when(i == 0)
        def _():
            acc[...] = jnp.zeros_like(acc)
            cnt[...] = jnp.zeros_like(cnt)

        z = p_ref[0] + p_ref[1] + h_ref[...]
        t = jnp.dot(z, w1_ref[...], preferred_element_type=jnp.float32)
        t = jnp.maximum(t + b1_ref[...], 0.0)
        h4 = jnp.dot(t, w2_ref[...], preferred_element_type=jnp.float32)
        h4 = jnp.maximum(h4 + b2_ref[...], 0.0)

        b = b_ref[0, 0, :]
        onehot = (b[:, None] == lax.broadcasted_iota(jnp.int32, (blk, G), 1))
        onehot = onehot.astype(jnp.float32)
        dn = (((0,), (0,)), ((), ()))
        for j, hj in enumerate((h1_ref[...], h2_ref[...], h3_ref[...], h4)):
            acc[j] += lax.dot_general(onehot, hj, dn,
                                      preferred_element_type=jnp.float32)
        cnt[...] += lax.dot_general(onehot, jnp.ones((blk, F), jnp.float32), dn,
                                    preferred_element_type=jnp.float32)

        @pl.when(i == nblk - 1)
        def _():
            recip = 1.0 / jnp.maximum(cnt[...], 1.0)
            logits = bfc_ref[...]
            for j in range(Lh):
                logits += jnp.dot(acc[j] * recip, wfc_ref[j],
                                  preferred_element_type=jnp.float32)
            m = jnp.max(logits, axis=-1, keepdims=True)
            ex = jnp.exp(logits - m)
            o_ref[...] = (logits - m) - jnp.log(jnp.sum(ex, axis=-1, keepdims=True))

    in_specs = [
        pl.BlockSpec((1, 1, blk), lambda i: (i, 0, 0)),
        pl.BlockSpec((NC, blk, F), lambda i: (0, i, 0)),
        pl.BlockSpec((blk, F), lambda i: (i, 0)),
        pl.BlockSpec((F, F), lambda i: (0, 0)),
        pl.BlockSpec((1, F), lambda i: (0, 0)),
        pl.BlockSpec((F, F), lambda i: (0, 0)),
        pl.BlockSpec((1, F), lambda i: (0, 0)),
    ]
    in_specs += [pl.BlockSpec((blk, F), lambda i: (i, 0)) for _ in hs]
    in_specs += [
        pl.BlockSpec((Lh, F, C), lambda i: (0, 0, 0)),
        pl.BlockSpec((1, C), lambda i: (0, 0)),
    ]
    return pl.pallas_call(
        body,
        grid=(nblk,),
        in_specs=in_specs,
        out_specs=pl.BlockSpec((G, C), lambda i: (0, 0)),
        out_shape=jax.ShapeDtypeStruct((G, C), jnp.float32),
        scratch_shapes=[
            pltpu.VMEM((Lh, G, F), jnp.float32),
            pltpu.VMEM((G, F), jnp.float32),
        ],
    )(batch3d, parts, h, w1, b1, w2, b2, *hs, wfc, bfc)


def kernel(x, edge_index, batch, W1, b1, W2, b2, Wfc, bfc):
    N, F = x.shape
    L = W1.shape[0]
    C = Wfc.shape[1]
    E = edge_index.shape[1]
    e_per_tile = E // NW
    n_chunks = e_per_tile // EK
    src2 = edge_index[0].reshape(NW, e_per_tile)
    dst3 = edge_index[1].reshape(NW, n_chunks, EK)
    zeros = jnp.zeros((((N + NS - 1) // NS + 7) // 8 * 8, F), jnp.float32)

    h = x
    hs = []
    for i in range(L - 1):
        parts = _sc_aggregate(h, src2, dst3, zeros)
        h = _mlp_layer(parts, h, W1[i], b1[i].reshape(1, F),
                       W2[i], b2[i].reshape(1, F))
        hs.append(h)

    parts = _sc_aggregate(h, src2, dst3, zeros)
    blk = 2000
    batch3d = batch.reshape(N // blk, 1, blk)
    wfc4 = Wfc.reshape(L, F, C)
    return _mlp_pool_fc(parts, h, W1[L - 1], b1[L - 1].reshape(1, F),
                        W2[L - 1], b2[L - 1].reshape(1, F),
                        hs, batch3d, wfc4, bfc.reshape(1, C), blk=blk)

# --- scband reference (transcript-rebuilt; emitter-appended) ---
"""Pipeline reference for scband-gcn-25074019074551 (READ-ONLY COPY).

The authoritative reference and input builder live on the scoring server;
editing this copy changes nothing except your own understanding.
"""

import jax, jax.numpy as jnp
import numpy as np

N, E, F_IN, H, C, L, G = 10000, 320000, 128, 128, 10, 4, 128

def setup_inputs(seed: int = 0):
    key = jax.random.key(seed)
    ks = jax.random.split(key, 10)
    x = jax.random.normal(ks[0], (N, F_IN), dtype=jnp.float32)
    edge_index = jax.random.randint(ks[1], (2, E), 0, N, dtype=jnp.int32)
    batch = jnp.sort(jax.random.randint(ks[2], (N,), 0, G, dtype=jnp.int32))
    s = 1.0 / jnp.sqrt(jnp.float32(H))
    W1 = jax.random.normal(ks[3], (L, F_IN, H), dtype=jnp.float32) * s
    b1 = jnp.zeros((L, H), dtype=jnp.float32)
    W2 = jax.random.normal(ks[4], (L, H, H), dtype=jnp.float32) * s
    b2 = jnp.zeros((L, H), dtype=jnp.float32)
    Wfc = jax.random.normal(ks[5], (H * L, C), dtype=jnp.float32) * (1.0 / jnp.sqrt(jnp.float32(H * L)))
    bfc = jnp.zeros((C,), dtype=jnp.float32)
    return {"x": x, "edge_index": edge_index, "batch": batch, "W1": W1, "b1": b1, "W2": W2, "b2": b2, "Wfc": Wfc, "bfc": bfc}

def reference(x, edge_index, batch, W1, b1, W2, b2, Wfc, bfc):
    # GIN-style conv (train_eps=False -> eps=0): nn(aggr_sum + x), then outer ReLU
    src = edge_index[0]
    dst = edge_index[1]
    h = x
    xs = []
    for i in range(L):
        aggr = jax.ops.segment_sum(h[src], dst, num_segments=N)
        z = aggr + h
        z = jnp.maximum(z @ W1[i] + b1[i], 0.0)
        z = z @ W2[i] + b2[i]
        h = jnp.maximum(z, 0.0)
        xs.append(h)
    hc = jnp.concatenate(xs, axis=1)
    sums = jax.ops.segment_sum(hc, batch, num_segments=G)
    counts = jax.ops.segment_sum(jnp.ones((N, 1), dtype=jnp.float32), batch, num_segments=G)
    pooled = sums / jnp.maximum(counts, 1.0)
    out = pooled @ Wfc + bfc
    return jax.nn.log_softmax(out, axis=-1)

if __name__ == "__main__":
    import jax
    _d = setup_inputs()
    print(jax.jit(kernel)(*tuple(_d.values())))

</pallas_src>

<mosaic_0001>
#map = affine_map<(d0, d1) -> (0, 0)>
#map1 = affine_map<(d0, d1) -> (0, 0, 0)>
module attributes {stable_mosaic.version = 14 : i64} {
  func.func @agg(%arg0: i32, %arg1: i32, %arg2: memref<10000x128xf32, #tpu.memory_space<hbm>>, %arg3: memref<32x10000xi32, #tpu.memory_space<hbm>>, %arg4: memref<32x125x80xi32, #tpu.memory_space<hbm>>, %arg5: memref<632x128xf32, #tpu.memory_space<hbm>>, %arg6: memref<2x10000x128xf32, #tpu.memory_space<hbm>>, %arg7: memref<10000xi32, #tpu.memory_space<vmem>>, %arg8: memref<125x80xi32, #tpu.memory_space<vmem>>, %arg9: memref<80x128xf32, #tpu.memory_space<vmem>>, %arg10: memref<80x128xf32, #tpu.memory_space<vmem>>, %arg11: memref<10000x128xf32, #tpu.memory_space<vmem_shared>>, %arg12: memref<!tpu.dma_semaphore, #tpu.memory_space<semaphore_mem>>, %arg13: memref<!tpu.dma_semaphore, #tpu.memory_space<semaphore_mem>>) attributes {dimension_semantics = [#tpu.dimension_semantics<core_parallel>, #tpu.dimension_semantics<subcore_parallel>], iteration_bounds = array<i64: 2, 16>, scalar_prefetch = 0 : i64, scratch_operands = 7 : i64, tpu.core_type = #tpu.core_type<sc_vector_subcore>, window_params = [{transform_indices = #map}, {transform_indices = #map}, {transform_indices = #map1}, {transform_indices = #map}, {transform_indices = #map1}]} {
    %mul3A = arith.constant 16 : i32
    %mul3A_0 = arith.muli %arg0, %mul3A : i32
    %add3A = arith.addi %mul3A_0, %arg1 : i32
    "tpu.region"() ({
      %run_scoped3A_30 = tpu.sem_alloc : memref<!tpu.dma_semaphore, #tpu.memory_space<semaphore_mem>>
      %dma_start3A_31 = arith.constant 0 : i32
      %dma_start3A_32 = tpu.memref_slice %arg3[%add3A, %dma_start3A_31] : memref<32x10000xi32, #tpu.memory_space<hbm>> -> memref<1x10000xi32, #tpu.memory_space<hbm>>
      %dma_start3A_33 = tpu.memref_squeeze %dma_start3A_32 : memref<1x10000xi32, #tpu.memory_space<hbm>> -> memref<10000xi32, #tpu.memory_space<hbm>>
      %dma_start3A_34 = arith.constant 0 : i32
      %dma_start3A_35 = tpu.memref_slice %arg3[%add3A, %dma_start3A_34] : memref<32x10000xi32, #tpu.memory_space<hbm>> -> memref<1x10000xi32, #tpu.memory_space<hbm>>
      %dma_start3A_36 = tpu.memref_squeeze %dma_start3A_35 : memref<1x10000xi32, #tpu.memory_space<hbm>> -> memref<10000xi32, #tpu.memory_space<hbm>>
      tpu.enqueue_dma source(%dma_start3A_36 : memref<10000xi32, #tpu.memory_space<hbm>>) target(%arg7 : memref<10000xi32, #tpu.memory_space<vmem>>) target_semaphore(%run_scoped3A_30 : memref<!tpu.dma_semaphore, #tpu.memory_space<semaphore_mem>>)
      %dma_wait3A_37 = arith.constant 0 : i32
      %dma_wait3A_38 = tpu.memref_slice %arg3[%add3A, %dma_wait3A_37] : memref<32x10000xi32, #tpu.memory_space<hbm>> -> memref<1x10000xi32, #tpu.memory_space<hbm>>
      %dma_wait3A_39 = tpu.memref_squeeze %dma_wait3A_38 : memref<1x10000xi32, #tpu.memory_space<hbm>> -> memref<10000xi32, #tpu.memory_space<hbm>>
      %dma_wait3A_40 = arith.constant 0 : i32
      %dma_wait3A_41 = tpu.memref_slice %arg3[%add3A, %dma_wait3A_40] : memref<32x10000xi32, #tpu.memory_space<hbm>> -> memref<1x10000xi32, #tpu.memory_space<hbm>>
      %dma_wait3A_42 = tpu.memref_squeeze %dma_wait3A_41 : memref<1x10000xi32, #tpu.memory_space<hbm>> -> memref<10000xi32, #tpu.memory_space<hbm>>
      tpu.wait_dma2 semaphore(%run_scoped3A_30 : memref<!tpu.dma_semaphore, #tpu.memory_space<semaphore_mem>>) src(%dma_wait3A_42 : memref<10000xi32, #tpu.memory_space<hbm>>) dst(%arg7 : memref<10000xi32, #tpu.memory_space<vmem>>)
      tpu.yield
    }) : () -> ()
    "tpu.region"() ({
      %run_scoped3A_30 = tpu.sem_alloc : memref<!tpu.dma_semaphore, #tpu.memory_space<semaphore_mem>>
      %dma_start3A_31 = arith.constant 0 : i32
      %dma_start3A_32 = arith.constant 0 : i32
      %dma_start3A_33 = tpu.memref_slice %arg4[%add3A, %dma_start3A_31, %dma_start3A_32] : memref<32x125x80xi32, #tpu.memory_space<hbm>> -> memref<1x125x80xi32, #tpu.memory_space<hbm>>
      %dma_start3A_34 = tpu.memref_squeeze %dma_start3A_33 : memref<1x125x80xi32, #tpu.memory_space<hbm>> -> memref<125x80xi32, #tpu.memory_space<hbm>>
      %dma_start3A_35 = arith.constant 0 : i32
      %dma_start3A_36 = arith.constant 0 : i32
      %dma_start3A_37 = tpu.memref_slice %arg4[%add3A, %dma_start3A_35, %dma_start3A_36] : memref<32x125x80xi32, #tpu.memory_space<hbm>> -> memref<1x125x80xi32, #tpu.memory_space<hbm>>
      %dma_start3A_38 = tpu.memref_squeeze %dma_start3A_37 : memref<1x125x80xi32, #tpu.memory_space<hbm>> -> memref<125x80xi32, #tpu.memory_space<hbm>>
      tpu.enqueue_dma source(%dma_start3A_38 : memref<125x80xi32, #tpu.memory_space<hbm>>) target(%arg8 : memref<125x80xi32, #tpu.memory_space<vmem>>) target_semaphore(%run_scoped3A_30 : memref<!tpu.dma_semaphore, #tpu.memory_space<semaphore_mem>>)
      %dma_wait3A_39 = arith.constant 0 : i32
      %dma_wait3A_40 = arith.constant 0 : i32
      %dma_wait3A_41 = tpu.memref_slice %arg4[%add3A, %dma_wait3A_39, %dma_wait3A_40] : memref<32x125x80xi32, #tpu.memory_space<hbm>> -> memref<1x125x80xi32, #tpu.memory_space<hbm>>
      %dma_wait3A_42 = tpu.memref_squeeze %dma_wait3A_41 : memref<1x125x80xi32, #tpu.memory_space<hbm>> -> memref<125x80xi32, #tpu.memory_space<hbm>>
      %dma_wait3A_43 = arith.constant 0 : i32
      %dma_wait3A_44 = arith.constant 0 : i32
      %dma_wait3A_45 = tpu.memref_slice %arg4[%add3A, %dma_wait3A_43, %dma_wait3A_44] : memref<32x125x80xi32, #tpu.memory_space<hbm>> -> memref<1x125x80xi32, #tpu.memory_space<hbm>>
      %dma_wait3A_46 = tpu.memref_squeeze %dma_wait3A_45 : memref<1x125x80xi32, #tpu.memory_space<hbm>> -> memref<125x80xi32, #tpu.memory_space<hbm>>
      tpu.wait_dma2 semaphore(%run_scoped3A_30 : memref<!tpu.dma_semaphore, #tpu.memory_space<semaphore_mem>>) src(%dma_wait3A_46 : memref<125x80xi32, #tpu.memory_space<hbm>>) dst(%arg8 : memref<125x80xi32, #tpu.memory_space<vmem>>)
      tpu.yield
    }) : () -> ()
    %dma_start3A = arith.constant 0 : i32
    %dma_start3A_1 = tpu.memref_slice %arg7[%dma_start3A] : memref<10000xi32, #tpu.memory_space<vmem>> -> memref<80xi32, #tpu.memory_space<vmem>>
    %dma_start3A_2 = arith.constant 0 : i32
    %dma_start3A_3 = arith.constant 0 : i32
    %dma_start3A_4 = tpu.memref_slice %arg2[%dma_start3A_2, %dma_start3A_3] : memref<10000x128xf32, #tpu.memory_space<hbm>> -> memref<10000x128xf32, #tpu.memory_space<hbm>>
    tpu.enqueue_indirect_dma source(%dma_start3A_4 : memref<10000x128xf32, #tpu.memory_space<hbm>>) target(%arg9 : memref<80x128xf32, #tpu.memory_space<vmem>>) offsets(%dma_start3A_1 : memref<80xi32, #tpu.memory_space<vmem>>) semaphore(%arg12 : memref<!tpu.dma_semaphore, #tpu.memory_space<semaphore_mem>>)
    %lt3A = arith.constant 15 : i32
    %lt3A_5 = arith.cmpi slt, %arg1, %lt3A : i32
    %convert_element_type3A = arith.extui %lt3A_5 : i1 to i32
    %cond3A = arith.constant 0 : i32
    %cond3A_6 = arith.cmpi ne, %convert_element_type3A, %cond3A : i32
    scf.if %cond3A_6 {
      %mul3A_30 = arith.constant 632 : i32
      %mul3A_31 = arith.muli %arg1, %mul3A_30 : i32
      "tpu.region"() ({
        %run_scoped3A_32 = tpu.sem_alloc : memref<!tpu.dma_semaphore, #tpu.memory_space<semaphore_mem>>
        %dma_start3A_33 = arith.constant 0 : i32
        %dma_start3A_34 = tpu.memref_slice %arg11[%mul3A_31, %dma_start3A_33] : memref<10000x128xf32, #tpu.memory_space<vmem_shared>> -> memref<632x128xf32, #tpu.memory_space<vmem_shared>>
        tpu.enqueue_dma source(%arg5 : memref<632x128xf32, #tpu.memory_space<hbm>>) target(%dma_start3A_34 : memref<632x128xf32, #tpu.memory_space<vmem_shared>>) target_semaphore(%run_scoped3A_32 : memref<!tpu.dma_semaphore, #tpu.memory_space<semaphore_mem>>)
        %dma_wait3A_35 = arith.constant 0 : i32
        %dma_wait3A_36 = tpu.memref_slice %arg11[%mul3A_31, %dma_wait3A_35] : memref<10000x128xf32, #tpu.memory_space<vmem_shared>> -> memref<632x128xf32, #tpu.memory_space<vmem_shared>>
        tpu.wait_dma2 semaphore(%run_scoped3A_32 : memref<!tpu.dma_semaphore, #tpu.memory_space<semaphore_mem>>) src(%arg5 : memref<632x128xf32, #tpu.memory_space<hbm>>) dst(%dma_wait3A_36 : memref<632x128xf32, #tpu.memory_space<vmem_shared>>)
        tpu.yield
      }) : () -> ()
    } else {
    }
    %eq3A = arith.constant 15 : i32
    %eq3A_7 = arith.cmpi eq, %arg1, %eq3A : i32
    %convert_element_type3A_8 = arith.extui %eq3A_7 : i1 to i32
    %cond3A_9 = arith.constant 0 : i32
    %cond3A_10 = arith.cmpi ne, %convert_element_type3A_8, %cond3A_9 : i32
    scf.if %cond3A_10 {
      %mul3A_30 = arith.constant 632 : i32
      %mul3A_31 = arith.muli %arg1, %mul3A_30 : i32
      "tpu.region"() ({
        %run_scoped3A_32 = tpu.sem_alloc : memref<!tpu.dma_semaphore, #tpu.memory_space<semaphore_mem>>
        %dma_start3A_33 = arith.constant 0 : i32
        %dma_start3A_34 = tpu.memref_slice %arg11[%mul3A_31, %dma_start3A_33] : memref<10000x128xf32, #tpu.memory_space<vmem_shared>> -> memref<520x128xf32, #tpu.memory_space<vmem_shared>>
        %dma_start3A_35 = arith.constant 0 : i32
        %dma_start3A_36 = arith.constant 0 : i32
        %dma_start3A_37 = tpu.memref_slice %arg5[%dma_start3A_35, %dma_start3A_36] : memref<632x128xf32, #tpu.memory_space<hbm>> -> memref<520x128xf32, #tpu.memory_space<hbm>>
        tpu.enqueue_dma source(%dma_start3A_37 : memref<520x128xf32, #tpu.memory_space<hbm>>) target(%dma_start3A_34 : memref<520x128xf32, #tpu.memory_space<vmem_shared>>) target_semaphore(%run_scoped3A_32 : memref<!tpu.dma_semaphore, #tpu.memory_space<semaphore_mem>>)
        %dma_wait3A_38 = arith.constant 0 : i32
        %dma_wait3A_39 = tpu.memref_slice %arg11[%mul3A_31, %dma_wait3A_38] : memref<10000x128xf32, #tpu.memory_space<vmem_shared>> -> memref<520x128xf32, #tpu.memory_space<vmem_shared>>
        %dma_wait3A_40 = arith.constant 0 : i32
        %dma_wait3A_41 = arith.constant 0 : i32
        %dma_wait3A_42 = tpu.memref_slice %arg5[%dma_wait3A_40, %dma_wait3A_41] : memref<632x128xf32, #tpu.memory_space<hbm>> -> memref<520x128xf32, #tpu.memory_space<hbm>>
        tpu.wait_dma2 semaphore(%run_scoped3A_32 : memref<!tpu.dma_semaphore, #tpu.memory_space<semaphore_mem>>) src(%dma_wait3A_42 : memref<520x128xf32, #tpu.memory_space<hbm>>) dst(%dma_wait3A_39 : memref<520x128xf32, #tpu.memory_space<vmem_shared>>)
        tpu.yield
      }) : () -> ()
    } else {
    }
    %barrier3A = arith.constant 0 : index
    tpu.barrier barrier_id(%barrier3A)
    %scan3A = arith.constant 0 : i32
    %scan3A_11 = arith.constant 62 : i32
    %scan3A_12 = arith.addi %scan3A, %scan3A_11 : i32
    %scan3A_13 = arith.constant 2 : i32
    scf.for %scan3A_30 = %scan3A to %scan3A_12 step %scan3A_13  : i32 {
      %mul3A_31 = arith.constant 1 : i32
      %mul3A_32 = arith.muli %scan3A_30, %mul3A_31 : i32
      %add3A_33 = arith.constant 0 : i32
      %add3A_34 = arith.addi %add3A_33, %mul3A_32 : i32
      %mul3A_35 = arith.constant 2 : i32
      %mul3A_36 = arith.muli %mul3A_35, %add3A_34 : i32
      %add3A_37 = arith.constant 1 : i32
      %add3A_38 = arith.addi %mul3A_36, %add3A_37 : i32
      %mul3A_39 = arith.constant 80 : i32
      %mul3A_40 = arith.muli %add3A_38, %mul3A_39 : i32
      %dma_start3A_41 = tpu.memref_slice %arg7[%mul3A_40] : memref<10000xi32, #tpu.memory_space<vmem>> -> memref<80xi32, #tpu.memory_space<vmem>>
      %dma_start3A_42 = arith.constant 0 : i32
      %dma_start3A_43 = arith.constant 0 : i32
      %dma_start3A_44 = tpu.memref_slice %arg2[%dma_start3A_42, %dma_start3A_43] : memref<10000x128xf32, #tpu.memory_space<hbm>> -> memref<10000x128xf32, #tpu.memory_space<hbm>>
      tpu.enqueue_indirect_dma source(%dma_start3A_44 : memref<10000x128xf32, #tpu.memory_space<hbm>>) target(%arg10 : memref<80x128xf32, #tpu.memory_space<vmem>>) offsets(%dma_start3A_41 : memref<80xi32, #tpu.memory_space<vmem>>) semaphore(%arg13 : memref<!tpu.dma_semaphore, #tpu.memory_space<semaphore_mem>>)
      %dma_wait3A_45 = arith.constant 0 : i32
      %dma_wait3A_46 = tpu.memref_slice %arg7[%dma_wait3A_45] : memref<10000xi32, #tpu.memory_space<vmem>> -> memref<80xi32, #tpu.memory_space<vmem>>
      %dma_wait3A_47 = arith.constant 0 : i32
      %dma_wait3A_48 = arith.constant 0 : i32
      %dma_wait3A_49 = tpu.memref_slice %arg2[%dma_wait3A_47, %dma_wait3A_48] : memref<10000x128xf32, #tpu.memory_space<hbm>> -> memref<10000x128xf32, #tpu.memory_space<hbm>>
      tpu.wait_indirect_dma semaphore(%arg12 : memref<!tpu.dma_semaphore, #tpu.memory_space<semaphore_mem>>) src(%dma_wait3A_49 : memref<10000x128xf32, #tpu.memory_space<hbm>>) dst(%arg9 : memref<80x128xf32, #tpu.memory_space<vmem>>)
      "tpu.region"() ({
        %run_scoped3A_101 = tpu.sem_alloc : memref<!tpu.dma_semaphore, #tpu.memory_space<semaphore_mem>>
        %dma_start3A_102 = arith.constant 0 : i32
        %dma_start3A_103 = tpu.memref_slice %arg8[%mul3A_36, %dma_start3A_102] : memref<125x80xi32, #tpu.memory_space<vmem>> -> memref<1x80xi32, #tpu.memory_space<vmem>>
        %dma_start3A_104 = tpu.memref_squeeze %dma_start3A_103 : memref<1x80xi32, #tpu.memory_space<vmem>> -> memref<80xi32, #tpu.memory_space<vmem>>
        %dma_start3A_105 = arith.constant 0 : i32
        %dma_start3A_106 = arith.constant 0 : i32
        %dma_start3A_107 = tpu.memref_slice %arg11[%dma_start3A_105, %dma_start3A_106] : memref<10000x128xf32, #tpu.memory_space<vmem_shared>> -> memref<10000x128xf32, #tpu.memory_space<vmem_shared>>
        tpu.enqueue_indirect_dma source(%arg9 : memref<80x128xf32, #tpu.memory_space<vmem>>) target(%dma_start3A_107 : memref<10000x128xf32, #tpu.memory_space<vmem_shared>>) offsets(%dma_start3A_104 : memref<80xi32, #tpu.memory_space<vmem>>) semaphore(%run_scoped3A_101 : memref<!tpu.dma_semaphore, #tpu.memory_space<semaphore_mem>>) {add = true}
        %dma_wait3A_108 = arith.constant 0 : i32
        %dma_wait3A_109 = tpu.memref_slice %arg8[%mul3A_36, %dma_wait3A_108] : memref<125x80xi32, #tpu.memory_space<vmem>> -> memref<1x80xi32, #tpu.memory_space<vmem>>
        %dma_wait3A_110 = tpu.memref_squeeze %dma_wait3A_109 : memref<1x80xi32, #tpu.memory_space<vmem>> -> memref<80xi32, #tpu.memory_space<vmem>>
        %dma_wait3A_111 = arith.constant 0 : i32
        %dma_wait3A_112 = arith.constant 0 : i32
        %dma_wait3A_113 = tpu.memref_slice %arg11[%dma_wait3A_111, %dma_wait3A_112] : memref<10000x128xf32, #tpu.memory_space<vmem_shared>> -> memref<10000x128xf32, #tpu.memory_space<vmem_shared>>
        tpu.wait_indirect_dma semaphore(%run_scoped3A_101 : memref<!tpu.dma_semaphore, #tpu.memory_space<semaphore_mem>>) src(%arg9 : memref<80x128xf32, #tpu.memory_space<vmem>>) dst(%dma_wait3A_113 : memref<10000x128xf32, #tpu.memory_space<vmem_shared>>)
        tpu.yield
      }) : () -> ()
      %add3A_50 = arith.constant 2 : i32
      %add3A_51 = arith.addi %mul3A_36, %add3A_50 : i32
      %mul3A_52 = arith.constant 80 : i32
      %mul3A_53 = arith.muli %add3A_51, %mul3A_52 : i32
      %dma_start3A_54 = tpu.memref_slice %arg7[%mul3A_53] : memref<10000xi32, #tpu.memory_space<vmem>> -> memref<80xi32, #tpu.memory_space<vmem>>
      %dma_start3A_55 = arith.constant 0 : i32
      %dma_start3A_56 = arith.constant 0 : i32
      %dma_start3A_57 = tpu.memref_slice %arg2[%dma_start3A_55, %dma_start3A_56] : memref<10000x128xf32, #tpu.memory_space<hbm>> -> memref<10000x128xf32, #tpu.memory_space<hbm>>
      tpu.enqueue_indirect_dma source(%dma_start3A_57 : memref<10000x128xf32, #tpu.memory_space<hbm>>) target(%arg9 : memref<80x128xf32, #tpu.memory_space<vmem>>) offsets(%dma_start3A_54 : memref<80xi32, #tpu.memory_space<vmem>>) semaphore(%arg12 : memref<!tpu.dma_semaphore, #tpu.memory_space<semaphore_mem>>)
      %dma_wait3A_58 = arith.constant 0 : i32
      %dma_wait3A_59 = tpu.memref_slice %arg7[%dma_wait3A_58] : memref<10000xi32, #tpu.memory_space<vmem>> -> memref<80xi32, #tpu.memory_space<vmem>>
      %dma_wait3A_60 = arith.constant 0 : i32
      %dma_wait3A_61 = arith.constant 0 : i32
      %dma_wait3A_62 = tpu.memref_slice %arg2[%dma_wait3A_60, %dma_wait3A_61] : memref<10000x128xf32, #tpu.memory_space<hbm>> -> memref<10000x128xf32, #tpu.memory_space<hbm>>
      tpu.wait_indirect_dma semaphore(%arg13 : memref<!tpu.dma_semaphore, #tpu.memory_space<semaphore_mem>>) src(%dma_wait3A_62 : memref<10000x128xf32, #tpu.memory_space<hbm>>) dst(%arg10 : memref<80x128xf32, #tpu.memory_space<vmem>>)
      %add3A_63 = arith.constant 1 : i32
      %add3A_64 = arith.addi %mul3A_36, %add3A_63 : i32
      "tpu.region"() ({
        %run_scoped3A_101 = tpu.sem_alloc : memref<!tpu.dma_semaphore, #tpu.memory_space<semaphore_mem>>
        %dma_start3A_102 = arith.constant 0 : i32
        %dma_start3A_103 = tpu.memref_slice %arg8[%add3A_64, %dma_start3A_102] : memref<125x80xi32, #tpu.memory_space<vmem>> -> memref<1x80xi32, #tpu.memory_space<vmem>>
        %dma_start3A_104 = tpu.memref_squeeze %dma_start3A_103 : memref<1x80xi32, #tpu.memory_space<vmem>> -> memref<80xi32, #tpu.memory_space<vmem>>
        %dma_start3A_105 = arith.constant 0 : i32
        %dma_start3A_106 = arith.constant 0 : i32
        %dma_start3A_107 = tpu.memref_slice %arg11[%dma_start3A_105, %dma_start3A_106] : memref<10000x128xf32, #tpu.memory_space<vmem_shared>> -> memref<10000x128xf32, #tpu.memory_space<vmem_shared>>
        tpu.enqueue_indirect_dma source(%arg10 : memref<80x128xf32, #tpu.memory_space<vmem>>) target(%dma_start3A_107 : memref<10000x128xf32, #tpu.memory_space<vmem_shared>>) offsets(%dma_start3A_104 : memref<80xi32, #tpu.memory_space<vmem>>) semaphore(%run_scoped3A_101 : memref<!tpu.dma_semaphore, #tpu.memory_space<semaphore_mem>>) {add = true}
        %dma_wait3A_108 = arith.constant 0 : i32
        %dma_wait3A_109 = tpu.memref_slice %arg8[%add3A_64, %dma_wait3A_108] : memref<125x80xi32, #tpu.memory_space<vmem>> -> memref<1x80xi32, #tpu.memory_space<vmem>>
        %dma_wait3A_110 = tpu.memref_squeeze %dma_wait3A_109 : memref<1x80xi32, #tpu.memory_space<vmem>> -> memref<80xi32, #tpu.memory_space<vmem>>
        %dma_wait3A_111 = arith.constant 0 : i32
        %dma_wait3A_112 = arith.constant 0 : i32
        %dma_wait3A_113 = tpu.memref_slice %arg11[%dma_wait3A_111, %dma_wait3A_112] : memref<10000x128xf32, #tpu.memory_space<vmem_shared>> -> memref<10000x128xf32, #tpu.memory_space<vmem_shared>>
        tpu.wait_indirect_dma semaphore(%run_scoped3A_101 : memref<!tpu.dma_semaphore, #tpu.memory_space<semaphore_mem>>) src(%arg10 : memref<80x128xf32, #tpu.memory_space<vmem>>) dst(%dma_wait3A_113 : memref<10000x128xf32, #tpu.memory_space<vmem_shared>>)
        tpu.yield
      }) : () -> ()
      %scan3A_65 = arith.constant 1 : i32
      %scan3A_66 = arith.addi %scan3A_30, %scan3A_65 : i32
      %mul3A_67 = arith.constant 1 : i32
      %mul3A_68 = arith.muli %scan3A_66, %mul3A_67 : i32
      %add3A_69 = arith.constant 0 : i32
      %add3A_70 = arith.addi %add3A_69, %mul3A_68 : i32
      %mul3A_71 = arith.constant 2 : i32
      %mul3A_72 = arith.muli %mul3A_71, %add3A_70 : i32
      %add3A_73 = arith.constant 1 : i32
      %add3A_74 = arith.addi %mul3A_72, %add3A_73 : i32
      %mul3A_75 = arith.constant 80 : i32
      %mul3A_76 = arith.muli %add3A_74, %mul3A_75 : i32
      %dma_start3A_77 = tpu.memref_slice %arg7[%mul3A_76] : memref<10000xi32, #tpu.memory_space<vmem>> -> memref<80xi32, #tpu.memory_space<vmem>>
      %dma_start3A_78 = arith.constant 0 : i32
      %dma_start3A_79 = arith.constant 0 : i32
      %dma_start3A_80 = tpu.memref_slice %arg2[%dma_start3A_78, %dma_start3A_79] : memref<10000x128xf32, #tpu.memory_space<hbm>> -> memref<10000x128xf32, #tpu.memory_space<hbm>>
      tpu.enqueue_indirect_dma source(%dma_start3A_80 : memref<10000x128xf32, #tpu.memory_space<hbm>>) target(%arg10 : memref<80x128xf32, #tpu.memory_space<vmem>>) offsets(%dma_start3A_77 : memref<80xi32, #tpu.memory_space<vmem>>) semaphore(%arg13 : memref<!tpu.dma_semaphore, #tpu.memory_space<semaphore_mem>>)
      %dma_wait3A_81 = arith.constant 0 : i32
      %dma_wait3A_82 = tpu.memref_slice %arg7[%dma_wait3A_81] : memref<10000xi32, #tpu.memory_space<vmem>> -> memref<80xi32, #tpu.memory_space<vmem>>
      %dma_wait3A_83 = arith.constant 0 : i32
      %dma_wait3A_84 = arith.constant 0 : i32
      %dma_wait3A_85 = tpu.memref_slice %arg2[%dma_wait3A_83, %dma_wait3A_84] : memref<10000x128xf32, #tpu.memory_space<hbm>> -> memref<10000x128xf32, #tpu.memory_space<hbm>>
      tpu.wait_indirect_dma semaphore(%arg12 : memref<!tpu.dma_semaphore, #tpu.memory_space<semaphore_mem>>) src(%dma_wait3A_85 : memref<10000x128xf32, #tpu.memory_space<hbm>>) dst(%arg9 : memref<80x128xf32, #tpu.memory_space<vmem>>)
      "tpu.region"() ({
        %run_scoped3A_101 = tpu.sem_alloc : memref<!tpu.dma_semaphore, #tpu.memory_space<semaphore_mem>>
        %dma_start3A_102 = arith.constant 0 : i32
        %dma_start3A_103 = tpu.memref_slice %arg8[%mul3A_72, %dma_start3A_102] : memref<125x80xi32, #tpu.memory_space<vmem>> -> memref<1x80xi32, #tpu.memory_space<vmem>>
        %dma_start3A_104 = tpu.memref_squeeze %dma_start3A_103 : memref<1x80xi32, #tpu.memory_space<vmem>> -> memref<80xi32, #tpu.memory_space<vmem>>
        %dma_start3A_105 = arith.constant 0 : i32
        %dma_start3A_106 = arith.constant 0 : i32
        %dma_start3A_107 = tpu.memref_slice %arg11[%dma_start3A_105, %dma_start3A_106] : memref<10000x128xf32, #tpu.memory_space<vmem_shared>> -> memref<10000x128xf32, #tpu.memory_space<vmem_shared>>
        tpu.enqueue_indirect_dma source(%arg9 : memref<80x128xf32, #tpu.memory_space<vmem>>) target(%dma_start3A_107 : memref<10000x128xf32, #tpu.memory_space<vmem_shared>>) offsets(%dma_start3A_104 : memref<80xi32, #tpu.memory_space<vmem>>) semaphore(%run_scoped3A_101 : memref<!tpu.dma_semaphore, #tpu.memory_space<semaphore_mem>>) {add = true}
        %dma_wait3A_108 = arith.constant 0 : i32
        %dma_wait3A_109 = tpu.memref_slice %arg8[%mul3A_72, %dma_wait3A_108] : memref<125x80xi32, #tpu.memory_space<vmem>> -> memref<1x80xi32, #tpu.memory_space<vmem>>
        %dma_wait3A_110 = tpu.memref_squeeze %dma_wait3A_109 : memref<1x80xi32, #tpu.memory_space<vmem>> -> memref<80xi32, #tpu.memory_space<vmem>>
        %dma_wait3A_111 = arith.constant 0 : i32
        %dma_wait3A_112 = arith.constant 0 : i32
        %dma_wait3A_113 = tpu.memref_slice %arg11[%dma_wait3A_111, %dma_wait3A_112] : memref<10000x128xf32, #tpu.memory_space<vmem_shared>> -> memref<10000x128xf32, #tpu.memory_space<vmem_shared>>
        tpu.wait_indirect_dma semaphore(%run_scoped3A_101 : memref<!tpu.dma_semaphore, #tpu.memory_space<semaphore_mem>>) src(%arg9 : memref<80x128xf32, #tpu.memory_space<vmem>>) dst(%dma_wait3A_113 : memref<10000x128xf32, #tpu.memory_space<vmem_shared>>)
        tpu.yield
      }) : () -> ()
      %add3A_86 = arith.constant 2 : i32
      %add3A_87 = arith.addi %mul3A_72, %add3A_86 : i32
      %mul3A_88 = arith.constant 80 : i32
      %mul3A_89 = arith.muli %add3A_87, %mul3A_88 : i32
      %dma_start3A_90 = tpu.memref_slice %arg7[%mul3A_89] : memref<10000xi32, #tpu.memory_space<vmem>> -> memref<80xi32, #tpu.memory_space<vmem>>
      %dma_start3A_91 = arith.constant 0 : i32
      %dma_start3A_92 = arith.constant 0 : i32
      %dma_start3A_93 = tpu.memref_slice %arg2[%dma_start3A_91, %dma_start3A_92] : memref<10000x128xf32, #tpu.memory_space<hbm>> -> memref<10000x128xf32, #tpu.memory_space<hbm>>
      tpu.enqueue_indirect_dma source(%dma_start3A_93 : memref<10000x128xf32, #tpu.memory_space<hbm>>) target(%arg9 : memref<80x128xf32, #tpu.memory_space<vmem>>) offsets(%dma_start3A_90 : memref<80xi32, #tpu.memory_space<vmem>>) semaphore(%arg12 : memref<!tpu.dma_semaphore, #tpu.memory_space<semaphore_mem>>)
      %dma_wait3A_94 = arith.constant 0 : i32
      %dma_wait3A_95 = tpu.memref_slice %arg7[%dma_wait3A_94] : memref<10000xi32, #tpu.memory_space<vmem>> -> memref<80xi32, #tpu.memory_space<vmem>>
      %dma_wait3A_96 = arith.constant 0 : i32
      %dma_wait3A_97 = arith.constant 0 : i32
      %dma_wait3A_98 = tpu.memref_slice %arg2[%dma_wait3A_96, %dma_wait3A_97] : memref<10000x128xf32, #tpu.memory_space<hbm>> -> memref<10000x128xf32, #tpu.memory_space<hbm>>
      tpu.wait_indirect_dma semaphore(%arg13 : memref<!tpu.dma_semaphore, #tpu.memory_space<semaphore_mem>>) src(%dma_wait3A_98 : memref<10000x128xf32, #tpu.memory_space<hbm>>) dst(%arg10 : memref<80x128xf32, #tpu.memory_space<vmem>>)
      %add3A_99 = arith.constant 1 : i32
      %add3A_100 = arith.addi %mul3A_72, %add3A_99 : i32
      "tpu.region"() ({
        %run_scoped3A_101 = tpu.sem_alloc : memref<!tpu.dma_semaphore, #tpu.memory_space<semaphore_mem>>
        %dma_start3A_102 = arith.constant 0 : i32
        %dma_start3A_103 = tpu.memref_slice %arg8[%add3A_100, %dma_start3A_102] : memref<125x80xi32, #tpu.memory_space<vmem>> -> memref<1x80xi32, #tpu.memory_space<vmem>>
        %dma_start3A_104 = tpu.memref_squeeze %dma_start3A_103 : memref<1x80xi32, #tpu.memory_space<vmem>> -> memref<80xi32, #tpu.memory_space<vmem>>
        %dma_start3A_105 = arith.constant 0 : i32
        %dma_start3A_106 = arith.constant 0 : i32
        %dma_start3A_107 = tpu.memref_slice %arg11[%dma_start3A_105, %dma_start3A_106] : memref<10000x128xf32, #tpu.memory_space<vmem_shared>> -> memref<10000x128xf32, #tpu.memory_space<vmem_shared>>
        tpu.enqueue_indirect_dma source(%arg10 : memref<80x128xf32, #tpu.memory_space<vmem>>) target(%dma_start3A_107 : memref<10000x128xf32, #tpu.memory_space<vmem_shared>>) offsets(%dma_start3A_104 : memref<80xi32, #tpu.memory_space<vmem>>) semaphore(%run_scoped3A_101 : memref<!tpu.dma_semaphore, #tpu.memory_space<semaphore_mem>>) {add = true}
        %dma_wait3A_108 = arith.constant 0 : i32
        %dma_wait3A_109 = tpu.memref_slice %arg8[%add3A_100, %dma_wait3A_108] : memref<125x80xi32, #tpu.memory_space<vmem>> -> memref<1x80xi32, #tpu.memory_space<vmem>>
        %dma_wait3A_110 = tpu.memref_squeeze %dma_wait3A_109 : memref<1x80xi32, #tpu.memory_space<vmem>> -> memref<80xi32, #tpu.memory_space<vmem>>
        %dma_wait3A_111 = arith.constant 0 : i32
        %dma_wait3A_112 = arith.constant 0 : i32
        %dma_wait3A_113 = tpu.memref_slice %arg11[%dma_wait3A_111, %dma_wait3A_112] : memref<10000x128xf32, #tpu.memory_space<vmem_shared>> -> memref<10000x128xf32, #tpu.memory_space<vmem_shared>>
        tpu.wait_indirect_dma semaphore(%run_scoped3A_101 : memref<!tpu.dma_semaphore, #tpu.memory_space<semaphore_mem>>) src(%arg10 : memref<80x128xf32, #tpu.memory_space<vmem>>) dst(%dma_wait3A_113 : memref<10000x128xf32, #tpu.memory_space<vmem_shared>>)
        tpu.yield
      }) : () -> ()
    }
    %scan3A_14 = arith.constant 62 : i32
    %dma_wait3A = arith.constant 0 : i32
    %dma_wait3A_15 = tpu.memref_slice %arg7[%dma_wait3A] : memref<10000xi32, #tpu.memory_space<vmem>> -> memref<80xi32, #tpu.memory_space<vmem>>
    %dma_wait3A_16 = arith.constant 0 : i32
    %dma_wait3A_17 = arith.constant 0 : i32
    %dma_wait3A_18 = tpu.memref_slice %arg2[%dma_wait3A_16, %dma_wait3A_17] : memref<10000x128xf32, #tpu.memory_space<hbm>> -> memref<10000x128xf32, #tpu.memory_space<hbm>>
    tpu.wait_indirect_dma semaphore(%arg12 : memref<!tpu.dma_semaphore, #tpu.memory_space<semaphore_mem>>) src(%dma_wait3A_18 : memref<10000x128xf32, #tpu.memory_space<hbm>>) dst(%arg9 : memref<80x128xf32, #tpu.memory_space<vmem>>)
    %run_scoped3A = arith.constant 124 : i32
    "tpu.region"() ({
      %run_scoped3A_30 = tpu.sem_alloc : memref<!tpu.dma_semaphore, #tpu.memory_space<semaphore_mem>>
      %dma_start3A_31 = arith.constant 0 : i32
      %dma_start3A_32 = tpu.memref_slice %arg8[%run_scoped3A, %dma_start3A_31] : memref<125x80xi32, #tpu.memory_space<vmem>> -> memref<1x80xi32, #tpu.memory_space<vmem>>
      %dma_start3A_33 = tpu.memref_squeeze %dma_start3A_32 : memref<1x80xi32, #tpu.memory_space<vmem>> -> memref<80xi32, #tpu.memory_space<vmem>>
      %dma_start3A_34 = arith.constant 0 : i32
      %dma_start3A_35 = arith.constant 0 : i32
      %dma_start3A_36 = tpu.memref_slice %arg11[%dma_start3A_34, %dma_start3A_35] : memref<10000x128xf32, #tpu.memory_space<vmem_shared>> -> memref<10000x128xf32, #tpu.memory_space<vmem_shared>>
      tpu.enqueue_indirect_dma source(%arg9 : memref<80x128xf32, #tpu.memory_space<vmem>>) target(%dma_start3A_36 : memref<10000x128xf32, #tpu.memory_space<vmem_shared>>) offsets(%dma_start3A_33 : memref<80xi32, #tpu.memory_space<vmem>>) semaphore(%run_scoped3A_30 : memref<!tpu.dma_semaphore, #tpu.memory_space<semaphore_mem>>) {add = true}
      %dma_wait3A_37 = arith.constant 0 : i32
      %dma_wait3A_38 = tpu.memref_slice %arg8[%run_scoped3A, %dma_wait3A_37] : memref<125x80xi32, #tpu.memory_space<vmem>> -> memref<1x80xi32, #tpu.memory_space<vmem>>
      %dma_wait3A_39 = tpu.memref_squeeze %dma_wait3A_38 : memref<1x80xi32, #tpu.memory_space<vmem>> -> memref<80xi32, #tpu.memory_space<vmem>>
      %dma_wait3A_40 = arith.constant 0 : i32
      %dma_wait3A_41 = arith.constant 0 : i32
      %dma_wait3A_42 = tpu.memref_slice %arg11[%dma_wait3A_40, %dma_wait3A_41] : memref<10000x128xf32, #tpu.memory_space<vmem_shared>> -> memref<10000x128xf32, #tpu.memory_space<vmem_shared>>
      tpu.wait_indirect_dma semaphore(%run_scoped3A_30 : memref<!tpu.dma_semaphore, #tpu.memory_space<semaphore_mem>>) src(%arg9 : memref<80x128xf32, #tpu.memory_space<vmem>>) dst(%dma_wait3A_42 : memref<10000x128xf32, #tpu.memory_space<vmem_shared>>)
      tpu.yield
    }) : () -> ()
    %barrier3A_19 = arith.constant 0 : index
    tpu.barrier barrier_id(%barrier3A_19)
    %lt3A_20 = arith.constant 15 : i32
    %lt3A_21 = arith.cmpi slt, %arg1, %lt3A_20 : i32
    %convert_element_type3A_22 = arith.extui %lt3A_21 : i1 to i32
    %cond3A_23 = arith.constant 0 : i32
    %cond3A_24 = arith.cmpi ne, %convert_element_type3A_22, %cond3A_23 : i32
    scf.if %cond3A_24 {
      %mul3A_30 = arith.constant 632 : i32
      %mul3A_31 = arith.muli %arg1, %mul3A_30 : i32
      %mul3A_32 = arith.constant 632 : i32
      %mul3A_33 = arith.muli %arg1, %mul3A_32 : i32
      "tpu.region"() ({
        %run_scoped3A_34 = tpu.sem_alloc : memref<!tpu.dma_semaphore, #tpu.memory_space<semaphore_mem>>
        %dma_start3A_35 = arith.constant 0 : i32
        %dma_start3A_36 = tpu.memref_slice %arg6[%arg0, %mul3A_33, %dma_start3A_35] : memref<2x10000x128xf32, #tpu.memory_space<hbm>> -> memref<1x632x128xf32, #tpu.memory_space<hbm>>
        %dma_start3A_37 = tpu.memref_squeeze %dma_start3A_36 : memref<1x632x128xf32, #tpu.memory_space<hbm>> -> memref<632x128xf32, #tpu.memory_space<hbm>>
        %dma_start3A_38 = arith.constant 0 : i32
        %dma_start3A_39 = tpu.memref_slice %arg11[%mul3A_31, %dma_start3A_38] : memref<10000x128xf32, #tpu.memory_space<vmem_shared>> -> memref<632x128xf32, #tpu.memory_space<vmem_shared>>
        tpu.enqueue_dma source(%dma_start3A_39 : memref<632x128xf32, #tpu.memory_space<vmem_shared>>) target(%dma_start3A_37 : memref<632x128xf32, #tpu.memory_space<hbm>>) target_semaphore(%run_scoped3A_34 : memref<!tpu.dma_semaphore, #tpu.memory_space<semaphore_mem>>)
        %dma_wait3A_40 = arith.constant 0 : i32
        %dma_wait3A_41 = tpu.memref_slice %arg6[%arg0, %mul3A_33, %dma_wait3A_40] : memref<2x10000x128xf32, #tpu.memory_space<hbm>> -> memref<1x632x128xf32, #tpu.memory_space<hbm>>
        %dma_wait3A_42 = tpu.memref_squeeze %dma_wait3A_41 : memref<1x632x128xf32, #tpu.memory_space<hbm>> -> memref<632x128xf32, #tpu.memory_space<hbm>>
        %dma_wait3A_43 = arith.constant 0 : i32
        %dma_wait3A_44 = tpu.memref_slice %arg11[%mul3A_31, %dma_wait3A_43] : memref<10000x128xf32, #tpu.memory_space<vmem_shared>> -> memref<632x128xf32, #tpu.memory_space<vmem_shared>>
        tpu.wait_dma2 semaphore(%run_scoped3A_34 : memref<!tpu.dma_semaphore, #tpu.memory_space<semaphore_mem>>) src(%dma_wait3A_44 : memref<632x128xf32, #tpu.memory_space<vmem_shared>>) dst(%dma_wait3A_42 : memref<632x128xf32, #tpu.memory_space<hbm>>)
        tpu.yield
      }) : () -> ()
    } else {
    }
    %eq3A_25 = arith.constant 15 : i32
    %eq3A_26 = arith.cmpi eq, %arg1, %eq3A_25 : i32
    %convert_element_type3A_27 = arith.extui %eq3A_26 : i1 to i32
    %cond3A_28 = arith.constant 0 : i32
    %cond3A_29 = arith.cmpi ne, %convert_element_type3A_27, %cond3A_28 : i32
    scf.if %cond3A_29 {
      %mul3A_30 = arith.constant 632 : i32
      %mul3A_31 = arith.muli %arg1, %mul3A_30 : i32
      %mul3A_32 = arith.constant 632 : i32
      %mul3A_33 = arith.muli %arg1, %mul3A_32 : i32
      "tpu.region"() ({
        %run_scoped3A_34 = tpu.sem_alloc : memref<!tpu.dma_semaphore, #tpu.memory_space<semaphore_mem>>
        %dma_start3A_35 = arith.constant 0 : i32
        %dma_start3A_36 = tpu.memref_slice %arg6[%arg0, %mul3A_33, %dma_start3A_35] : memref<2x10000x128xf32, #tpu.memory_space<hbm>> -> memref<1x520x128xf32, #tpu.memory_space<hbm>>
        %dma_start3A_37 = tpu.memref_squeeze %dma_start3A_36 : memref<1x520x128xf32, #tpu.memory_space<hbm>> -> memref<520x128xf32, #tpu.memory_space<hbm>>
        %dma_start3A_38 = arith.constant 0 : i32
        %dma_start3A_39 = tpu.memref_slice %arg11[%mul3A_31, %dma_start3A_38] : memref<10000x128xf32, #tpu.memory_space<vmem_shared>> -> memref<520x128xf32, #tpu.memory_space<vmem_shared>>
        tpu.enqueue_dma source(%dma_start3A_39 : memref<520x128xf32, #tpu.memory_space<vmem_shared>>) target(%dma_start3A_37 : memref<520x128xf32, #tpu.memory_space<hbm>>) target_semaphore(%run_scoped3A_34 : memref<!tpu.dma_semaphore, #tpu.memory_space<semaphore_mem>>)
        %dma_wait3A_40 = arith.constant 0 : i32
        %dma_wait3A_41 = tpu.memref_slice %arg6[%arg0, %mul3A_33, %dma_wait3A_40] : memref<2x10000x128xf32, #tpu.memory_space<hbm>> -> memref<1x520x128xf32, #tpu.memory_space<hbm>>
        %dma_wait3A_42 = tpu.memref_squeeze %dma_wait3A_41 : memref<1x520x128xf32, #tpu.memory_space<hbm>> -> memref<520x128xf32, #tpu.memory_space<hbm>>
        %dma_wait3A_43 = arith.constant 0 : i32
        %dma_wait3A_44 = tpu.memref_slice %arg11[%mul3A_31, %dma_wait3A_43] : memref<10000x128xf32, #tpu.memory_space<vmem_shared>> -> memref<520x128xf32, #tpu.memory_space<vmem_shared>>
        tpu.wait_dma2 semaphore(%run_scoped3A_34 : memref<!tpu.dma_semaphore, #tpu.memory_space<semaphore_mem>>) src(%dma_wait3A_44 : memref<520x128xf32, #tpu.memory_space<vmem_shared>>) dst(%dma_wait3A_42 : memref<520x128xf32, #tpu.memory_space<hbm>>)
        tpu.yield
      }) : () -> ()
    } else {
    }
    return
  }
}

#map = affine_map<(d0, d1) -> (0, 0)>
#map1 = affine_map<(d0, d1) -> (0, 0, 0)>
module attributes {stable_mosaic.version = 14 : i64} {
  func.func @agg(%arg0: i32, %arg1: i32, %arg2: memref<10000x128xf32, #tpu.memory_space<hbm>>, %arg3: memref<32x10000xi32, #tpu.memory_space<hbm>>, %arg4: memref<32x125x80xi32, #tpu.memory_space<hbm>>, %arg5: memref<632x128xf32, #tpu.memory_space<hbm>>, %arg6: memref<2x10000x128xf32, #tpu.memory_space<hbm>>, %arg7: memref<10000xi32, #tpu.memory_space<vmem>>, %arg8: memref<125x80xi32, #tpu.memory_space<vmem>>, %arg9: memref<80x128xf32, #tpu.memory_space<vmem>>, %arg10: memref<80x128xf32, #tpu.memory_space<vmem>>, %arg11: memref<10000x128xf32, #tpu.memory_space<vmem_shared>>, %arg12: memref<!tpu.dma_semaphore, #tpu.memory_space<semaphore_mem>>, %arg13: memref<!tpu.dma_semaphore, #tpu.memory_space<semaphore_mem>>) attributes {dimension_semantics = [#tpu.dimension_semantics<core_parallel>, #tpu.dimension_semantics<subcore_parallel>], iteration_bounds = array<i64: 2, 16>, scalar_prefetch = 0 : i64, scratch_operands = 7 : i64, tpu.core_type = #tpu.core_type<sc_vector_subcore>, window_params = [{transform_indices = #map}, {transform_indices = #map}, {transform_indices = #map1}, {transform_indices = #map}, {transform_indices = #map1}]} {
    %mul3A = arith.constant 16 : i32
    %mul3A_0 = arith.muli %arg0, %mul3A : i32
    %add3A = arith.addi %mul3A_0, %arg1 : i32
    "tpu.region"() ({
      %run_scoped3A_30 = tpu.sem_alloc : memref<!tpu.dma_semaphore, #tpu.memory_space<semaphore_mem>>
      %dma_start3A_31 = arith.constant 0 : i32
      %dma_start3A_32 = tpu.memref_slice %arg3[%add3A, %dma_start3A_31] : memref<32x10000xi32, #tpu.memory_space<hbm>> -> memref<1x10000xi32, #tpu.memory_space<hbm>>
      %dma_start3A_33 = tpu.memref_squeeze %dma_start3A_32 : memref<1x10000xi32, #tpu.memory_space<hbm>> -> memref<10000xi32, #tpu.memory_space<hbm>>
      %dma_start3A_34 = arith.constant 0 : i32
      %dma_start3A_35 = tpu.memref_slice %arg3[%add3A, %dma_start3A_34] : memref<32x10000xi32, #tpu.memory_space<hbm>> -> memref<1x10000xi32, #tpu.memory_space<hbm>>
      %dma_start3A_36 = tpu.memref_squeeze %dma_start3A_35 : memref<1x10000xi32, #tpu.memory_space<hbm>> -> memref<10000xi32, #tpu.memory_space<hbm>>
      tpu.enqueue_dma source(%dma_start3A_36 : memref<10000xi32, #tpu.memory_space<hbm>>) target(%arg7 : memref<10000xi32, #tpu.memory_space<vmem>>) target_semaphore(%run_scoped3A_30 : memref<!tpu.dma_semaphore, #tpu.memory_space<semaphore_mem>>)
      %dma_wait3A_37 = arith.constant 0 : i32
      %dma_wait3A_38 = tpu.memref_slice %arg3[%add3A, %dma_wait3A_37] : memref<32x10000xi32, #tpu.memory_space<hbm>> -> memref<1x10000xi32, #tpu.memory_space<hbm>>
      %dma_wait3A_39 = tpu.memref_squeeze %dma_wait3A_38 : memref<1x10000xi32, #tpu.memory_space<hbm>> -> memref<10000xi32, #tpu.memory_space<hbm>>
      %dma_wait3A_40 = arith.constant 0 : i32
      %dma_wait3A_41 = tpu.memref_slice %arg3[%add3A, %dma_wait3A_40] : memref<32x10000xi32, #tpu.memory_space<hbm>> -> memref<1x10000xi32, #tpu.memory_space<hbm>>
      %dma_wait3A_42 = tpu.memref_squeeze %dma_wait3A_41 : memref<1x10000xi32, #tpu.memory_space<hbm>> -> memref<10000xi32, #tpu.memory_space<hbm>>
      tpu.wait_dma2 semaphore(%run_scoped3A_30 : memref<!tpu.dma_semaphore, #tpu.memory_space<semaphore_mem>>) src(%dma_wait3A_42 : memref<10000xi32, #tpu.memory_space<hbm>>) dst(%arg7 : memref<10000xi32, #tpu.memory_space<vmem>>)
      tpu.yield
    }) : () -> ()
    "tpu.region"() ({
      %run_scoped3A_30 = tpu.sem_alloc : memref<!tpu.dma_semaphore, #tpu.memory_space<semaphore_mem>>
      %dma_start3A_31 = arith.constant 0 : i32
      %dma_start3A_32 = arith.constant 0 : i32
      %dma_start3A_33 = tpu.memref_slice %arg4[%add3A, %dma_start3A_31, %dma_start3A_32] : memref<32x125x80xi32, #tpu.memory_space<hbm>> -> memref<1x125x80xi32, #tpu.memory_space<hbm>>
      %dma_start3A_34 = tpu.memref_squeeze %dma_start3A_33 : memref<1x125x80xi32, #tpu.memory_space<hbm>> -> memref<125x80xi32, #tpu.memory_space<hbm>>
      %dma_start3A_35 = arith.constant 0 : i32
      %dma_start3A_36 = arith.constant 0 : i32
      %dma_start3A_37 = tpu.memref_slice %arg4[%add3A, %dma_start3A_35, %dma_start3A_36] : memref<32x125x80xi32, #tpu.memory_space<hbm>> -> memref<1x125x80xi32, #tpu.memory_space<hbm>>
      %dma_start3A_38 = tpu.memref_squeeze %dma_start3A_37 : memref<1x125x80xi32, #tpu.memory_space<hbm>> -> memref<125x80xi32, #tpu.memory_space<hbm>>
      tpu.enqueue_dma source(%dma_start3A_38 : memref<125x80xi32, #tpu.memory_space<hbm>>) target(%arg8 : memref<125x80xi32, #tpu.memory_space<vmem>>) target_semaphore(%run_scoped3A_30 : memref<!tpu.dma_semaphore, #tpu.memory_space<semaphore_mem>>)
      %dma_wait3A_39 = arith.constant 0 : i32
      %dma_wait3A_40 = arith.constant 0 : i32
      %dma_wait3A_41 = tpu.memref_slice %arg4[%add3A, %dma_wait3A_39, %dma_wait3A_40] : memref<32x125x80xi32, #tpu.memory_space<hbm>> -> memref<1x125x80xi32, #tpu.memory_space<hbm>>
      %dma_wait3A_42 = tpu.memref_squeeze %dma_wait3A_41 : memref<1x125x80xi32, #tpu.memory_space<hbm>> -> memref<125x80xi32, #tpu.memory_space<hbm>>
      %dma_wait3A_43 = arith.constant 0 : i32
      %dma_wait3A_44 = arith.constant 0 : i32
      %dma_wait3A_45 = tpu.memref_slice %arg4[%add3A, %dma_wait3A_43, %dma_wait3A_44] : memref<32x125x80xi32, #tpu.memory_space<hbm>> -> memref<1x125x80xi32, #tpu.memory_space<hbm>>
      %dma_wait3A_46 = tpu.memref_squeeze %dma_wait3A_45 : memref<1x125x80xi32, #tpu.memory_space<hbm>> -> memref<125x80xi32, #tpu.memory_space<hbm>>
      tpu.wait_dma2 semaphore(%run_scoped3A_30 : memref<!tpu.dma_semaphore, #tpu.memory_space<semaphore_mem>>) src(%dma_wait3A_46 : memref<125x80xi32, #tpu.memory_space<hbm>>) dst(%arg8 : memref<125x80xi32, #tpu.memory_space<vmem>>)
      tpu.yield
    }) : () -> ()
    %dma_start3A = arith.constant 0 : i32
    %dma_start3A_1 = tpu.memref_slice %arg7[%dma_start3A] : memref<10000xi32, #tpu.memory_space<vmem>> -> memref<80xi32, #tpu.memory_space<vmem>>
    %dma_start3A_2 = arith.constant 0 : i32
    %dma_start3A_3 = arith.constant 0 : i32
    %dma_start3A_4 = tpu.memref_slice %arg2[%dma_start3A_2, %dma_start3A_3] : memref<10000x128xf32, #tpu.memory_space<hbm>> -> memref<10000x128xf32, #tpu.memory_space<hbm>>
    tpu.enqueue_indirect_dma source(%dma_start3A_4 : memref<10000x128xf32, #tpu.memory_space<hbm>>) target(%arg9 : memref<80x128xf32, #tpu.memory_space<vmem>>) offsets(%dma_start3A_1 : memref<80xi32, #tpu.memory_space<vmem>>) semaphore(%arg12 : memref<!tpu.dma_semaphore, #tpu.memory_space<semaphore_mem>>)
    %lt3A = arith.constant 15 : i32
    %lt3A_5 = arith.cmpi slt, %arg1, %lt3A : i32
    %convert_element_type3A = arith.extui %lt3A_5 : i1 to i32
    %cond3A = arith.constant 0 : i32
    %cond3A_6 = arith.cmpi ne, %convert_element_type3A, %cond3A : i32
    scf.if %cond3A_6 {
      %mul3A_30 = arith.constant 632 : i32
      %mul3A_31 = arith.muli %arg1, %mul3A_30 : i32
      "tpu.region"() ({
        %run_scoped3A_32 = tpu.sem_alloc : memref<!tpu.dma_semaphore, #tpu.memory_space<semaphore_mem>>
        %dma_start3A_33 = arith.constant 0 : i32
        %dma_start3A_34 = tpu.memref_slice %arg11[%mul3A_31, %dma_start3A_33] : memref<10000x128xf32, #tpu.memory_space<vmem_shared>> -> memref<632x128xf32, #tpu.memory_space<vmem_shared>>
        tpu.enqueue_dma source(%arg5 : memref<632x128xf32, #tpu.memory_space<hbm>>) target(%dma_start3A_34 : memref<632x128xf32, #tpu.memory_space<vmem_shared>>) target_semaphore(%run_scoped3A_32 : memref<!tpu.dma_semaphore, #tpu.memory_space<semaphore_mem>>)
        %dma_wait3A_35 = arith.constant 0 : i32
        %dma_wait3A_36 = tpu.memref_slice %arg11[%mul3A_31, %dma_wait3A_35] : memref<10000x128xf32, #tpu.memory_space<vmem_shared>> -> memref<632x128xf32, #tpu.memory_space<vmem_shared>>
        tpu.wait_dma2 semaphore(%run_scoped3A_32 : memref<!tpu.dma_semaphore, #tpu.memory_space<semaphore_mem>>) src(%arg5 : memref<632x128xf32, #tpu.memory_space<hbm>>) dst(%dma_wait3A_36 : memref<632x128xf32, #tpu.memory_space<vmem_shared>>)
        tpu.yield
      }) : () -> ()
    } else {
    }
    %eq3A = arith.constant 15 : i32
    %eq3A_7 = arith.cmpi eq, %arg1, %eq3A : i32
    %convert_element_type3A_8 = arith.extui %eq3A_7 : i1 to i32
    %cond3A_9 = arith.constant 0 : i32
    %cond3A_10 = arith.cmpi ne, %convert_element_type3A_8, %cond3A_9 : i32
    scf.if %cond3A_10 {
      %mul3A_30 = arith.constant 632 : i32
      %mul3A_31 = arith.muli %arg1, %mul3A_30 : i32
      "tpu.region"() ({
        %run_scoped3A_32 = tpu.sem_alloc : memref<!tpu.dma_semaphore, #tpu.memory_space<semaphore_mem>>
        %dma_start3A_33 = arith.constant 0 : i32
        %dma_start3A_34 = tpu.memref_slice %arg11[%mul3A_31, %dma_start3A_33] : memref<10000x128xf32, #tpu.memory_space<vmem_shared>> -> memref<520x128xf32, #tpu.memory_space<vmem_shared>>
        %dma_start3A_35 = arith.constant 0 : i32
        %dma_start3A_36 = arith.constant 0 : i32
        %dma_start3A_37 = tpu.memref_slice %arg5[%dma_start3A_35, %dma_start3A_36] : memref<632x128xf32, #tpu.memory_space<hbm>> -> memref<520x128xf32, #tpu.memory_space<hbm>>
        tpu.enqueue_dma source(%dma_start3A_37 : memref<520x128xf32, #tpu.memory_space<hbm>>) target(%dma_start3A_34 : memref<520x128xf32, #tpu.memory_space<vmem_shared>>) target_semaphore(%run_scoped3A_32 : memref<!tpu.dma_semaphore, #tpu.memory_space<semaphore_mem>>)
        %dma_wait3A_38 = arith.constant 0 : i32
        %dma_wait3A_39 = tpu.memref_slice %arg11[%mul3A_31, %dma_wait3A_38] : memref<10000x128xf32, #tpu.memory_space<vmem_shared>> -> memref<520x128xf32, #tpu.memory_space<vmem_shared>>
        %dma_wait3A_40 = arith.constant 0 : i32
        %dma_wait3A_41 = arith.constant 0 : i32
        %dma_wait3A_42 = tpu.memref_slice %arg5[%dma_wait3A_40, %dma_wait3A_41] : memref<632x128xf32, #tpu.memory_space<hbm>> -> memref<520x128xf32, #tpu.memory_space<hbm>>
        tpu.wait_dma2 semaphore(%run_scoped3A_32 : memref<!tpu.dma_semaphore, #tpu.memory_space<semaphore_mem>>) src(%dma_wait3A_42 : memref<520x128xf32, #tpu.memory_space<hbm>>) dst(%dma_wait3A_39 : memref<520x128xf32, #tpu.memory_space<vmem_shared>>)
        tpu.yield
      }) : () -> ()
    } else {
    }
    %barrier3A = arith.constant 0 : index
    tpu.barrier barrier_id(%barrier3A)
    %scan3A = arith.constant 0 : i32
    %scan3A_11 = arith.constant 62 : i32
    %scan3A_12 = arith.addi %scan3A, %scan3A_11 : i32
    %scan3A_13 = arith.constant 2 : i32
    scf.for %scan3A_30 = %scan3A to %scan3A_12 step %scan3A_13  : i32 {
      %mul3A_31 = arith.constant 1 : i32
      %mul3A_32 = arith.muli %scan3A_30, %mul3A_31 : i32
      %add3A_33 = arith.constant 0 : i32
      %add3A_34 = arith.addi %add3A_33, %mul3A_32 : i32
      %mul3A_35 = arith.constant 2 : i32
      %mul3A_36 = arith.muli %mul3A_35, %add3A_34 : i32
      %add3A_37 = arith.constant 1 : i32
      %add3A_38 = arith.addi %mul3A_36, %add3A_37 : i32
      %mul3A_39 = arith.constant 80 : i32
      %mul3A_40 = arith.muli %add3A_38, %mul3A_39 : i32
      %dma_start3A_41 = tpu.memref_slice %arg7[%mul3A_40] : memref<10000xi32, #tpu.memory_space<vmem>> -> memref<80xi32, #tpu.memory_space<vmem>>
      %dma_start3A_42 = arith.constant 0 : i32
      %dma_start3A_43 = arith.constant 0 : i32
      %dma_start3A_44 = tpu.memref_slice %arg2[%dma_start3A_42, %dma_start3A_43] : memref<10000x128xf32, #tpu.memory_space<hbm>> -> memref<10000x128xf32, #tpu.memory_space<hbm>>
      tpu.enqueue_indirect_dma source(%dma_start3A_44 : memref<10000x128xf32, #tpu.memory_space<hbm>>) target(%arg10 : memref<80x128xf32, #tpu.memory_space<vmem>>) offsets(%dma_start3A_41 : memref<80xi32, #tpu.memory_space<vmem>>) semaphore(%arg13 : memref<!tpu.dma_semaphore, #tpu.memory_space<semaphore_mem>>)
      %dma_wait3A_45 = arith.constant 0 : i32
      %dma_wait3A_46 = tpu.memref_slice %arg7[%dma_wait3A_45] : memref<10000xi32, #tpu.memory_space<vmem>> -> memref<80xi32, #tpu.memory_space<vmem>>
      %dma_wait3A_47 = arith.constant 0 : i32
      %dma_wait3A_48 = arith.constant 0 : i32
      %dma_wait3A_49 = tpu.memref_slice %arg2[%dma_wait3A_47, %dma_wait3A_48] : memref<10000x128xf32, #tpu.memory_space<hbm>> -> memref<10000x128xf32, #tpu.memory_space<hbm>>
      tpu.wait_indirect_dma semaphore(%arg12 : memref<!tpu.dma_semaphore, #tpu.memory_space<semaphore_mem>>) src(%dma_wait3A_49 : memref<10000x128xf32, #tpu.memory_space<hbm>>) dst(%arg9 : memref<80x128xf32, #tpu.memory_space<vmem>>)
      "tpu.region"() ({
        %run_scoped3A_101 = tpu.sem_alloc : memref<!tpu.dma_semaphore, #tpu.memory_space<semaphore_mem>>
        %dma_start3A_102 = arith.constant 0 : i32
        %dma_start3A_103 = tpu.memref_slice %arg8[%mul3A_36, %dma_start3A_102] : memref<125x80xi32, #tpu.memory_space<vmem>> -> memref<1x80xi32, #tpu.memory_space<vmem>>
        %dma_start3A_104 = tpu.memref_squeeze %dma_start3A_103 : memref<1x80xi32, #tpu.memory_space<vmem>> -> memref<80xi32, #tpu.memory_space<vmem>>
        %dma_start3A_105 = arith.constant 0 : i32
        %dma_start3A_106 = arith.constant 0 : i32
        %dma_start3A_107 = tpu.memref_slice %arg11[%dma_start3A_105, %dma_start3A_106] : memref<10000x128xf32, #tpu.memory_space<vmem_shared>> -> memref<10000x128xf32, #tpu.memory_space<vmem_shared>>
        tpu.enqueue_indirect_dma source(%arg9 : memref<80x128xf32, #tpu.memory_space<vmem>>) target(%dma_start3A_107 : memref<10000x128xf32, #tpu.memory_space<vmem_shared>>) offsets(%dma_start3A_104 : memref<80xi32, #tpu.memory_space<vmem>>) semaphore(%run_scoped3A_101 : memref<!tpu.dma_semaphore, #tpu.memory_space<semaphore_mem>>) {add = true}
        %dma_wait3A_108 = arith.constant 0 : i32
        %dma_wait3A_109 = tpu.memref_slice %arg8[%mul3A_36, %dma_wait3A_108] : memref<125x80xi32, #tpu.memory_space<vmem>> -> memref<1x80xi32, #tpu.memory_space<vmem>>
        %dma_wait3A_110 = tpu.memref_squeeze %dma_wait3A_109 : memref<1x80xi32, #tpu.memory_space<vmem>> -> memref<80xi32, #tpu.memory_space<vmem>>
        %dma_wait3A_111 = arith.constant 0 : i32
        %dma_wait3A_112 = arith.constant 0 : i32
        %dma_wait3A_113 = tpu.memref_slice %arg11[%dma_wait3A_111, %dma_wait3A_112] : memref<10000x128xf32, #tpu.memory_space<vmem_shared>> -> memref<10000x128xf32, #tpu.memory_space<vmem_shared>>
        tpu.wait_indirect_dma semaphore(%run_scoped3A_101 : memref<!tpu.dma_semaphore, #tpu.memory_space<semaphore_mem>>) src(%arg9 : memref<80x128xf32, #tpu.memory_space<vmem>>) dst(%dma_wait3A_113 : memref<10000x128xf32, #tpu.memory_space<vmem_shared>>)
        tpu.yield
      }) : () -> ()
      %add3A_50 = arith.constant 2 : i32
      %add3A_51 = arith.addi %mul3A_36, %add3A_50 : i32
      %mul3A_52 = arith.constant 80 : i32
      %mul3A_53 = arith.muli %add3A_51, %mul3A_52 : i32
      %dma_start3A_54 = tpu.memref_slice %arg7[%mul3A_53] : memref<10000xi32, #tpu.memory_space<vmem>> -> memref<80xi32, #tpu.memory_space<vmem>>
      %dma_start3A_55 = arith.constant 0 : i32
      %dma_start3A_56 = arith.constant 0 : i32
      %dma_start3A_57 = tpu.memref_slice %arg2[%dma_start3A_55, %dma_start3A_56] : memref<10000x128xf32, #tpu.memory_space<hbm>> -> memref<10000x128xf32, #tpu.memory_space<hbm>>
      tpu.enqueue_indirect_dma source(%dma_start3A_57 : memref<10000x128xf32, #tpu.memory_space<hbm>>) target(%arg9 : memref<80x128xf32, #tpu.memory_space<vmem>>) offsets(%dma_start3A_54 : memref<80xi32, #tpu.memory_space<vmem>>) semaphore(%arg12 : memref<!tpu.dma_semaphore, #tpu.memory_space<semaphore_mem>>)
      %dma_wait3A_58 = arith.constant 0 : i32
      %dma_wait3A_59 = tpu.memref_slice %arg7[%dma_wait3A_58] : memref<10000xi32, #tpu.memory_space<vmem>> -> memref<80xi32, #tpu.memory_space<vmem>>
      %dma_wait3A_60 = arith.constant 0 : i32
      %dma_wait3A_61 = arith.constant 0 : i32
      %dma_wait3A_62 = tpu.memref_slice %arg2[%dma_wait3A_60, %dma_wait3A_61] : memref<10000x128xf32, #tpu.memory_space<hbm>> -> memref<10000x128xf32, #tpu.memory_space<hbm>>
      tpu.wait_indirect_dma semaphore(%arg13 : memref<!tpu.dma_semaphore, #tpu.memory_space<semaphore_mem>>) src(%dma_wait3A_62 : memref<10000x128xf32, #tpu.memory_space<hbm>>) dst(%arg10 : memref<80x128xf32, #tpu.memory_space<vmem>>)
      %add3A_63 = arith.constant 1 : i32
      %add3A_64 = arith.addi %mul3A_36, %add3A_63 : i32
      "tpu.region"() ({
        %run_scoped3A_101 = tpu.sem_alloc : memref<!tpu.dma_semaphore, #tpu.memory_space<semaphore_mem>>
        %dma_start3A_102 = arith.constant 0 : i32
        %dma_start3A_103 = tpu.memref_slice %arg8[%add3A_64, %dma_start3A_102] : memref<125x80xi32, #tpu.memory_space<vmem>> -> memref<1x80xi32, #tpu.memory_space<vmem>>
        %dma_start3A_104 = tpu.memref_squeeze %dma_start3A_103 : memref<1x80xi32, #tpu.memory_space<vmem>> -> memref<80xi32, #tpu.memory_space<vmem>>
        %dma_start3A_105 = arith.constant 0 : i32
        %dma_start3A_106 = arith.constant 0 : i32
        %dma_start3A_107 = tpu.memref_slice %arg11[%dma_start3A_105, %dma_start3A_106] : memref<10000x128xf32, #tpu.memory_space<vmem_shared>> -> memref<10000x128xf32, #tpu.memory_space<vmem_shared>>
        tpu.enqueue_indirect_dma source(%arg10 : memref<80x128xf32, #tpu.memory_space<vmem>>) target(%dma_start3A_107 : memref<10000x128xf32, #tpu.memory_space<vmem_shared>>) offsets(%dma_start3A_104 : memref<80xi32, #tpu.memory_space<vmem>>) semaphore(%run_scoped3A_101 : memref<!tpu.dma_semaphore, #tpu.memory_space<semaphore_mem>>) {add = true}
        %dma_wait3A_108 = arith.constant 0 : i32
        %dma_wait3A_109 = tpu.memref_slice %arg8[%add3A_64, %dma_wait3A_108] : memref<125x80xi32, #tpu.memory_space<vmem>> -> memref<1x80xi32, #tpu.memory_space<vmem>>
        %dma_wait3A_110 = tpu.memref_squeeze %dma_wait3A_109 : memref<1x80xi32, #tpu.memory_space<vmem>> -> memref<80xi32, #tpu.memory_space<vmem>>
        %dma_wait3A_111 = arith.constant 0 : i32
        %dma_wait3A_112 = arith.constant 0 : i32
        %dma_wait3A_113 = tpu.memref_slice %arg11[%dma_wait3A_111, %dma_wait3A_112] : memref<10000x128xf32, #tpu.memory_space<vmem_shared>> -> memref<10000x128xf32, #tpu.memory_space<vmem_shared>>
        tpu.wait_indirect_dma semaphore(%run_scoped3A_101 : memref<!tpu.dma_semaphore, #tpu.memory_space<semaphore_mem>>) src(%arg10 : memref<80x128xf32, #tpu.memory_space<vmem>>) dst(%dma_wait3A_113 : memref<10000x128xf32, #tpu.memory_space<vmem_shared>>)
        tpu.yield
      }) : () -> ()
      %scan3A_65 = arith.constant 1 : i32
      %scan3A_66 = arith.addi %scan3A_30, %scan3A_65 : i32
      %mul3A_67 = arith.constant 1 : i32
      %mul3A_68 = arith.muli %scan3A_66, %mul3A_67 : i32
      %add3A_69 = arith.constant 0 : i32
      %add3A_70 = arith.addi %add3A_69, %mul3A_68 : i32
      %mul3A_71 = arith.constant 2 : i32
      %mul3A_72 = arith.muli %mul3A_71, %add3A_70 : i32
      %add3A_73 = arith.constant 1 : i32
      %add3A_74 = arith.addi %mul3A_72, %add3A_73 : i32
      %mul3A_75 = arith.constant 80 : i32
      %mul3A_76 = arith.muli %add3A_74, %mul3A_75 : i32
      %dma_start3A_77 = tpu.memref_slice %arg7[%mul3A_76] : memref<10000xi32, #tpu.memory_space<vmem>> -> memref<80xi32, #tpu.memory_space<vmem>>
      %dma_start3A_78 = arith.constant 0 : i32
      %dma_start3A_79 = arith.constant 0 : i32
      %dma_start3A_80 = tpu.memref_slice %arg2[%dma_start3A_78, %dma_start3A_79] : memref<10000x128xf32, #tpu.memory_space<hbm>> -> memref<10000x128xf32, #tpu.memory_space<hbm>>
      tpu.enqueue_indirect_dma source(%dma_start3A_80 : memref<10000x128xf32, #tpu.memory_space<hbm>>) target(%arg10 : memref<80x128xf32, #tpu.memory_space<vmem>>) offsets(%dma_start3A_77 : memref<80xi32, #tpu.memory_space<vmem>>) semaphore(%arg13 : memref<!tpu.dma_semaphore, #tpu.memory_space<semaphore_mem>>)
      %dma_wait3A_81 = arith.constant 0 : i32
      %dma_wait3A_82 = tpu.memref_slice %arg7[%dma_wait3A_81] : memref<10000xi32, #tpu.memory_space<vmem>> -> memref<80xi32, #tpu.memory_space<vmem>>
      %dma_wait3A_83 = arith.constant 0 : i32
      %dma_wait3A_84 = arith.constant 0 : i32
      %dma_wait3A_85 = tpu.memref_slice %arg2[%dma_wait3A_83, %dma_wait3A_84] : memref<10000x128xf32, #tpu.memory_space<hbm>> -> memref<10000x128xf32, #tpu.memory_space<hbm>>
      tpu.wait_indirect_dma semaphore(%arg12 : memref<!tpu.dma_semaphore, #tpu.memory_space<semaphore_mem>>) src(%dma_wait3A_85 : memref<10000x128xf32, #tpu.memory_space<hbm>>) dst(%arg9 : memref<80x128xf32, #tpu.memory_space<vmem>>)
      "tpu.region"() ({
        %run_scoped3A_101 = tpu.sem_alloc : memref<!tpu.dma_semaphore, #tpu.memory_space<semaphore_mem>>
        %dma_start3A_102 = arith.constant 0 : i32
        %dma_start3A_103 = tpu.memref_slice %arg8[%mul3A_72, %dma_start3A_102] : memref<125x80xi32, #tpu.memory_space<vmem>> -> memref<1x80xi32, #tpu.memory_space<vmem>>
        %dma_start3A_104 = tpu.memref_squeeze %dma_start3A_103 : memref<1x80xi32, #tpu.memory_space<vmem>> -> memref<80xi32, #tpu.memory_space<vmem>>
        %dma_start3A_105 = arith.constant 0 : i32
        %dma_start3A_106 = arith.constant 0 : i32
        %dma_start3A_107 = tpu.memref_slice %arg11[%dma_start3A_105, %dma_start3A_106] : memref<10000x128xf32, #tpu.memory_space<vmem_shared>> -> memref<10000x128xf32, #tpu.memory_space<vmem_shared>>
        tpu.enqueue_indirect_dma source(%arg9 : memref<80x128xf32, #tpu.memory_space<vmem>>) target(%dma_start3A_107 : memref<10000x128xf32, #tpu.memory_space<vmem_shared>>) offsets(%dma_start3A_104 : memref<80xi32, #tpu.memory_space<vmem>>) semaphore(%run_scoped3A_101 : memref<!tpu.dma_semaphore, #tpu.memory_space<semaphore_mem>>) {add = true}
        %dma_wait3A_108 = arith.constant 0 : i32
        %dma_wait3A_109 = tpu.memref_slice %arg8[%mul3A_72, %dma_wait3A_108] : memref<125x80xi32, #tpu.memory_space<vmem>> -> memref<1x80xi32, #tpu.memory_space<vmem>>
        %dma_wait3A_110 = tpu.memref_squeeze %dma_wait3A_109 : memref<1x80xi32, #tpu.memory_space<vmem>> -> memref<80xi32, #tpu.memory_space<vmem>>
        %dma_wait3A_111 = arith.constant 0 : i32
        %dma_wait3A_112 = arith.constant 0 : i32
        %dma_wait3A_113 = tpu.memref_slice %arg11[%dma_wait3A_111, %dma_wait3A_112] : memref<10000x128xf32, #tpu.memory_space<vmem_shared>> -> memref<10000x128xf32, #tpu.memory_space<vmem_shared>>
        tpu.wait_indirect_dma semaphore(%run_scoped3A_101 : memref<!tpu.dma_semaphore, #tpu.memory_space<semaphore_mem>>) src(%arg9 : memref<80x128xf32, #tpu.memory_space<vmem>>) dst(%dma_wait3A_113 : memref<10000x128xf32, #tpu.memory_space<vmem_shared>>)
        tpu.yield
      }) : () -> ()
      %add3A_86 = arith.constant 2 : i32
      %add3A_87 = arith.addi %mul3A_72, %add3A_86 : i32
      %mul3A_88 = arith.constant 80 : i32
      %mul3A_89 = arith.muli %add3A_87, %mul3A_88 : i32
      %dma_start3A_90 = tpu.memref_slice %arg7[%mul3A_89] : memref<10000xi32, #tpu.memory_space<vmem>> -> memref<80xi32, #tpu.memory_space<vmem>>
      %dma_start3A_91 = arith.constant 0 : i32
      %dma_start3A_92 = arith.constant 0 : i32
      %dma_start3A_93 = tpu.memref_slice %arg2[%dma_start3A_91, %dma_start3A_92] : memref<10000x128xf32, #tpu.memory_space<hbm>> -> memref<10000x128xf32, #tpu.memory_space<hbm>>
      tpu.enqueue_indirect_dma source(%dma_start3A_93 : memref<10000x128xf32, #tpu.memory_space<hbm>>) target(%arg9 : memref<80x128xf32, #tpu.memory_space<vmem>>) offsets(%dma_start3A_90 : memref<80xi32, #tpu.memory_space<vmem>>) semaphore(%arg12 : memref<!tpu.dma_semaphore, #tpu.memory_space<semaphore_mem>>)
      %dma_wait3A_94 = arith.constant 0 : i32
      %dma_wait3A_95 = tpu.memref_slice %arg7[%dma_wait3A_94] : memref<10000xi32, #tpu.memory_space<vmem>> -> memref<80xi32, #tpu.memory_space<vmem>>
      %dma_wait3A_96 = arith.constant 0 : i32
      %dma_wait3A_97 = arith.constant 0 : i32
      %dma_wait3A_98 = tpu.memref_slice %arg2[%dma_wait3A_96, %dma_wait3A_97] : memref<10000x128xf32, #tpu.memory_space<hbm>> -> memref<10000x128xf32, #tpu.memory_space<hbm>>
      tpu.wait_indirect_dma semaphore(%arg13 : memref<!tpu.dma_semaphore, #tpu.memory_space<semaphore_mem>>) src(%dma_wait3A_98 : memref<10000x128xf32, #tpu.memory_space<hbm>>) dst(%arg10 : memref<80x128xf32, #tpu.memory_space<vmem>>)
      %add3A_99 = arith.constant 1 : i32
      %add3A_100 = arith.addi %mul3A_72, %add3A_99 : i32
      "tpu.region"() ({
        %run_scoped3A_101 = tpu.sem_alloc : memref<!tpu.dma_semaphore, #tpu.memory_space<semaphore_mem>>
        %dma_start3A_102 = arith.constant 0 : i32
        %dma_start3A_103 = tpu.memref_slice %arg8[%add3A_100, %dma_start3A_102] : memref<125x80xi32, #tpu.memory_space<vmem>> -> memref<1x80xi32, #tpu.memory_space<vmem>>
        %dma_start3A_104 = tpu.memref_squeeze %dma_start3A_103 : memref<1x80xi32, #tpu.memory_space<vmem>> -> memref<80xi32, #tpu.memory_space<vmem>>
        %dma_start3A_105 = arith.constant 0 : i32
        %dma_start3A_106 = arith.constant 0 : i32
        %dma_start3A_107 = tpu.memref_slice %arg11[%dma_start3A_105, %dma_start3A_106] : memref<10000x128xf32, #tpu.memory_space<vmem_shared>> -> memref<10000x128xf32, #tpu.memory_space<vmem_shared>>
        tpu.enqueue_indirect_dma source(%arg10 : memref<80x128xf32, #tpu.memory_space<vmem>>) target(%dma_start3A_107 : memref<10000x128xf32, #tpu.memory_space<vmem_shared>>) offsets(%dma_start3A_104 : memref<80xi32, #tpu.memory_space<vmem>>) semaphore(%run_scoped3A_101 : memref<!tpu.dma_semaphore, #tpu.memory_space<semaphore_mem>>) {add = true}
        %dma_wait3A_108 = arith.constant 0 : i32
        %dma_wait3A_109 = tpu.memref_slice %arg8[%add3A_100, %dma_wait3A_108] : memref<125x80xi32, #tpu.memory_space<vmem>> -> memref<1x80xi32, #tpu.memory_space<vmem>>
        %dma_wait3A_110 = tpu.memref_squeeze %dma_wait3A_109 : memref<1x80xi32, #tpu.memory_space<vmem>> -> memref<80xi32, #tpu.memory_space<vmem>>
        %dma_wait3A_111 = arith.constant 0 : i32
        %dma_wait3A_112 = arith.constant 0 : i32
        %dma_wait3A_113 = tpu.memref_slice %arg11[%dma_wait3A_111, %dma_wait3A_112] : memref<10000x128xf32, #tpu.memory_space<vmem_shared>> -> memref<10000x128xf32, #tpu.memory_space<vmem_shared>>
        tpu.wait_indirect_dma semaphore(%run_scoped3A_101 : memref<!tpu.dma_semaphore, #tpu.memory_space<semaphore_mem>>) src(%arg10 : memref<80x128xf32, #tpu.memory_space<vmem>>) dst(%dma_wait3A_113 : memref<10000x128xf32, #tpu.memory_space<vmem_shared>>)
        tpu.yield
      }) : () -> ()
    }
    %scan3A_14 = arith.constant 62 : i32
    %dma_wait3A = arith.constant 0 : i32
    %dma_wait3A_15 = tpu.memref_slice %arg7[%dma_wait3A] : memref<10000xi32, #tpu.memory_space<vmem>> -> memref<80xi32, #tpu.memory_space<vmem>>
    %dma_wait3A_16 = arith.constant 0 : i32
    %dma_wait3A_17 = arith.constant 0 : i32
    %dma_wait3A_18 = tpu.memref_slice %arg2[%dma_wait3A_16, %dma_wait3A_17] : memref<10000x128xf32, #tpu.memory_space<hbm>> -> memref<10000x128xf32, #tpu.memory_space<hbm>>
    tpu.wait_indirect_dma semaphore(%arg12 : memref<!tpu.dma_semaphore, #tpu.memory_space<semaphore_mem>>) src(%dma_wait3A_18 : memref<10000x128xf32, #tpu.memory_space<hbm>>) dst(%arg9 : memref<80x128xf32, #tpu.memory_space<vmem>>)
    %run_scoped3A = arith.constant 124 : i32
    "tpu.region"() ({
      %run_scoped3A_30 = tpu.sem_alloc : memref<!tpu.dma_semaphore, #tpu.memory_space<semaphore_mem>>
      %dma_start3A_31 = arith.constant 0 : i32
      %dma_start3A_32 = tpu.memref_slice %arg8[%run_scoped3A, %dma_start3A_31] : memref<125x80xi32, #tpu.memory_space<vmem>> -> memref<1x80xi32, #tpu.memory_space<vmem>>
      %dma_start3A_33 = tpu.memref_squeeze %dma_start3A_32 : memref<1x80xi32, #tpu.memory_space<vmem>> -> memref<80xi32, #tpu.memory_space<vmem>>
      %dma_start3A_34 = arith.constant 0 : i32
      %dma_start3A_35 = arith.constant 0 : i32
      %dma_start3A_36 = tpu.memref_slice %arg11[%dma_start3A_34, %dma_start3A_35] : memref<10000x128xf32, #tpu.memory_space<vmem_shared>> -> memref<10000x128xf32, #tpu.memory_space<vmem_shared>>
      tpu.enqueue_indirect_dma source(%arg9 : memref<80x128xf32, #tpu.memory_space<vmem>>) target(%dma_start3A_36 : memref<10000x128xf32, #tpu.memory_space<vmem_shared>>) offsets(%dma_start3A_33 : memref<80xi32, #tpu.memory_space<vmem>>) semaphore(%run_scoped3A_30 : memref<!tpu.dma_semaphore, #tpu.memory_space<semaphore_mem>>) {add = true}
      %dma_wait3A_37 = arith.constant 0 : i32
      %dma_wait3A_38 = tpu.memref_slice %arg8[%run_scoped3A, %dma_wait3A_37] : memref<125x80xi32, #tpu.memory_space<vmem>> -> memref<1x80xi32, #tpu.memory_space<vmem>>
      %dma_wait3A_39 = tpu.memref_squeeze %dma_wait3A_38 : memref<1x80xi32, #tpu.memory_space<vmem>> -> memref<80xi32, #tpu.memory_space<vmem>>
      %dma_wait3A_40 = arith.constant 0 : i32
      %dma_wait3A_41 = arith.constant 0 : i32
      %dma_wait3A_42 = tpu.memref_slice %arg11[%dma_wait3A_40, %dma_wait3A_41] : memref<10000x128xf32, #tpu.memory_space<vmem_shared>> -> memref<10000x128xf32, #tpu.memory_space<vmem_shared>>
      tpu.wait_indirect_dma semaphore(%run_scoped3A_30 : memref<!tpu.dma_semaphore, #tpu.memory_space<semaphore_mem>>) src(%arg9 : memref<80x128xf32, #tpu.memory_space<vmem>>) dst(%dma_wait3A_42 : memref<10000x128xf32, #tpu.memory_space<vmem_shared>>)
      tpu.yield
    }) : () -> ()
    %barrier3A_19 = arith.constant 0 : index
    tpu.barrier barrier_id(%barrier3A_19)
    %lt3A_20 = arith.constant 15 : i32
    %lt3A_21 = arith.cmpi slt, %arg1, %lt3A_20 : i32
    %convert_element_type3A_22 = arith.extui %lt3A_21 : i1 to i32
    %cond3A_23 = arith.constant 0 : i32
    %cond3A_24 = arith.cmpi ne, %convert_element_type3A_22, %cond3A_23 : i32
    scf.if %cond3A_24 {
      %mul3A_30 = arith.constant 632 : i32
      %mul3A_31 = arith.muli %arg1, %mul3A_30 : i32
      %mul3A_32 = arith.constant 632 : i32
      %mul3A_33 = arith.muli %arg1, %mul3A_32 : i32
      "tpu.region"() ({
        %run_scoped3A_34 = tpu.sem_alloc : memref<!tpu.dma_semaphore, #tpu.memory_space<semaphore_mem>>
        %dma_start3A_35 = arith.constant 0 : i32
        %dma_start3A_36 = tpu.memref_slice %arg6[%arg0, %mul3A_33, %dma_start3A_35] : memref<2x10000x128xf32, #tpu.memory_space<hbm>> -> memref<1x632x128xf32, #tpu.memory_space<hbm>>
        %dma_start3A_37 = tpu.memref_squeeze %dma_start3A_36 : memref<1x632x128xf32, #tpu.memory_space<hbm>> -> memref<632x128xf32, #tpu.memory_space<hbm>>
        %dma_start3A_38 = arith.constant 0 : i32
        %dma_start3A_39 = tpu.memref_slice %arg11[%mul3A_31, %dma_start3A_38] : memref<10000x128xf32, #tpu.memory_space<vmem_shared>> -> memref<632x128xf32, #tpu.memory_space<vmem_shared>>
        tpu.enqueue_dma source(%dma_start3A_39 : memref<632x128xf32, #tpu.memory_space<vmem_shared>>) target(%dma_start3A_37 : memref<632x128xf32, #tpu.memory_space<hbm>>) target_semaphore(%run_scoped3A_34 : memref<!tpu.dma_semaphore, #tpu.memory_space<semaphore_mem>>)
        %dma_wait3A_40 = arith.constant 0 : i32
        %dma_wait3A_41 = tpu.memref_slice %arg6[%arg0, %mul3A_33, %dma_wait3A_40] : memref<2x10000x128xf32, #tpu.memory_space<hbm>> -> memref<1x632x128xf32, #tpu.memory_space<hbm>>
        %dma_wait3A_42 = tpu.memref_squeeze %dma_wait3A_41 : memref<1x632x128xf32, #tpu.memory_space<hbm>> -> memref<632x128xf32, #tpu.memory_space<hbm>>
        %dma_wait3A_43 = arith.constant 0 : i32
        %dma_wait3A_44 = tpu.memref_slice %arg11[%mul3A_31, %dma_wait3A_43] : memref<10000x128xf32, #tpu.memory_space<vmem_shared>> -> memref<632x128xf32, #tpu.memory_space<vmem_shared>>
        tpu.wait_dma2 semaphore(%run_scoped3A_34 : memref<!tpu.dma_semaphore, #tpu.memory_space<semaphore_mem>>) src(%dma_wait3A_44 : memref<632x128xf32, #tpu.memory_space<vmem_shared>>) dst(%dma_wait3A_42 : memref<632x128xf32, #tpu.memory_space<hbm>>)
        tpu.yield
      }) : () -> ()
    } else {
    }
    %eq3A_25 = arith.constant 15 : i32
    %eq3A_26 = arith.cmpi eq, %arg1, %eq3A_25 : i32
    %convert_element_type3A_27 = arith.extui %eq3A_26 : i1 to i32
    %cond3A_28 = arith.constant 0 : i32
    %cond3A_29 = arith.cmpi ne, %convert_element_type3A_27, %cond3A_28 : i32
    scf.if %cond3A_29 {
      %mul3A_30 = arith.constant 632 : i32
      %mul3A_31 = arith.muli %arg1, %mul3A_30 : i32
      %mul3A_32 = arith.constant 632 : i32
      %mul3A_33 = arith.muli %arg1, %mul3A_32 : i32
      "tpu.region"() ({
        %run_scoped3A_34 = tpu.sem_alloc : memref<!tpu.dma_semaphore, #tpu.memory_space<semaphore_mem>>
        %dma_start3A_35 = arith.constant 0 : i32
        %dma_start3A_36 = tpu.memref_slice %arg6[%arg0, %mul3A_33, %dma_start3A_35] : memref<2x10000x128xf32, #tpu.memory_space<hbm>> -> memref<1x520x128xf32, #tpu.memory_space<hbm>>
        %dma_start3A_37 = tpu.memref_squeeze %dma_start3A_36 : memref<1x520x128xf32, #tpu.memory_space<hbm>> -> memref<520x128xf32, #tpu.memory_space<hbm>>
        %dma_start3A_38 = arith.constant 0 : i32
        %dma_start3A_39 = tpu.memref_slice %arg11[%mul3A_31, %dma_start3A_38] : memref<10000x128xf32, #tpu.memory_space<vmem_shared>> -> memref<520x128xf32, #tpu.memory_space<vmem_shared>>
        tpu.enqueue_dma source(%dma_start3A_39 : memref<520x128xf32, #tpu.memory_space<vmem_shared>>) target(%dma_start3A_37 : memref<520x128xf32, #tpu.memory_space<hbm>>) target_semaphore(%run_scoped3A_34 : memref<!tpu.dma_semaphore, #tpu.memory_space<semaphore_mem>>)
        %dma_wait3A_40 = arith.constant 0 : i32
        %dma_wait3A_41 = tpu.memref_slice %arg6[%arg0, %mul3A_33, %dma_wait3A_40] : memref<2x10000x128xf32, #tpu.memory_space<hbm>> -> memref<1x520x128xf32, #tpu.memory_space<hbm>>
        %dma_wait3A_42 = tpu.memref_squeeze %dma_wait3A_41 : memref<1x520x128xf32, #tpu.memory_space<hbm>> -> memref<520x128xf32, #tpu.memory_space<hbm>>
        %dma_wait3A_43 = arith.constant 0 : i32
        %dma_wait3A_44 = tpu.memref_slice %arg11[%mul3A_31, %dma_wait3A_43] : memref<10000x128xf32, #tpu.memory_space<vmem_shared>> -> memref<520x128xf32, #tpu.memory_space<vmem_shared>>
        tpu.wait_dma2 semaphore(%run_scoped3A_34 : memref<!tpu.dma_semaphore, #tpu.memory_space<semaphore_mem>>) src(%dma_wait3A_44 : memref<520x128xf32, #tpu.memory_space<vmem_shared>>) dst(%dma_wait3A_42 : memref<520x128xf32, #tpu.memory_space<hbm>>)
        tpu.yield
      }) : () -> ()
    } else {
    }
    return
  }
}

#map = affine_map<(d0, d1) -> (0, 0)>
#map1 = affine_map<(d0, d1) -> (0, 0, 0)>
module attributes {stable_mosaic.version = 14 : i64} {
  func.func @agg(%arg0: i32, %arg1: i32, %arg2: memref<10000x128xf32, #tpu.memory_space<hbm>>, %arg3: memref<32x10000xi32, #tpu.memory_space<hbm>>, %arg4: memref<32x125x80xi32, #tpu.memory_space<hbm>>, %arg5: memref<632x128xf32, #tpu.memory_space<hbm>>, %arg6: memref<2x10000x128xf32, #tpu.memory_space<hbm>>, %arg7: memref<10000xi32, #tpu.memory_space<vmem>>, %arg8: memref<125x80xi32, #tpu.memory_space<vmem>>, %arg9: memref<80x128xf32, #tpu.memory_space<vmem>>, %arg10: memref<80x128xf32, #tpu.memory_space<vmem>>, %arg11: memref<10000x128xf32, #tpu.memory_space<vmem_shared>>, %arg12: memref<!tpu.dma_semaphore, #tpu.memory_space<semaphore_mem>>, %arg13: memref<!tpu.dma_semaphore, #tpu.memory_space<semaphore_mem>>) attributes {dimension_semantics = [#tpu.dimension_semantics<core_parallel>, #tpu.dimension_semantics<subcore_parallel>], iteration_bounds = array<i64: 2, 16>, scalar_prefetch = 0 : i64, scratch_operands = 7 : i64, tpu.core_type = #tpu.core_type<sc_vector_subcore>, window_params = [{transform_indices = #map}, {transform_indices = #map}, {transform_indices = #map1}, {transform_indices = #map}, {transform_indices = #map1}]} {
    %mul3A = arith.constant 16 : i32
    %mul3A_0 = arith.muli %arg0, %mul3A : i32
    %add3A = arith.addi %mul3A_0, %arg1 : i32
    "tpu.region"() ({
      %run_scoped3A_30 = tpu.sem_alloc : memref<!tpu.dma_semaphore, #tpu.memory_space<semaphore_mem>>
      %dma_start3A_31 = arith.constant 0 : i32
      %dma_start3A_32 = tpu.memref_slice %arg3[%add3A, %dma_start3A_31] : memref<32x10000xi32, #tpu.memory_space<hbm>> -> memref<1x10000xi32, #tpu.memory_space<hbm>>
      %dma_start3A_33 = tpu.memref_squeeze %dma_start3A_32 : memref<1x10000xi32, #tpu.memory_space<hbm>> -> memref<10000xi32, #tpu.memory_space<hbm>>
      %dma_start3A_34 = arith.constant 0 : i32
      %dma_start3A_35 = tpu.memref_slice %arg3[%add3A, %dma_start3A_34] : memref<32x10000xi32, #tpu.memory_space<hbm>> -> memref<1x10000xi32, #tpu.memory_space<hbm>>
      %dma_start3A_36 = tpu.memref_squeeze %dma_start3A_35 : memref<1x10000xi32, #tpu.memory_space<hbm>> -> memref<10000xi32, #tpu.memory_space<hbm>>
      tpu.enqueue_dma source(%dma_start3A_36 : memref<10000xi32, #tpu.memory_space<hbm>>) target(%arg7 : memref<10000xi32, #tpu.memory_space<vmem>>) target_semaphore(%run_scoped3A_30 : memref<!tpu.dma_semaphore, #tpu.memory_space<semaphore_mem>>)
      %dma_wait3A_37 = arith.constant 0 : i32
      %dma_wait3A_38 = tpu.memref_slice %arg3[%add3A, %dma_wait3A_37] : memref<32x10000xi32, #tpu.memory_space<hbm>> -> memref<1x10000xi32, #tpu.memory_space<hbm>>
      %dma_wait3A_39 = tpu.memref_squeeze %dma_wait3A_38 : memref<1x10000xi32, #tpu.memory_space<hbm>> -> memref<10000xi32, #tpu.memory_space<hbm>>
      %dma_wait3A_40 = arith.constant 0 : i32
      %dma_wait3A_41 = tpu.memref_slice %arg3[%add3A, %dma_wait3A_40] : memref<32x10000xi32, #tpu.memory_space<hbm>> -> memref<1x10000xi32, #tpu.memory_space<hbm>>
      %dma_wait3A_42 = tpu.memref_squeeze %dma_wait3A_41 : memref<1x10000xi32, #tpu.memory_space<hbm>> -> memref<10000xi32, #tpu.memory_space<hbm>>
      tpu.wait_dma2 semaphore(%run_scoped3A_30 : memref<!tpu.dma_semaphore, #tpu.memory_space<semaphore_mem>>) src(%dma_wait3A_42 : memref<10000xi32, #tpu.memory_space<hbm>>) dst(%arg7 : memref<10000xi32, #tpu.memory_space<vmem>>)
      tpu.yield
    }) : () -> ()
    "tpu.region"() ({
      %run_scoped3A_30 = tpu.sem_alloc : memref<!tpu.dma_semaphore, #tpu.memory_space<semaphore_mem>>
      %dma_start3A_31 = arith.constant 0 : i32
      %dma_start3A_32 = arith.constant 0 : i32
      %dma_start3A_33 = tpu.memref_slice %arg4[%add3A, %dma_start3A_31, %dma_start3A_32] : memref<32x125x80xi32, #tpu.memory_space<hbm>> -> memref<1x125x80xi32, #tpu.memory_space<hbm>>
      %dma_start3A_34 = tpu.memref_squeeze %dma_start3A_33 : memref<1x125x80xi32, #tpu.memory_space<hbm>> -> memref<125x80xi32, #tpu.memory_space<hbm>>
      %dma_start3A_35 = arith.constant 0 : i32
      %dma_start3A_36 = arith.constant 0 : i32
      %dma_start3A_37 = tpu.memref_slice %arg4[%add3A, %dma_start3A_35, %dma_start3A_36] : memref<32x125x80xi32, #tpu.memory_space<hbm>> -> memref<1x125x80xi32, #tpu.memory_space<hbm>>
      %dma_start3A_38 = tpu.memref_squeeze %dma_start3A_37 : memref<1x125x80xi32, #tpu.memory_space<hbm>> -> memref<125x80xi32, #tpu.memory_space<hbm>>
      tpu.enqueue_dma source(%dma_start3A_38 : memref<125x80xi32, #tpu.memory_space<hbm>>) target(%arg8 : memref<125x80xi32, #tpu.memory_space<vmem>>) target_semaphore(%run_scoped3A_30 : memref<!tpu.dma_semaphore, #tpu.memory_space<semaphore_mem>>)
      %dma_wait3A_39 = arith.constant 0 : i32
      %dma_wait3A_40 = arith.constant 0 : i32
      %dma_wait3A_41 = tpu.memref_slice %arg4[%add3A, %dma_wait3A_39, %dma_wait3A_40] : memref<32x125x80xi32, #tpu.memory_space<hbm>> -> memref<1x125x80xi32, #tpu.memory_space<hbm>>
      %dma_wait3A_42 = tpu.memref_squeeze %dma_wait3A_41 : memref<1x125x80xi32, #tpu.memory_space<hbm>> -> memref<125x80xi32, #tpu.memory_space<hbm>>
      %dma_wait3A_43 = arith.constant 0 : i32
      %dma_wait3A_44 = arith.constant 0 : i32
      %dma_wait3A_45 = tpu.memref_slice %arg4[%add3A, %dma_wait3A_43, %dma_wait3A_44] : memref<32x125x80xi32, #tpu.memory_space<hbm>> -> memref<1x125x80xi32, #tpu.memory_space<hbm>>
      %dma_wait3A_46 = tpu.memref_squeeze %dma_wait3A_45 : memref<1x125x80xi32, #tpu.memory_space<hbm>> -> memref<125x80xi32, #tpu.memory_space<hbm>>
      tpu.wait_dma2 semaphore(%run_scoped3A_30 : memref<!tpu.dma_semaphore, #tpu.memory_space<semaphore_mem>>) src(%dma_wait3A_46 : memref<125x80xi32, #tpu.memory_space<hbm>>) dst(%arg8 : memref<125x80xi32, #tpu.memory_space<vmem>>)
      tpu.yield
    }) : () -> ()
    %dma_start3A = arith.constant 0 : i32
    %dma_start3A_1 = tpu.memref_slice %arg7[%dma_start3A] : memref<10000xi32, #tpu.memory_space<vmem>> -> memref<80xi32, #tpu.memory_space<vmem>>
    %dma_start3A_2 = arith.constant 0 : i32
    %dma_start3A_3 = arith.constant 0 : i32
    %dma_start3A_4 = tpu.memref_slice %arg2[%dma_start3A_2, %dma_start3A_3] : memref<10000x128xf32, #tpu.memory_space<hbm>> -> memref<10000x128xf32, #tpu.memory_space<hbm>>
    tpu.enqueue_indirect_dma source(%dma_start3A_4 : memref<10000x128xf32, #tpu.memory_space<hbm>>) target(%arg9 : memref<80x128xf32, #tpu.memory_space<vmem>>) offsets(%dma_start3A_1 : memref<80xi32, #tpu.memory_space<vmem>>) semaphore(%arg12 : memref<!tpu.dma_semaphore, #tpu.memory_space<semaphore_mem>>)
    %lt3A = arith.constant 15 : i32
    %lt3A_5 = arith.cmpi slt, %arg1, %lt3A : i32
    %convert_element_type3A = arith.extui %lt3A_5 : i1 to i32
    %cond3A = arith.constant 0 : i32
    %cond3A_6 = arith.cmpi ne, %convert_element_type3A, %cond3A : i32
    scf.if %cond3A_6 {
      %mul3A_30 = arith.constant 632 : i32
      %mul3A_31 = arith.muli %arg1, %mul3A_30 : i32
      "tpu.region"() ({
        %run_scoped3A_32 = tpu.sem_alloc : memref<!tpu.dma_semaphore, #tpu.memory_space<semaphore_mem>>
        %dma_start3A_33 = arith.constant 0 : i32
        %dma_start3A_34 = tpu.memref_slice %arg11[%mul3A_31, %dma_start3A_33] : memref<10000x128xf32, #tpu.memory_space<vmem_shared>> -> memref<632x128xf32, #tpu.memory_space<vmem_shared>>
        tpu.enqueue_dma source(%arg5 : memref<632x128xf32, #tpu.memory_space<hbm>>) target(%dma_start3A_34 : memref<632x128xf32, #tpu.memory_space<vmem_shared>>) target_semaphore(%run_scoped3A_32 : memref<!tpu.dma_semaphore, #tpu.memory_space<semaphore_mem>>)
        %dma_wait3A_35 = arith.constant 0 : i32
        %dma_wait3A_36 = tpu.memref_slice %arg11[%mul3A_31, %dma_wait3A_35] : memref<10000x128xf32, #tpu.memory_space<vmem_shared>> -> memref<632x128xf32, #tpu.memory_space<vmem_shared>>
        tpu.wait_dma2 semaphore(%run_scoped3A_32 : memref<!tpu.dma_semaphore, #tpu.memory_space<semaphore_mem>>) src(%arg5 : memref<632x128xf32, #tpu.memory_space<hbm>>) dst(%dma_wait3A_36 : memref<632x128xf32, #tpu.memory_space<vmem_shared>>)
        tpu.yield
      }) : () -> ()
    } else {
    }
    %eq3A = arith.constant 15 : i32
    %eq3A_7 = arith.cmpi eq, %arg1, %eq3A : i32
    %convert_element_type3A_8 = arith.extui %eq3A_7 : i1 to i32
    %cond3A_9 = arith.constant 0 : i32
    %cond3A_10 = arith.cmpi ne, %convert_element_type3A_8, %cond3A_9 : i32
    scf.if %cond3A_10 {
      %mul3A_30 = arith.constant 632 : i32
      %mul3A_31 = arith.muli %arg1, %mul3A_30 : i32
      "tpu.region"() ({
        %run_scoped3A_32 = tpu.sem_alloc : memref<!tpu.dma_semaphore, #tpu.memory_space<semaphore_mem>>
        %dma_start3A_33 = arith.constant 0 : i32
        %dma_start3A_34 = tpu.memref_slice %arg11[%mul3A_31, %dma_start3A_33] : memref<10000x128xf32, #tpu.memory_space<vmem_shared>> -> memref<520x128xf32, #tpu.memory_space<vmem_shared>>
        %dma_start3A_35 = arith.constant 0 : i32
        %dma_start3A_36 = arith.constant 0 : i32
        %dma_start3A_37 = tpu.memref_slice %arg5[%dma_start3A_35, %dma_start3A_36] : memref<632x128xf32, #tpu.memory_space<hbm>> -> memref<520x128xf32, #tpu.memory_space<hbm>>
        tpu.enqueue_dma source(%dma_start3A_37 : memref<520x128xf32, #tpu.memory_space<hbm>>) target(%dma_start3A_34 : memref<520x128xf32, #tpu.memory_space<vmem_shared>>) target_semaphore(%run_scoped3A_32 : memref<!tpu.dma_semaphore, #tpu.memory_space<semaphore_mem>>)
        %dma_wait3A_38 = arith.constant 0 : i32
        %dma_wait3A_39 = tpu.memref_slice %arg11[%mul3A_31, %dma_wait3A_38] : memref<10000x128xf32, #tpu.memory_space<vmem_shared>> -> memref<520x128xf32, #tpu.memory_space<vmem_shared>>
        %dma_wait3A_40 = arith.constant 0 : i32
        %dma_wait3A_41 = arith.constant 0 : i32
        %dma_wait3A_42 = tpu.memref_slice %arg5[%dma_wait3A_40, %dma_wait3A_41] : memref<632x128xf32, #tpu.memory_space<hbm>> -> memref<520x128xf32, #tpu.memory_space<hbm>>
        tpu.wait_dma2 semaphore(%run_scoped3A_32 : memref<!tpu.dma_semaphore, #tpu.memory_space<semaphore_mem>>) src(%dma_wait3A_42 : memref<520x128xf32, #tpu.memory_space<hbm>>) dst(%dma_wait3A_39 : memref<520x128xf32, #tpu.memory_space<vmem_shared>>)
        tpu.yield
      }) : () -> ()
    } else {
    }
    %barrier3A = arith.constant 0 : index
    tpu.barrier barrier_id(%barrier3A)
    %scan3A = arith.constant 0 : i32
    %scan3A_11 = arith.constant 62 : i32
    %scan3A_12 = arith.addi %scan3A, %scan3A_11 : i32
    %scan3A_13 = arith.constant 2 : i32
    scf.for %scan3A_30 = %scan3A to %scan3A_12 step %scan3A_13  : i32 {
      %mul3A_31 = arith.constant 1 : i32
      %mul3A_32 = arith.muli %scan3A_30, %mul3A_31 : i32
      %add3A_33 = arith.constant 0 : i32
      %add3A_34 = arith.addi %add3A_33, %mul3A_32 : i32
      %mul3A_35 = arith.constant 2 : i32
      %mul3A_36 = arith.muli %mul3A_35, %add3A_34 : i32
      %add3A_37 = arith.constant 1 : i32
      %add3A_38 = arith.addi %mul3A_36, %add3A_37 : i32
      %mul3A_39 = arith.constant 80 : i32
      %mul3A_40 = arith.muli %add3A_38, %mul3A_39 : i32
      %dma_start3A_41 = tpu.memref_slice %arg7[%mul3A_40] : memref<10000xi32, #tpu.memory_space<vmem>> -> memref<80xi32, #tpu.memory_space<vmem>>
      %dma_start3A_42 = arith.constant 0 : i32
      %dma_start3A_43 = arith.constant 0 : i32
      %dma_start3A_44 = tpu.memref_slice %arg2[%dma_start3A_42, %dma_start3A_43] : memref<10000x128xf32, #tpu.memory_space<hbm>> -> memref<10000x128xf32, #tpu.memory_space<hbm>>
      tpu.enqueue_indirect_dma source(%dma_start3A_44 : memref<10000x128xf32, #tpu.memory_space<hbm>>) target(%arg10 : memref<80x128xf32, #tpu.memory_space<vmem>>) offsets(%dma_start3A_41 : memref<80xi32, #tpu.memory_space<vmem>>) semaphore(%arg13 : memref<!tpu.dma_semaphore, #tpu.memory_space<semaphore_mem>>)
      %dma_wait3A_45 = arith.constant 0 : i32
      %dma_wait3A_46 = tpu.memref_slice %arg7[%dma_wait3A_45] : memref<10000xi32, #tpu.memory_space<vmem>> -> memref<80xi32, #tpu.memory_space<vmem>>
      %dma_wait3A_47 = arith.constant 0 : i32
      %dma_wait3A_48 = arith.constant 0 : i32
      %dma_wait3A_49 = tpu.memref_slice %arg2[%dma_wait3A_47, %dma_wait3A_48] : memref<10000x128xf32, #tpu.memory_space<hbm>> -> memref<10000x128xf32, #tpu.memory_space<hbm>>
      tpu.wait_indirect_dma semaphore(%arg12 : memref<!tpu.dma_semaphore, #tpu.memory_space<semaphore_mem>>) src(%dma_wait3A_49 : memref<10000x128xf32, #tpu.memory_space<hbm>>) dst(%arg9 : memref<80x128xf32, #tpu.memory_space<vmem>>)
      "tpu.region"() ({
        %run_scoped3A_101 = tpu.sem_alloc : memref<!tpu.dma_semaphore, #tpu.memory_space<semaphore_mem>>
        %dma_start3A_102 = arith.constant 0 : i32
        %dma_start3A_103 = tpu.memref_slice %arg8[%mul3A_36, %dma_start3A_102] : memref<125x80xi32, #tpu.memory_space<vmem>> -> memref<1x80xi32, #tpu.memory_space<vmem>>
        %dma_start3A_104 = tpu.memref_squeeze %dma_start3A_103 : memref<1x80xi32, #tpu.memory_space<vmem>> -> memref<80xi32, #tpu.memory_space<vmem>>
        %dma_start3A_105 = arith.constant 0 : i32
        %dma_start3A_106 = arith.constant 0 : i32
        %dma_start3A_107 = tpu.memref_slice %arg11[%dma_start3A_105, %dma_start3A_106] : memref<10000x128xf32, #tpu.memory_space<vmem_shared>> -> memref<10000x128xf32, #tpu.memory_space<vmem_shared>>
        tpu.enqueue_indirect_dma source(%arg9 : memref<80x128xf32, #tpu.memory_space<vmem>>) target(%dma_start3A_107 : memref<10000x128xf32, #tpu.memory_space<vmem_shared>>) offsets(%dma_start3A_104 : memref<80xi32, #tpu.memory_space<vmem>>) semaphore(%run_scoped3A_101 : memref<!tpu.dma_semaphore, #tpu.memory_space<semaphore_mem>>) {add = true}
        %dma_wait3A_108 = arith.constant 0 : i32
        %dma_wait3A_109 = tpu.memref_slice %arg8[%mul3A_36, %dma_wait3A_108] : memref<125x80xi32, #tpu.memory_space<vmem>> -> memref<1x80xi32, #tpu.memory_space<vmem>>
        %dma_wait3A_110 = tpu.memref_squeeze %dma_wait3A_109 : memref<1x80xi32, #tpu.memory_space<vmem>> -> memref<80xi32, #tpu.memory_space<vmem>>
        %dma_wait3A_111 = arith.constant 0 : i32
        %dma_wait3A_112 = arith.constant 0 : i32
        %dma_wait3A_113 = tpu.memref_slice %arg11[%dma_wait3A_111, %dma_wait3A_112] : memref<10000x128xf32, #tpu.memory_space<vmem_shared>> -> memref<10000x128xf32, #tpu.memory_space<vmem_shared>>
        tpu.wait_indirect_dma semaphore(%run_scoped3A_101 : memref<!tpu.dma_semaphore, #tpu.memory_space<semaphore_mem>>) src(%arg9 : memref<80x128xf32, #tpu.memory_space<vmem>>) dst(%dma_wait3A_113 : memref<10000x128xf32, #tpu.memory_space<vmem_shared>>)
        tpu.yield
      }) : () -> ()
      %add3A_50 = arith.constant 2 : i32
      %add3A_51 = arith.addi %mul3A_36, %add3A_50 : i32
      %mul3A_52 = arith.constant 80 : i32
      %mul3A_53 = arith.muli %add3A_51, %mul3A_52 : i32
      %dma_start3A_54 = tpu.memref_slice %arg7[%mul3A_53] : memref<10000xi32, #tpu.memory_space<vmem>> -> memref<80xi32, #tpu.memory_space<vmem>>
      %dma_start3A_55 = arith.constant 0 : i32
      %dma_start3A_56 = arith.constant 0 : i32
      %dma_start3A_57 = tpu.memref_slice %arg2[%dma_start3A_55, %dma_start3A_56] : memref<10000x128xf32, #tpu.memory_space<hbm>> -> memref<10000x128xf32, #tpu.memory_space<hbm>>
      tpu.enqueue_indirect_dma source(%dma_start3A_57 : memref<10000x128xf32, #tpu.memory_space<hbm>>) target(%arg9 : memref<80x128xf32, #tpu.memory_space<vmem>>) offsets(%dma_start3A_54 : memref<80xi32, #tpu.memory_space<vmem>>) semaphore(%arg12 : memref<!tpu.dma_semaphore, #tpu.memory_space<semaphore_mem>>)
      %dma_wait3A_58 = arith.constant 0 : i32
      %dma_wait3A_59 = tpu.memref_slice %arg7[%dma_wait3A_58] : memref<10000xi32, #tpu.memory_space<vmem>> -> memref<80xi32, #tpu.memory_space<vmem>>
      %dma_wait3A_60 = arith.constant 0 : i32
      %dma_wait3A_61 = arith.constant 0 : i32
      %dma_wait3A_62 = tpu.memref_slice %arg2[%dma_wait3A_60, %dma_wait3A_61] : memref<10000x128xf32, #tpu.memory_space<hbm>> -> memref<10000x128xf32, #tpu.memory_space<hbm>>
      tpu.wait_indirect_dma semaphore(%arg13 : memref<!tpu.dma_semaphore, #tpu.memory_space<semaphore_mem>>) src(%dma_wait3A_62 : memref<10000x128xf32, #tpu.memory_space<hbm>>) dst(%arg10 : memref<80x128xf32, #tpu.memory_space<vmem>>)
      %add3A_63 = arith.constant 1 : i32
      %add3A_64 = arith.addi %mul3A_36, %add3A_63 : i32
      "tpu.region"() ({
        %run_scoped3A_101 = tpu.sem_alloc : memref<!tpu.dma_semaphore, #tpu.memory_space<semaphore_mem>>
        %dma_start3A_102 = arith.constant 0 : i32
        %dma_start3A_103 = tpu.memref_slice %arg8[%add3A_64, %dma_start3A_102] : memref<125x80xi32, #tpu.memory_space<vmem>> -> memref<1x80xi32, #tpu.memory_space<vmem>>
        %dma_start3A_104 = tpu.memref_squeeze %dma_start3A_103 : memref<1x80xi32, #tpu.memory_space<vmem>> -> memref<80xi32, #tpu.memory_space<vmem>>
        %dma_start3A_105 = arith.constant 0 : i32
        %dma_start3A_106 = arith.constant 0 : i32
        %dma_start3A_107 = tpu.memref_slice %arg11[%dma_start3A_105, %dma_start3A_106] : memref<10000x128xf32, #tpu.memory_space<vmem_shared>> -> memref<10000x128xf32, #tpu.memory_space<vmem_shared>>
        tpu.enqueue_indirect_dma source(%arg10 : memref<80x128xf32, #tpu.memory_space<vmem>>) target(%dma_start3A_107 : memref<10000x128xf32, #tpu.memory_space<vmem_shared>>) offsets(%dma_start3A_104 : memref<80xi32, #tpu.memory_space<vmem>>) semaphore(%run_scoped3A_101 : memref<!tpu.dma_semaphore, #tpu.memory_space<semaphore_mem>>) {add = true}
        %dma_wait3A_108 = arith.constant 0 : i32
        %dma_wait3A_109 = tpu.memref_slice %arg8[%add3A_64, %dma_wait3A_108] : memref<125x80xi32, #tpu.memory_space<vmem>> -> memref<1x80xi32, #tpu.memory_space<vmem>>
        %dma_wait3A_110 = tpu.memref_squeeze %dma_wait3A_109 : memref<1x80xi32, #tpu.memory_space<vmem>> -> memref<80xi32, #tpu.memory_space<vmem>>
        %dma_wait3A_111 = arith.constant 0 : i32
        %dma_wait3A_112 = arith.constant 0 : i32
        %dma_wait3A_113 = tpu.memref_slice %arg11[%dma_wait3A_111, %dma_wait3A_112] : memref<10000x128xf32, #tpu.memory_space<vmem_shared>> -> memref<10000x128xf32, #tpu.memory_space<vmem_shared>>
        tpu.wait_indirect_dma semaphore(%run_scoped3A_101 : memref<!tpu.dma_semaphore, #tpu.memory_space<semaphore_mem>>) src(%arg10 : memref<80x128xf32, #tpu.memory_space<vmem>>) dst(%dma_wait3A_113 : memref<10000x128xf32, #tpu.memory_space<vmem_shared>>)
        tpu.yield
      }) : () -> ()
      %scan3A_65 = arith.constant 1 : i32
      %scan3A_66 = arith.addi %scan3A_30, %scan3A_65 : i32
      %mul3A_67 = arith.constant 1 : i32
      %mul3A_68 = arith.muli %scan3A_66, %mul3A_67 : i32
      %add3A_69 = arith.constant 0 : i32
      %add3A_70 = arith.addi %add3A_69, %mul3A_68 : i32
      %mul3A_71 = arith.constant 2 : i32
      %mul3A_72 = arith.muli %mul3A_71, %add3A_70 : i32
      %add3A_73 = arith.constant 1 : i32
      %add3A_74 = arith.addi %mul3A_72, %add3A_73 : i32
      %mul3A_75 = arith.constant 80 : i32
      %mul3A_76 = arith.muli %add3A_74, %mul3A_75 : i32
      %dma_start3A_77 = tpu.memref_slice %arg7[%mul3A_76] : memref<10000xi32, #tpu.memory_space<vmem>> -> memref<80xi32, #tpu.memory_space<vmem>>
      %dma_start3A_78 = arith.constant 0 : i32
      %dma_start3A_79 = arith.constant 0 : i32
      %dma_start3A_80 = tpu.memref_slice %arg2[%dma_start3A_78, %dma_start3A_79] : memref<10000x128xf32, #tpu.memory_space<hbm>> -> memref<10000x128xf32, #tpu.memory_space<hbm>>
      tpu.enqueue_indirect_dma source(%dma_start3A_80 : memref<10000x128xf32, #tpu.memory_space<hbm>>) target(%arg10 : memref<80x128xf32, #tpu.memory_space<vmem>>) offsets(%dma_start3A_77 : memref<80xi32, #tpu.memory_space<vmem>>) semaphore(%arg13 : memref<!tpu.dma_semaphore, #tpu.memory_space<semaphore_mem>>)
      %dma_wait3A_81 = arith.constant 0 : i32
      %dma_wait3A_82 = tpu.memref_slice %arg7[%dma_wait3A_81] : memref<10000xi32, #tpu.memory_space<vmem>> -> memref<80xi32, #tpu.memory_space<vmem>>
      %dma_wait3A_83 = arith.constant 0 : i32
      %dma_wait3A_84 = arith.constant 0 : i32
      %dma_wait3A_85 = tpu.memref_slice %arg2[%dma_wait3A_83, %dma_wait3A_84] : memref<10000x128xf32, #tpu.memory_space<hbm>> -> memref<10000x128xf32, #tpu.memory_space<hbm>>
      tpu.wait_indirect_dma semaphore(%arg12 : memref<!tpu.dma_semaphore, #tpu.memory_space<semaphore_mem>>) src(%dma_wait3A_85 : memref<10000x128xf32, #tpu.memory_space<hbm>>) dst(%arg9 : memref<80x128xf32, #tpu.memory_space<vmem>>)
      "tpu.region"() ({
        %run_scoped3A_101 = tpu.sem_alloc : memref<!tpu.dma_semaphore, #tpu.memory_space<semaphore_mem>>
        %dma_start3A_102 = arith.constant 0 : i32
        %dma_start3A_103 = tpu.memref_slice %arg8[%mul3A_72, %dma_start3A_102] : memref<125x80xi32, #tpu.memory_space<vmem>> -> memref<1x80xi32, #tpu.memory_space<vmem>>
        %dma_start3A_104 = tpu.memref_squeeze %dma_start3A_103 : memref<1x80xi32, #tpu.memory_space<vmem>> -> memref<80xi32, #tpu.memory_space<vmem>>
        %dma_start3A_105 = arith.constant 0 : i32
        %dma_start3A_106 = arith.constant 0 : i32
        %dma_start3A_107 = tpu.memref_slice %arg11[%dma_start3A_105, %dma_start3A_106] : memref<10000x128xf32, #tpu.memory_space<vmem_shared>> -> memref<10000x128xf32, #tpu.memory_space<vmem_shared>>
        tpu.enqueue_indirect_dma source(%arg9 : memref<80x128xf32, #tpu.memory_space<vmem>>) target(%dma_start3A_107 : memref<10000x128xf32, #tpu.memory_space<vmem_shared>>) offsets(%dma_start3A_104 : memref<80xi32, #tpu.memory_space<vmem>>) semaphore(%run_scoped3A_101 : memref<!tpu.dma_semaphore, #tpu.memory_space<semaphore_mem>>) {add = true}
        %dma_wait3A_108 = arith.constant 0 : i32
        %dma_wait3A_109 = tpu.memref_slice %arg8[%mul3A_72, %dma_wait3A_108] : memref<125x80xi32, #tpu.memory_space<vmem>> -> memref<1x80xi32, #tpu.memory_space<vmem>>
        %dma_wait3A_110 = tpu.memref_squeeze %dma_wait3A_109 : memref<1x80xi32, #tpu.memory_space<vmem>> -> memref<80xi32, #tpu.memory_space<vmem>>
        %dma_wait3A_111 = arith.constant 0 : i32
        %dma_wait3A_112 = arith.constant 0 : i32
        %dma_wait3A_113 = tpu.memref_slice %arg11[%dma_wait3A_111, %dma_wait3A_112] : memref<10000x128xf32, #tpu.memory_space<vmem_shared>> -> memref<10000x128xf32, #tpu.memory_space<vmem_shared>>
        tpu.wait_indirect_dma semaphore(%run_scoped3A_101 : memref<!tpu.dma_semaphore, #tpu.memory_space<semaphore_mem>>) src(%arg9 : memref<80x128xf32, #tpu.memory_space<vmem>>) dst(%dma_wait3A_113 : memref<10000x128xf32, #tpu.memory_space<vmem_shared>>)
        tpu.yield
      }) : () -> ()
      %add3A_86 = arith.constant 2 : i32
      %add3A_87 = arith.addi %mul3A_72, %add3A_86 : i32
      %mul3A_88 = arith.constant 80 : i32
      %mul3A_89 = arith.muli %add3A_87, %mul3A_88 : i32
      %dma_start3A_90 = tpu.memref_slice %arg7[%mul3A_89] : memref<10000xi32, #tpu.memory_space<vmem>> -> memref<80xi32, #tpu.memory_space<vmem>>
      %dma_start3A_91 = arith.constant 0 : i32
      %dma_start3A_92 = arith.constant 0 : i32
      %dma_start3A_93 = tpu.memref_slice %arg2[%dma_start3A_91, %dma_start3A_92] : memref<10000x128xf32, #tpu.memory_space<hbm>> -> memref<10000x128xf32, #tpu.memory_space<hbm>>
      tpu.enqueue_indirect_dma source(%dma_start3A_93 : memref<10000x128xf32, #tpu.memory_space<hbm>>) target(%arg9 : memref<80x128xf32, #tpu.memory_space<vmem>>) offsets(%dma_start3A_90 : memref<80xi32, #tpu.memory_space<vmem>>) semaphore(%arg12 : memref<!tpu.dma_semaphore, #tpu.memory_space<semaphore_mem>>)
      %dma_wait3A_94 = arith.constant 0 : i32
      %dma_wait3A_95 = tpu.memref_slice %arg7[%dma_wait3A_94] : memref<10000xi32, #tpu.memory_space<vmem>> -> memref<80xi32, #tpu.memory_space<vmem>>
      %dma_wait3A_96 = arith.constant 0 : i32
      %dma_wait3A_97 = arith.constant 0 : i32
      %dma_wait3A_98 = tpu.memref_slice %arg2[%dma_wait3A_96, %dma_wait3A_97] : memref<10000x128xf32, #tpu.memory_space<hbm>> -> memref<10000x128xf32, #tpu.memory_space<hbm>>
      tpu.wait_indirect_dma semaphore(%arg13 : memref<!tpu.dma_semaphore, #tpu.memory_space<semaphore_mem>>) src(%dma_wait3A_98 : memref<10000x128xf32, #tpu.memory_space<hbm>>) dst(%arg10 : memref<80x128xf32, #tpu.memory_space<vmem>>)
      %add3A_99 = arith.constant 1 : i32
      %add3A_100 = arith.addi %mul3A_72, %add3A_99 : i32
      "tpu.region"() ({
        %run_scoped3A_101 = tpu.sem_alloc : memref<!tpu.dma_semaphore, #tpu.memory_space<semaphore_mem>>
        %dma_start3A_102 = arith.constant 0 : i32
        %dma_start3A_103 = tpu.memref_slice %arg8[%add3A_100, %dma_start3A_102] : memref<125x80xi32, #tpu.memory_space<vmem>> -> memref<1x80xi32, #tpu.memory_space<vmem>>
        %dma_start3A_104 = tpu.memref_squeeze %dma_start3A_103 : memref<1x80xi32, #tpu.memory_space<vmem>> -> memref<80xi32, #tpu.memory_space<vmem>>
        %dma_start3A_105 = arith.constant 0 : i32
        %dma_start3A_106 = arith.constant 0 : i32
        %dma_start3A_107 = tpu.memref_slice %arg11[%dma_start3A_105, %dma_start3A_106] : memref<10000x128xf32, #tpu.memory_space<vmem_shared>> -> memref<10000x128xf32, #tpu.memory_space<vmem_shared>>
        tpu.enqueue_indirect_dma source(%arg10 : memref<80x128xf32, #tpu.memory_space<vmem>>) target(%dma_start3A_107 : memref<10000x128xf32, #tpu.memory_space<vmem_shared>>) offsets(%dma_start3A_104 : memref<80xi32, #tpu.memory_space<vmem>>) semaphore(%run_scoped3A_101 : memref<!tpu.dma_semaphore, #tpu.memory_space<semaphore_mem>>) {add = true}
        %dma_wait3A_108 = arith.constant 0 : i32
        %dma_wait3A_109 = tpu.memref_slice %arg8[%add3A_100, %dma_wait3A_108] : memref<125x80xi32, #tpu.memory_space<vmem>> -> memref<1x80xi32, #tpu.memory_space<vmem>>
        %dma_wait3A_110 = tpu.memref_squeeze %dma_wait3A_109 : memref<1x80xi32, #tpu.memory_space<vmem>> -> memref<80xi32, #tpu.memory_space<vmem>>
        %dma_wait3A_111 = arith.constant 0 : i32
        %dma_wait3A_112 = arith.constant 0 : i32
        %dma_wait3A_113 = tpu.memref_slice %arg11[%dma_wait3A_111, %dma_wait3A_112] : memref<10000x128xf32, #tpu.memory_space<vmem_shared>> -> memref<10000x128xf32, #tpu.memory_space<vmem_shared>>
        tpu.wait_indirect_dma semaphore(%run_scoped3A_101 : memref<!tpu.dma_semaphore, #tpu.memory_space<semaphore_mem>>) src(%arg10 : memref<80x128xf32, #tpu.memory_space<vmem>>) dst(%dma_wait3A_113 : memref<10000x128xf32, #tpu.memory_space<vmem_shared>>)
        tpu.yield
      }) : () -> ()
    }
    %scan3A_14 = arith.constant 62 : i32
    %dma_wait3A = arith.constant 0 : i32
    %dma_wait3A_15 = tpu.memref_slice %arg7[%dma_wait3A] : memref<10000xi32, #tpu.memory_space<vmem>> -> memref<80xi32, #tpu.memory_space<vmem>>
    %dma_wait3A_16 = arith.constant 0 : i32
    %dma_wait3A_17 = arith.constant 0 : i32
    %dma_wait3A_18 = tpu.memref_slice %arg2[%dma_wait3A_16, %dma_wait3A_17] : memref<10000x128xf32, #tpu.memory_space<hbm>> -> memref<10000x128xf32, #tpu.memory_space<hbm>>
    tpu.wait_indirect_dma semaphore(%arg12 : memref<!tpu.dma_semaphore, #tpu.memory_space<semaphore_mem>>) src(%dma_wait3A_18 : memref<10000x128xf32, #tpu.memory_space<hbm>>) dst(%arg9 : memref<80x128xf32, #tpu.memory_space<vmem>>)
    %run_scoped3A = arith.constant 124 : i32
    "tpu.region"() ({
      %run_scoped3A_30 = tpu.sem_alloc : memref<!tpu.dma_semaphore, #tpu.memory_space<semaphore_mem>>
      %dma_start3A_31 = arith.constant 0 : i32
      %dma_start3A_32 = tpu.memref_slice %arg8[%run_scoped3A, %dma_start3A_31] : memref<125x80xi32, #tpu.memory_space<vmem>> -> memref<1x80xi32, #tpu.memory_space<vmem>>
      %dma_start3A_33 = tpu.memref_squeeze %dma_start3A_32 : memref<1x80xi32, #tpu.memory_space<vmem>> -> memref<80xi32, #tpu.memory_space<vmem>>
      %dma_start3A_34 = arith.constant 0 : i32
      %dma_start3A_35 = arith.constant 0 : i32
      %dma_start3A_36 = tpu.memref_slice %arg11[%dma_start3A_34, %dma_start3A_35] : memref<10000x128xf32, #tpu.memory_space<vmem_shared>> -> memref<10000x128xf32, #tpu.memory_space<vmem_shared>>
      tpu.enqueue_indirect_dma source(%arg9 : memref<80x128xf32, #tpu.memory_space<vmem>>) target(%dma_start3A_36 : memref<10000x128xf32, #tpu.memory_space<vmem_shared>>) offsets(%dma_start3A_33 : memref<80xi32, #tpu.memory_space<vmem>>) semaphore(%run_scoped3A_30 : memref<!tpu.dma_semaphore, #tpu.memory_space<semaphore_mem>>) {add = true}
      %dma_wait3A_37 = arith.constant 0 : i32
      %dma_wait3A_38 = tpu.memref_slice %arg8[%run_scoped3A, %dma_wait3A_37] : memref<125x80xi32, #tpu.memory_space<vmem>> -> memref<1x80xi32, #tpu.memory_space<vmem>>
      %dma_wait3A_39 = tpu.memref_squeeze %dma_wait3A_38 : memref<1x80xi32, #tpu.memory_space<vmem>> -> memref<80xi32, #tpu.memory_space<vmem>>
      %dma_wait3A_40 = arith.constant 0 : i32
      %dma_wait3A_41 = arith.constant 0 : i32
      %dma_wait3A_42 = tpu.memref_slice %arg11[%dma_wait3A_40, %dma_wait3A_41] : memref<10000x128xf32, #tpu.memory_space<vmem_shared>> -> memref<10000x128xf32, #tpu.memory_space<vmem_shared>>
      tpu.wait_indirect_dma semaphore(%run_scoped3A_30 : memref<!tpu.dma_semaphore, #tpu.memory_space<semaphore_mem>>) src(%arg9 : memref<80x128xf32, #tpu.memory_space<vmem>>) dst(%dma_wait3A_42 : memref<10000x128xf32, #tpu.memory_space<vmem_shared>>)
      tpu.yield
    }) : () -> ()
    %barrier3A_19 = arith.constant 0 : index
    tpu.barrier barrier_id(%barrier3A_19)
    %lt3A_20 = arith.constant 15 : i32
    %lt3A_21 = arith.cmpi slt, %arg1, %lt3A_20 : i32
    %convert_element_type3A_22 = arith.extui %lt3A_21 : i1 to i32
    %cond3A_23 = arith.constant 0 : i32
    %cond3A_24 = arith.cmpi ne, %convert_element_type3A_22, %cond3A_23 : i32
    scf.if %cond3A_24 {
      %mul3A_30 = arith.constant 632 : i32
      %mul3A_31 = arith.muli %arg1, %mul3A_30 : i32
      %mul3A_32 = arith.constant 632 : i32
      %mul3A_33 = arith.muli %arg1, %mul3A_32 : i32
      "tpu.region"() ({
        %run_scoped3A_34 = tpu.sem_alloc : memref<!tpu.dma_semaphore, #tpu.memory_space<semaphore_mem>>
        %dma_start3A_35 = arith.constant 0 : i32
        %dma_start3A_36 = tpu.memref_slice %arg6[%arg0, %mul3A_33, %dma_start3A_35] : memref<2x10000x128xf32, #tpu.memory_space<hbm>> -> memref<1x632x128xf32, #tpu.memory_space<hbm>>
        %dma_start3A_37 = tpu.memref_squeeze %dma_start3A_36 : memref<1x632x128xf32, #tpu.memory_space<hbm>> -> memref<632x128xf32, #tpu.memory_space<hbm>>
        %dma_start3A_38 = arith.constant 0 : i32
        %dma_start3A_39 = tpu.memref_slice %arg11[%mul3A_31, %dma_start3A_38] : memref<10000x128xf32, #tpu.memory_space<vmem_shared>> -> memref<632x128xf32, #tpu.memory_space<vmem_shared>>
        tpu.enqueue_dma source(%dma_start3A_39 : memref<632x128xf32, #tpu.memory_space<vmem_shared>>) target(%dma_start3A_37 : memref<632x128xf32, #tpu.memory_space<hbm>>) target_semaphore(%run_scoped3A_34 : memref<!tpu.dma_semaphore, #tpu.memory_space<semaphore_mem>>)
        %dma_wait3A_40 = arith.constant 0 : i32
        %dma_wait3A_41 = tpu.memref_slice %arg6[%arg0, %mul3A_33, %dma_wait3A_40] : memref<2x10000x128xf32, #tpu.memory_space<hbm>> -> memref<1x632x128xf32, #tpu.memory_space<hbm>>
        %dma_wait3A_42 = tpu.memref_squeeze %dma_wait3A_41 : memref<1x632x128xf32, #tpu.memory_space<hbm>> -> memref<632x128xf32, #tpu.memory_space<hbm>>
        %dma_wait3A_43 = arith.constant 0 : i32
        %dma_wait3A_44 = tpu.memref_slice %arg11[%mul3A_31, %dma_wait3A_43] : memref<10000x128xf32, #tpu.memory_space<vmem_shared>> -> memref<632x128xf32, #tpu.memory_space<vmem_shared>>
        tpu.wait_dma2 semaphore(%run_scoped3A_34 : memref<!tpu.dma_semaphore, #tpu.memory_space<semaphore_mem>>) src(%dma_wait3A_44 : memref<632x128xf32, #tpu.memory_space<vmem_shared>>) dst(%dma_wait3A_42 : memref<632x128xf32, #tpu.memory_space<hbm>>)
        tpu.yield
      }) : () -> ()
    } else {
    }
    %eq3A_25 = arith.constant 15 : i32
    %eq3A_26 = arith.cmpi eq, %arg1, %eq3A_25 : i32
    %convert_element_type3A_27 = arith.extui %eq3A_26 : i1 to i32
    %cond3A_28 = arith.constant 0 : i32
    %cond3A_29 = arith.cmpi ne, %convert_element_type3A_27, %cond3A_28 : i32
    scf.if %cond3A_29 {
      %mul3A_30 = arith.constant 632 : i32
      %mul3A_31 = arith.muli %arg1, %mul3A_30 : i32
      %mul3A_32 = arith.constant 632 : i32
      %mul3A_33 = arith.muli %arg1, %mul3A_32 : i32
      "tpu.region"() ({
        %run_scoped3A_34 = tpu.sem_alloc : memref<!tpu.dma_semaphore, #tpu.memory_space<semaphore_mem>>
        %dma_start3A_35 = arith.constant 0 : i32
        %dma_start3A_36 = tpu.memref_slice %arg6[%arg0, %mul3A_33, %dma_start3A_35] : memref<2x10000x128xf32, #tpu.memory_space<hbm>> -> memref<1x520x128xf32, #tpu.memory_space<hbm>>
        %dma_start3A_37 = tpu.memref_squeeze %dma_start3A_36 : memref<1x520x128xf32, #tpu.memory_space<hbm>> -> memref<520x128xf32, #tpu.memory_space<hbm>>
        %dma_start3A_38 = arith.constant 0 : i32
        %dma_start3A_39 = tpu.memref_slice %arg11[%mul3A_31, %dma_start3A_38] : memref<10000x128xf32, #tpu.memory_space<vmem_shared>> -> memref<520x128xf32, #tpu.memory_space<vmem_shared>>
        tpu.enqueue_dma source(%dma_start3A_39 : memref<520x128xf32, #tpu.memory_space<vmem_shared>>) target(%dma_start3A_37 : memref<520x128xf32, #tpu.memory_space<hbm>>) target_semaphore(%run_scoped3A_34 : memref<!tpu.dma_semaphore, #tpu.memory_space<semaphore_mem>>)
        %dma_wait3A_40 = arith.constant 0 : i32
        %dma_wait3A_41 = tpu.memref_slice %arg6[%arg0, %mul3A_33, %dma_wait3A_40] : memref<2x10000x128xf32, #tpu.memory_space<hbm>> -> memref<1x520x128xf32, #tpu.memory_space<hbm>>
        %dma_wait3A_42 = tpu.memref_squeeze %dma_wait3A_41 : memref<1x520x128xf32, #tpu.memory_space<hbm>> -> memref<520x128xf32, #tpu.memory_space<hbm>>
        %dma_wait3A_43 = arith.constant 0 : i32
        %dma_wait3A_44 = tpu.memref_slice %arg11[%mul3A_31, %dma_wait3A_43] : memref<10000x128xf32, #tpu.memory_space<vmem_shared>> -> memref<520x128xf32, #tpu.memory_space<vmem_shared>>
        tpu.wait_dma2 semaphore(%run_scoped3A_34 : memref<!tpu.dma_semaphore, #tpu.memory_space<semaphore_mem>>) src(%dma_wait3A_44 : memref<520x128xf32, #tpu.memory_space<vmem_shared>>) dst(%dma_wait3A_42 : memref<520x128xf32, #tpu.memory_space<hbm>>)
        tpu.yield
      }) : () -> ()
    } else {
    }
    return
  }
}

#map = affine_map<(d0, d1) -> (0, 0)>
#map1 = affine_map<(d0, d1) -> (0, 0, 0)>
module attributes {stable_mosaic.version = 14 : i64} {
  func.func @agg(%arg0: i32, %arg1: i32, %arg2: memref<10000x128xf32, #tpu.memory_space<hbm>>, %arg3: memref<32x10000xi32, #tpu.memory_space<hbm>>, %arg4: memref<32x125x80xi32, #tpu.memory_space<hbm>>, %arg5: memref<632x128xf32, #tpu.memory_space<hbm>>, %arg6: memref<2x10000x128xf32, #tpu.memory_space<hbm>>, %arg7: memref<10000xi32, #tpu.memory_space<vmem>>, %arg8: memref<125x80xi32, #tpu.memory_space<vmem>>, %arg9: memref<80x128xf32, #tpu.memory_space<vmem>>, %arg10: memref<80x128xf32, #tpu.memory_space<vmem>>, %arg11: memref<10000x128xf32, #tpu.memory_space<vmem_shared>>, %arg12: memref<!tpu.dma_semaphore, #tpu.memory_space<semaphore_mem>>, %arg13: memref<!tpu.dma_semaphore, #tpu.memory_space<semaphore_mem>>) attributes {dimension_semantics = [#tpu.dimension_semantics<core_parallel>, #tpu.dimension_semantics<subcore_parallel>], iteration_bounds = array<i64: 2, 16>, scalar_prefetch = 0 : i64, scratch_operands = 7 : i64, tpu.core_type = #tpu.core_type<sc_vector_subcore>, window_params = [{transform_indices = #map}, {transform_indices = #map}, {transform_indices = #map1}, {transform_indices = #map}, {transform_indices = #map1}]} {
    %mul3A = arith.constant 16 : i32
    %mul3A_0 = arith.muli %arg0, %mul3A : i32
    %add3A = arith.addi %mul3A_0, %arg1 : i32
    "tpu.region"() ({
      %run_scoped3A_30 = tpu.sem_alloc : memref<!tpu.dma_semaphore, #tpu.memory_space<semaphore_mem>>
      %dma_start3A_31 = arith.constant 0 : i32
      %dma_start3A_32 = tpu.memref_slice %arg3[%add3A, %dma_start3A_31] : memref<32x10000xi32, #tpu.memory_space<hbm>> -> memref<1x10000xi32, #tpu.memory_space<hbm>>
      %dma_start3A_33 = tpu.memref_squeeze %dma_start3A_32 : memref<1x10000xi32, #tpu.memory_space<hbm>> -> memref<10000xi32, #tpu.memory_space<hbm>>
      %dma_start3A_34 = arith.constant 0 : i32
      %dma_start3A_35 = tpu.memref_slice %arg3[%add3A, %dma_start3A_34] : memref<32x10000xi32, #tpu.memory_space<hbm>> -> memref<1x10000xi32, #tpu.memory_space<hbm>>
      %dma_start3A_36 = tpu.memref_squeeze %dma_start3A_35 : memref<1x10000xi32, #tpu.memory_space<hbm>> -> memref<10000xi32, #tpu.memory_space<hbm>>
      tpu.enqueue_dma source(%dma_start3A_36 : memref<10000xi32, #tpu.memory_space<hbm>>) target(%arg7 : memref<10000xi32, #tpu.memory_space<vmem>>) target_semaphore(%run_scoped3A_30 : memref<!tpu.dma_semaphore, #tpu.memory_space<semaphore_mem>>)
      %dma_wait3A_37 = arith.constant 0 : i32
      %dma_wait3A_38 = tpu.memref_slice %arg3[%add3A, %dma_wait3A_37] : memref<32x10000xi32, #tpu.memory_space<hbm>> -> memref<1x10000xi32, #tpu.memory_space<hbm>>
      %dma_wait3A_39 = tpu.memref_squeeze %dma_wait3A_38 : memref<1x10000xi32, #tpu.memory_space<hbm>> -> memref<10000xi32, #tpu.memory_space<hbm>>
      %dma_wait3A_40 = arith.constant 0 : i32
      %dma_wait3A_41 = tpu.memref_slice %arg3[%add3A, %dma_wait3A_40] : memref<32x10000xi32, #tpu.memory_space<hbm>> -> memref<1x10000xi32, #tpu.memory_space<hbm>>
      %dma_wait3A_42 = tpu.memref_squeeze %dma_wait3A_41 : memref<1x10000xi32, #tpu.memory_space<hbm>> -> memref<10000xi32, #tpu.memory_space<hbm>>
      tpu.wait_dma2 semaphore(%run_scoped3A_30 : memref<!tpu.dma_semaphore, #tpu.memory_space<semaphore_mem>>) src(%dma_wait3A_42 : memref<10000xi32, #tpu.memory_space<hbm>>) dst(%arg7 : memref<10000xi32, #tpu.memory_space<vmem>>)
      tpu.yield
    }) : () -> ()
    "tpu.region"() ({
      %run_scoped3A_30 = tpu.sem_alloc : memref<!tpu.dma_semaphore, #tpu.memory_space<semaphore_mem>>
      %dma_start3A_31 = arith.constant 0 : i32
      %dma_start3A_32 = arith.constant 0 : i32
      %dma_start3A_33 = tpu.memref_slice %arg4[%add3A, %dma_start3A_31, %dma_start3A_32] : memref<32x125x80xi32, #tpu.memory_space<hbm>> -> memref<1x125x80xi32, #tpu.memory_space<hbm>>
      %dma_start3A_34 = tpu.memref_squeeze %dma_start3A_33 : memref<1x125x80xi32, #tpu.memory_space<hbm>> -> memref<125x80xi32, #tpu.memory_space<hbm>>
      %dma_start3A_35 = arith.constant 0 : i32
      %dma_start3A_36 = arith.constant 0 : i32
      %dma_start3A_37 = tpu.memref_slice %arg4[%add3A, %dma_start3A_35, %dma_start3A_36] : memref<32x125x80xi32, #tpu.memory_space<hbm>> -> memref<1x125x80xi32, #tpu.memory_space<hbm>>
      %dma_start3A_38 = tpu.memref_squeeze %dma_start3A_37 : memref<1x125x80xi32, #tpu.memory_space<hbm>> -> memref<125x80xi32, #tpu.memory_space<hbm>>
      tpu.enqueue_dma source(%dma_start3A_38 : memref<125x80xi32, #tpu.memory_space<hbm>>) target(%arg8 : memref<125x80xi32, #tpu.memory_space<vmem>>) target_semaphore(%run_scoped3A_30 : memref<!tpu.dma_semaphore, #tpu.memory_space<semaphore_mem>>)
      %dma_wait3A_39 = arith.constant 0 : i32
      %dma_wait3A_40 = arith.constant 0 : i32
      %dma_wait3A_41 = tpu.memref_slice %arg4[%add3A, %dma_wait3A_39, %dma_wait3A_40] : memref<32x125x80xi32, #tpu.memory_space<hbm>> -> memref<1x125x80xi32, #tpu.memory_space<hbm>>
      %dma_wait3A_42 = tpu.memref_squeeze %dma_wait3A_41 : memref<1x125x80xi32, #tpu.memory_space<hbm>> -> memref<125x80xi32, #tpu.memory_space<hbm>>
      %dma_wait3A_43 = arith.constant 0 : i32
      %dma_wait3A_44 = arith.constant 0 : i32
      %dma_wait3A_45 = tpu.memref_slice %arg4[%add3A, %dma_wait3A_43, %dma_wait3A_44] : memref<32x125x80xi32, #tpu.memory_space<hbm>> -> memref<1x125x80xi32, #tpu.memory_space<hbm>>
      %dma_wait3A_46 = tpu.memref_squeeze %dma_wait3A_45 : memref<1x125x80xi32, #tpu.memory_space<hbm>> -> memref<125x80xi32, #tpu.memory_space<hbm>>
      tpu.wait_dma2 semaphore(%run_scoped3A_30 : memref<!tpu.dma_semaphore, #tpu.memory_space<semaphore_mem>>) src(%dma_wait3A_46 : memref<125x80xi32, #tpu.memory_space<hbm>>) dst(%arg8 : memref<125x80xi32, #tpu.memory_space<vmem>>)
      tpu.yield
    }) : () -> ()
    %dma_start3A = arith.constant 0 : i32
    %dma_start3A_1 = tpu.memref_slice %arg7[%dma_start3A] : memref<10000xi32, #tpu.memory_space<vmem>> -> memref<80xi32, #tpu.memory_space<vmem>>
    %dma_start3A_2 = arith.constant 0 : i32
    %dma_start3A_3 = arith.constant 0 : i32
    %dma_start3A_4 = tpu.memref_slice %arg2[%dma_start3A_2, %dma_start3A_3] : memref<10000x128xf32, #tpu.memory_space<hbm>> -> memref<10000x128xf32, #tpu.memory_space<hbm>>
    tpu.enqueue_indirect_dma source(%dma_start3A_4 : memref<10000x128xf32, #tpu.memory_space<hbm>>) target(%arg9 : memref<80x128xf32, #tpu.memory_space<vmem>>) offsets(%dma_start3A_1 : memref<80xi32, #tpu.memory_space<vmem>>) semaphore(%arg12 : memref<!tpu.dma_semaphore, #tpu.memory_space<semaphore_mem>>)
    %lt3A = arith.constant 15 : i32
    %lt3A_5 = arith.cmpi slt, %arg1, %lt3A : i32
    %convert_element_type3A = arith.extui %lt3A_5 : i1 to i32
    %cond3A = arith.constant 0 : i32
    %cond3A_6 = arith.cmpi ne, %convert_element_type3A, %cond3A : i32
    scf.if %cond3A_6 {
      %mul3A_30 = arith.constant 632 : i32
      %mul3A_31 = arith.muli %arg1, %mul3A_30 : i32
      "tpu.region"() ({
        %run_scoped3A_32 = tpu.sem_alloc : memref<!tpu.dma_semaphore, #tpu.memory_space<semaphore_mem>>
        %dma_start3A_33 = arith.constant 0 : i32
        %dma_start3A_34 = tpu.memref_slice %arg11[%mul3A_31, %dma_start3A_33] : memref<10000x128xf32, #tpu.memory_space<vmem_shared>> -> memref<632x128xf32, #tpu.memory_space<vmem_shared>>
        tpu.enqueue_dma source(%arg5 : memref<632x128xf32, #tpu.memory_space<hbm>>) target(%dma_start3A_34 : memref<632x128xf32, #tpu.memory_space<vmem_shared>>) target_semaphore(%run_scoped3A_32 : memref<!tpu.dma_semaphore, #tpu.memory_space<semaphore_mem>>)
        %dma_wait3A_35 = arith.constant 0 : i32
        %dma_wait3A_36 = tpu.memref_slice %arg11[%mul3A_31, %dma_wait3A_35] : memref<10000x128xf32, #tpu.memory_space<vmem_shared>> -> memref<632x128xf32, #tpu.memory_space<vmem_shared>>
        tpu.wait_dma2 semaphore(%run_scoped3A_32 : memref<!tpu.dma_semaphore, #tpu.memory_space<semaphore_mem>>) src(%arg5 : memref<632x128xf32, #tpu.memory_space<hbm>>) dst(%dma_wait3A_36 : memref<632x128xf32, #tpu.memory_space<vmem_shared>>)
        tpu.yield
      }) : () -> ()
    } else {
    }
    %eq3A = arith.constant 15 : i32
    %eq3A_7 = arith.cmpi eq, %arg1, %eq3A : i32
    %convert_element_type3A_8 = arith.extui %eq3A_7 : i1 to i32
    %cond3A_9 = arith.constant 0 : i32
    %cond3A_10 = arith.cmpi ne, %convert_element_type3A_8, %cond3A_9 : i32
    scf.if %cond3A_10 {
      %mul3A_30 = arith.constant 632 : i32
      %mul3A_31 = arith.muli %arg1, %mul3A_30 : i32
      "tpu.region"() ({
        %run_scoped3A_32 = tpu.sem_alloc : memref<!tpu.dma_semaphore, #tpu.memory_space<semaphore_mem>>
        %dma_start3A_33 = arith.constant 0 : i32
        %dma_start3A_34 = tpu.memref_slice %arg11[%mul3A_31, %dma_start3A_33] : memref<10000x128xf32, #tpu.memory_space<vmem_shared>> -> memref<520x128xf32, #tpu.memory_space<vmem_shared>>
        %dma_start3A_35 = arith.constant 0 : i32
        %dma_start3A_36 = arith.constant 0 : i32
        %dma_start3A_37 = tpu.memref_slice %arg5[%dma_start3A_35, %dma_start3A_36] : memref<632x128xf32, #tpu.memory_space<hbm>> -> memref<520x128xf32, #tpu.memory_space<hbm>>
        tpu.enqueue_dma source(%dma_start3A_37 : memref<520x128xf32, #tpu.memory_space<hbm>>) target(%dma_start3A_34 : memref<520x128xf32, #tpu.memory_space<vmem_shared>>) target_semaphore(%run_scoped3A_32 : memref<!tpu.dma_semaphore, #tpu.memory_space<semaphore_mem>>)
        %dma_wait3A_38 = arith.constant 0 : i32
        %dma_wait3A_39 = tpu.memref_slice %arg11[%mul3A_31, %dma_wait3A_38] : memref<10000x128xf32, #tpu.memory_space<vmem_shared>> -> memref<520x128xf32, #tpu.memory_space<vmem_shared>>
        %dma_wait3A_40 = arith.constant 0 : i32
        %dma_wait3A_41 = arith.constant 0 : i32
        %dma_wait3A_42 = tpu.memref_slice %arg5[%dma_wait3A_40, %dma_wait3A_41] : memref<632x128xf32, #tpu.memory_space<hbm>> -> memref<520x128xf32, #tpu.memory_space<hbm>>
        tpu.wait_dma2 semaphore(%run_scoped3A_32 : memref<!tpu.dma_semaphore, #tpu.memory_space<semaphore_mem>>) src(%dma_wait3A_42 : memref<520x128xf32, #tpu.memory_space<hbm>>) dst(%dma_wait3A_39 : memref<520x128xf32, #tpu.memory_space<vmem_shared>>)
        tpu.yield
      }) : () -> ()
    } else {
    }
    %barrier3A = arith.constant 0 : index
    tpu.barrier barrier_id(%barrier3A)
    %scan3A = arith.constant 0 : i32
    %scan3A_11 = arith.constant 62 : i32
    %scan3A_12 = arith.addi %scan3A, %scan3A_11 : i32
    %scan3A_13 = arith.constant 2 : i32
    scf.for %scan3A_30 = %scan3A to %scan3A_12 step %scan3A_13  : i32 {
      %mul3A_31 = arith.constant 1 : i32
      %mul3A_32 = arith.muli %scan3A_30, %mul3A_31 : i32
      %add3A_33 = arith.constant 0 : i32
      %add3A_34 = arith.addi %add3A_33, %mul3A_32 : i32
      %mul3A_35 = arith.constant 2 : i32
      %mul3A_36 = arith.muli %mul3A_35, %add3A_34 : i32
      %add3A_37 = arith.constant 1 : i32
      %add3A_38 = arith.addi %mul3A_36, %add3A_37 : i32
      %mul3A_39 = arith.constant 80 : i32
      %mul3A_40 = arith.muli %add3A_38, %mul3A_39 : i32
      %dma_start3A_41 = tpu.memref_slice %arg7[%mul3A_40] : memref<10000xi32, #tpu.memory_space<vmem>> -> memref<80xi32, #tpu.memory_space<vmem>>
      %dma_start3A_42 = arith.constant 0 : i32
      %dma_start3A_43 = arith.constant 0 : i32
      %dma_start3A_44 = tpu.memref_slice %arg2[%dma_start3A_42, %dma_start3A_43] : memref<10000x128xf32, #tpu.memory_space<hbm>> -> memref<10000x128xf32, #tpu.memory_space<hbm>>
      tpu.enqueue_indirect_dma source(%dma_start3A_44 : memref<10000x128xf32, #tpu.memory_space<hbm>>) target(%arg10 : memref<80x128xf32, #tpu.memory_space<vmem>>) offsets(%dma_start3A_41 : memref<80xi32, #tpu.memory_space<vmem>>) semaphore(%arg13 : memref<!tpu.dma_semaphore, #tpu.memory_space<semaphore_mem>>)
      %dma_wait3A_45 = arith.constant 0 : i32
      %dma_wait3A_46 = tpu.memref_slice %arg7[%dma_wait3A_45] : memref<10000xi32, #tpu.memory_space<vmem>> -> memref<80xi32, #tpu.memory_space<vmem>>
      %dma_wait3A_47 = arith.constant 0 : i32
      %dma_wait3A_48 = arith.constant 0 : i32
      %dma_wait3A_49 = tpu.memref_slice %arg2[%dma_wait3A_47, %dma_wait3A_48] : memref<10000x128xf32, #tpu.memory_space<hbm>> -> memref<10000x128xf32, #tpu.memory_space<hbm>>
      tpu.wait_indirect_dma semaphore(%arg12 : memref<!tpu.dma_semaphore, #tpu.memory_space<semaphore_mem>>) src(%dma_wait3A_49 : memref<10000x128xf32, #tpu.memory_space<hbm>>) dst(%arg9 : memref<80x128xf32, #tpu.memory_space<vmem>>)
      "tpu.region"() ({
        %run_scoped3A_101 = tpu.sem_alloc : memref<!tpu.dma_semaphore, #tpu.memory_space<semaphore_mem>>
        %dma_start3A_102 = arith.constant 0 : i32
        %dma_start3A_103 = tpu.memref_slice %arg8[%mul3A_36, %dma_start3A_102] : memref<125x80xi32, #tpu.memory_space<vmem>> -> memref<1x80xi32, #tpu.memory_space<vmem>>
        %dma_start3A_104 = tpu.memref_squeeze %dma_start3A_103 : memref<1x80xi32, #tpu.memory_space<vmem>> -> memref<80xi32, #tpu.memory_space<vmem>>
        %dma_start3A_105 = arith.constant 0 : i32
        %dma_start3A_106 = arith.constant 0 : i32
        %dma_start3A_107 = tpu.memref_slice %arg11[%dma_start3A_105, %dma_start3A_106] : memref<10000x128xf32, #tpu.memory_space<vmem_shared>> -> memref<10000x128xf32, #tpu.memory_space<vmem_shared>>
        tpu.enqueue_indirect_dma source(%arg9 : memref<80x128xf32, #tpu.memory_space<vmem>>) target(%dma_start3A_107 : memref<10000x128xf32, #tpu.memory_space<vmem_shared>>) offsets(%dma_start3A_104 : memref<80xi32, #tpu.memory_space<vmem>>) semaphore(%run_scoped3A_101 : memref<!tpu.dma_semaphore, #tpu.memory_space<semaphore_mem>>) {add = true}
        %dma_wait3A_108 = arith.constant 0 : i32
        %dma_wait3A_109 = tpu.memref_slice %arg8[%mul3A_36, %dma_wait3A_108] : memref<125x80xi32, #tpu.memory_space<vmem>> -> memref<1x80xi32, #tpu.memory_space<vmem>>
        %dma_wait3A_110 = tpu.memref_squeeze %dma_wait3A_109 : memref<1x80xi32, #tpu.memory_space<vmem>> -> memref<80xi32, #tpu.memory_space<vmem>>
        %dma_wait3A_111 = arith.constant 0 : i32
        %dma_wait3A_112 = arith.constant 0 : i32
        %dma_wait3A_113 = tpu.memref_slice %arg11[%dma_wait3A_111, %dma_wait3A_112] : memref<10000x128xf32, #tpu.memory_space<vmem_shared>> -> memref<10000x128xf32, #tpu.memory_space<vmem_shared>>
        tpu.wait_indirect_dma semaphore(%run_scoped3A_101 : memref<!tpu.dma_semaphore, #tpu.memory_space<semaphore_mem>>) src(%arg9 : memref<80x128xf32, #tpu.memory_space<vmem>>) dst(%dma_wait3A_113 : memref<10000x128xf32, #tpu.memory_space<vmem_shared>>)
        tpu.yield
      }) : () -> ()
      %add3A_50 = arith.constant 2 : i32
      %add3A_51 = arith.addi %mul3A_36, %add3A_50 : i32
      %mul3A_52 = arith.constant 80 : i32
      %mul3A_53 = arith.muli %add3A_51, %mul3A_52 : i32
      %dma_start3A_54 = tpu.memref_slice %arg7[%mul3A_53] : memref<10000xi32, #tpu.memory_space<vmem>> -> memref<80xi32, #tpu.memory_space<vmem>>
      %dma_start3A_55 = arith.constant 0 : i32
      %dma_start3A_56 = arith.constant 0 : i32
      %dma_start3A_57 = tpu.memref_slice %arg2[%dma_start3A_55, %dma_start3A_56] : memref<10000x128xf32, #tpu.memory_space<hbm>> -> memref<10000x128xf32, #tpu.memory_space<hbm>>
      tpu.enqueue_indirect_dma source(%dma_start3A_57 : memref<10000x128xf32, #tpu.memory_space<hbm>>) target(%arg9 : memref<80x128xf32, #tpu.memory_space<vmem>>) offsets(%dma_start3A_54 : memref<80xi32, #tpu.memory_space<vmem>>) semaphore(%arg12 : memref<!tpu.dma_semaphore, #tpu.memory_space<semaphore_mem>>)
      %dma_wait3A_58 = arith.constant 0 : i32
      %dma_wait3A_59 = tpu.memref_slice %arg7[%dma_wait3A_58] : memref<10000xi32, #tpu.memory_space<vmem>> -> memref<80xi32, #tpu.memory_space<vmem>>
      %dma_wait3A_60 = arith.constant 0 : i32
      %dma_wait3A_61 = arith.constant 0 : i32
      %dma_wait3A_62 = tpu.memref_slice %arg2[%dma_wait3A_60, %dma_wait3A_61] : memref<10000x128xf32, #tpu.memory_space<hbm>> -> memref<10000x128xf32, #tpu.memory_space<hbm>>
      tpu.wait_indirect_dma semaphore(%arg13 : memref<!tpu.dma_semaphore, #tpu.memory_space<semaphore_mem>>) src(%dma_wait3A_62 : memref<10000x128xf32, #tpu.memory_space<hbm>>) dst(%arg10 : memref<80x128xf32, #tpu.memory_space<vmem>>)
      %add3A_63 = arith.constant 1 : i32
      %add3A_64 = arith.addi %mul3A_36, %add3A_63 : i32
      "tpu.region"() ({
        %run_scoped3A_101 = tpu.sem_alloc : memref<!tpu.dma_semaphore, #tpu.memory_space<semaphore_mem>>
        %dma_start3A_102 = arith.constant 0 : i32
        %dma_start3A_103 = tpu.memref_slice %arg8[%add3A_64, %dma_start3A_102] : memref<125x80xi32, #tpu.memory_space<vmem>> -> memref<1x80xi32, #tpu.memory_space<vmem>>
        %dma_start3A_104 = tpu.memref_squeeze %dma_start3A_103 : memref<1x80xi32, #tpu.memory_space<vmem>> -> memref<80xi32, #tpu.memory_space<vmem>>
        %dma_start3A_105 = arith.constant 0 : i32
        %dma_start3A_106 = arith.constant 0 : i32
        %dma_start3A_107 = tpu.memref_slice %arg11[%dma_start3A_105, %dma_start3A_106] : memref<10000x128xf32, #tpu.memory_space<vmem_shared>> -> memref<10000x128xf32, #tpu.memory_space<vmem_shared>>
        tpu.enqueue_indirect_dma source(%arg10 : memref<80x128xf32, #tpu.memory_space<vmem>>) target(%dma_start3A_107 : memref<10000x128xf32, #tpu.memory_space<vmem_shared>>) offsets(%dma_start3A_104 : memref<80xi32, #tpu.memory_space<vmem>>) semaphore(%run_scoped3A_101 : memref<!tpu.dma_semaphore, #tpu.memory_space<semaphore_mem>>) {add = true}
        %dma_wait3A_108 = arith.constant 0 : i32
        %dma_wait3A_109 = tpu.memref_slice %arg8[%add3A_64, %dma_wait3A_108] : memref<125x80xi32, #tpu.memory_space<vmem>> -> memref<1x80xi32, #tpu.memory_space<vmem>>
        %dma_wait3A_110 = tpu.memref_squeeze %dma_wait3A_109 : memref<1x80xi32, #tpu.memory_space<vmem>> -> memref<80xi32, #tpu.memory_space<vmem>>
        %dma_wait3A_111 = arith.constant 0 : i32
        %dma_wait3A_112 = arith.constant 0 : i32
        %dma_wait3A_113 = tpu.memref_slice %arg11[%dma_wait3A_111, %dma_wait3A_112] : memref<10000x128xf32, #tpu.memory_space<vmem_shared>> -> memref<10000x128xf32, #tpu.memory_space<vmem_shared>>
        tpu.wait_indirect_dma semaphore(%run_scoped3A_101 : memref<!tpu.dma_semaphore, #tpu.memory_space<semaphore_mem>>) src(%arg10 : memref<80x128xf32, #tpu.memory_space<vmem>>) dst(%dma_wait3A_113 : memref<10000x128xf32, #tpu.memory_space<vmem_shared>>)
        tpu.yield
      }) : () -> ()
      %scan3A_65 = arith.constant 1 : i32
      %scan3A_66 = arith.addi %scan3A_30, %scan3A_65 : i32
      %mul3A_67 = arith.constant 1 : i32
      %mul3A_68 = arith.muli %scan3A_66, %mul3A_67 : i32
      %add3A_69 = arith.constant 0 : i32
      %add3A_70 = arith.addi %add3A_69, %mul3A_68 : i32
      %mul3A_71 = arith.constant 2 : i32
      %mul3A_72 = arith.muli %mul3A_71, %add3A_70 : i32
      %add3A_73 = arith.constant 1 : i32
      %add3A_74 = arith.addi %mul3A_72, %add3A_73 : i32
      %mul3A_75 = arith.constant 80 : i32
      %mul3A_76 = arith.muli %add3A_74, %mul3A_75 : i32
      %dma_start3A_77 = tpu.memref_slice %arg7[%mul3A_76] : memref<10000xi32, #tpu.memory_space<vmem>> -> memref<80xi32, #tpu.memory_space<vmem>>
      %dma_start3A_78 = arith.constant 0 : i32
      %dma_start3A_79 = arith.constant 0 : i32
      %dma_start3A_80 = tpu.memref_slice %arg2[%dma_start3A_78, %dma_start3A_79] : memref<10000x128xf32, #tpu.memory_space<hbm>> -> memref<10000x128xf32, #tpu.memory_space<hbm>>
      tpu.enqueue_indirect_dma source(%dma_start3A_80 : memref<10000x128xf32, #tpu.memory_space<hbm>>) target(%arg10 : memref<80x128xf32, #tpu.memory_space<vmem>>) offsets(%dma_start3A_77 : memref<80xi32, #tpu.memory_space<vmem>>) semaphore(%arg13 : memref<!tpu.dma_semaphore, #tpu.memory_space<semaphore_mem>>)
      %dma_wait3A_81 = arith.constant 0 : i32
      %dma_wait3A_82 = tpu.memref_slice %arg7[%dma_wait3A_81] : memref<10000xi32, #tpu.memory_space<vmem>> -> memref<80xi32, #tpu.memory_space<vmem>>
      %dma_wait3A_83 = arith.constant 0 : i32
      %dma_wait3A_84 = arith.constant 0 : i32
      %dma_wait3A_85 = tpu.memref_slice %arg2[%dma_wait3A_83, %dma_wait3A_84] : memref<10000x128xf32, #tpu.memory_space<hbm>> -> memref<10000x128xf32, #tpu.memory_space<hbm>>
      tpu.wait_indirect_dma semaphore(%arg12 : memref<!tpu.dma_semaphore, #tpu.memory_space<semaphore_mem>>) src(%dma_wait3A_85 : memref<10000x128xf32, #tpu.memory_space<hbm>>) dst(%arg9 : memref<80x128xf32, #tpu.memory_space<vmem>>)
      "tpu.region"() ({
        %run_scoped3A_101 = tpu.sem_alloc : memref<!tpu.dma_semaphore, #tpu.memory_space<semaphore_mem>>
        %dma_start3A_102 = arith.constant 0 : i32
        %dma_start3A_103 = tpu.memref_slice %arg8[%mul3A_72, %dma_start3A_102] : memref<125x80xi32, #tpu.memory_space<vmem>> -> memref<1x80xi32, #tpu.memory_space<vmem>>
        %dma_start3A_104 = tpu.memref_squeeze %dma_start3A_103 : memref<1x80xi32, #tpu.memory_space<vmem>> -> memref<80xi32, #tpu.memory_space<vmem>>
        %dma_start3A_105 = arith.constant 0 : i32
        %dma_start3A_106 = arith.constant 0 : i32
        %dma_start3A_107 = tpu.memref_slice %arg11[%dma_start3A_105, %dma_start3A_106] : memref<10000x128xf32, #tpu.memory_space<vmem_shared>> -> memref<10000x128xf32, #tpu.memory_space<vmem_shared>>
        tpu.enqueue_indirect_dma source(%arg9 : memref<80x128xf32, #tpu.memory_space<vmem>>) target(%dma_start3A_107 : memref<10000x128xf32, #tpu.memory_space<vmem_shared>>) offsets(%dma_start3A_104 : memref<80xi32, #tpu.memory_space<vmem>>) semaphore(%run_scoped3A_101 : memref<!tpu.dma_semaphore, #tpu.memory_space<semaphore_mem>>) {add = true}
        %dma_wait3A_108 = arith.constant 0 : i32
        %dma_wait3A_109 = tpu.memref_slice %arg8[%mul3A_72, %dma_wait3A_108] : memref<125x80xi32, #tpu.memory_space<vmem>> -> memref<1x80xi32, #tpu.memory_space<vmem>>
        %dma_wait3A_110 = tpu.memref_squeeze %dma_wait3A_109 : memref<1x80xi32, #tpu.memory_space<vmem>> -> memref<80xi32, #tpu.memory_space<vmem>>
        %dma_wait3A_111 = arith.constant 0 : i32
        %dma_wait3A_112 = arith.constant 0 : i32
        %dma_wait3A_113 = tpu.memref_slice %arg11[%dma_wait3A_111, %dma_wait3A_112] : memref<10000x128xf32, #tpu.memory_space<vmem_shared>> -> memref<10000x128xf32, #tpu.memory_space<vmem_shared>>
        tpu.wait_indirect_dma semaphore(%run_scoped3A_101 : memref<!tpu.dma_semaphore, #tpu.memory_space<semaphore_mem>>) src(%arg9 : memref<80x128xf32, #tpu.memory_space<vmem>>) dst(%dma_wait3A_113 : memref<10000x128xf32, #tpu.memory_space<vmem_shared>>)
        tpu.yield
      }) : () -> ()
      %add3A_86 = arith.constant 2 : i32
      %add3A_87 = arith.addi %mul3A_72, %add3A_86 : i32
      %mul3A_88 = arith.constant 80 : i32
      %mul3A_89 = arith.muli %add3A_87, %mul3A_88 : i32
      %dma_start3A_90 = tpu.memref_slice %arg7[%mul3A_89] : memref<10000xi32, #tpu.memory_space<vmem>> -> memref<80xi32, #tpu.memory_space<vmem>>
      %dma_start3A_91 = arith.constant 0 : i32
      %dma_start3A_92 = arith.constant 0 : i32
      %dma_start3A_93 = tpu.memref_slice %arg2[%dma_start3A_91, %dma_start3A_92] : memref<10000x128xf32, #tpu.memory_space<hbm>> -> memref<10000x128xf32, #tpu.memory_space<hbm>>
      tpu.enqueue_indirect_dma source(%dma_start3A_93 : memref<10000x128xf32, #tpu.memory_space<hbm>>) target(%arg9 : memref<80x128xf32, #tpu.memory_space<vmem>>) offsets(%dma_start3A_90 : memref<80xi32, #tpu.memory_space<vmem>>) semaphore(%arg12 : memref<!tpu.dma_semaphore, #tpu.memory_space<semaphore_mem>>)
      %dma_wait3A_94 = arith.constant 0 : i32
      %dma_wait3A_95 = tpu.memref_slice %arg7[%dma_wait3A_94] : memref<10000xi32, #tpu.memory_space<vmem>> -> memref<80xi32, #tpu.memory_space<vmem>>
      %dma_wait3A_96 = arith.constant 0 : i32
      %dma_wait3A_97 = arith.constant 0 : i32
      %dma_wait3A_98 = tpu.memref_slice %arg2[%dma_wait3A_96, %dma_wait3A_97] : memref<10000x128xf32, #tpu.memory_space<hbm>> -> memref<10000x128xf32, #tpu.memory_space<hbm>>
      tpu.wait_indirect_dma semaphore(%arg13 : memref<!tpu.dma_semaphore, #tpu.memory_space<semaphore_mem>>) src(%dma_wait3A_98 : memref<10000x128xf32, #tpu.memory_space<hbm>>) dst(%arg10 : memref<80x128xf32, #tpu.memory_space<vmem>>)
      %add3A_99 = arith.constant 1 : i32
      %add3A_100 = arith.addi %mul3A_72, %add3A_99 : i32
      "tpu.region"() ({
        %run_scoped3A_101 = tpu.sem_alloc : memref<!tpu.dma_semaphore, #tpu.memory_space<semaphore_mem>>
        %dma_start3A_102 = arith.constant 0 : i32
        %dma_start3A_103 = tpu.memref_slice %arg8[%add3A_100, %dma_start3A_102] : memref<125x80xi32, #tpu.memory_space<vmem>> -> memref<1x80xi32, #tpu.memory_space<vmem>>
        %dma_start3A_104 = tpu.memref_squeeze %dma_start3A_103 : memref<1x80xi32, #tpu.memory_space<vmem>> -> memref<80xi32, #tpu.memory_space<vmem>>
        %dma_start3A_105 = arith.constant 0 : i32
        %dma_start3A_106 = arith.constant 0 : i32
        %dma_start3A_107 = tpu.memref_slice %arg11[%dma_start3A_105, %dma_start3A_106] : memref<10000x128xf32, #tpu.memory_space<vmem_shared>> -> memref<10000x128xf32, #tpu.memory_space<vmem_shared>>
        tpu.enqueue_indirect_dma source(%arg10 : memref<80x128xf32, #tpu.memory_space<vmem>>) target(%dma_start3A_107 : memref<10000x128xf32, #tpu.memory_space<vmem_shared>>) offsets(%dma_start3A_104 : memref<80xi32, #tpu.memory_space<vmem>>) semaphore(%run_scoped3A_101 : memref<!tpu.dma_semaphore, #tpu.memory_space<semaphore_mem>>) {add = true}
        %dma_wait3A_108 = arith.constant 0 : i32
        %dma_wait3A_109 = tpu.memref_slice %arg8[%add3A_100, %dma_wait3A_108] : memref<125x80xi32, #tpu.memory_space<vmem>> -> memref<1x80xi32, #tpu.memory_space<vmem>>
        %dma_wait3A_110 = tpu.memref_squeeze %dma_wait3A_109 : memref<1x80xi32, #tpu.memory_space<vmem>> -> memref<80xi32, #tpu.memory_space<vmem>>
        %dma_wait3A_111 = arith.constant 0 : i32
        %dma_wait3A_112 = arith.constant 0 : i32
        %dma_wait3A_113 = tpu.memref_slice %arg11[%dma_wait3A_111, %dma_wait3A_112] : memref<10000x128xf32, #tpu.memory_space<vmem_shared>> -> memref<10000x128xf32, #tpu.memory_space<vmem_shared>>
        tpu.wait_indirect_dma semaphore(%run_scoped3A_101 : memref<!tpu.dma_semaphore, #tpu.memory_space<semaphore_mem>>) src(%arg10 : memref<80x128xf32, #tpu.memory_space<vmem>>) dst(%dma_wait3A_113 : memref<10000x128xf32, #tpu.memory_space<vmem_shared>>)
        tpu.yield
      }) : () -> ()
    }
    %scan3A_14 = arith.constant 62 : i32
    %dma_wait3A = arith.constant 0 : i32
    %dma_wait3A_15 = tpu.memref_slice %arg7[%dma_wait3A] : memref<10000xi32, #tpu.memory_space<vmem>> -> memref<80xi32, #tpu.memory_space<vmem>>
    %dma_wait3A_16 = arith.constant 0 : i32
    %dma_wait3A_17 = arith.constant 0 : i32
    %dma_wait3A_18 = tpu.memref_slice %arg2[%dma_wait3A_16, %dma_wait3A_17] : memref<10000x128xf32, #tpu.memory_space<hbm>> -> memref<10000x128xf32, #tpu.memory_space<hbm>>
    tpu.wait_indirect_dma semaphore(%arg12 : memref<!tpu.dma_semaphore, #tpu.memory_space<semaphore_mem>>) src(%dma_wait3A_18 : memref<10000x128xf32, #tpu.memory_space<hbm>>) dst(%arg9 : memref<80x128xf32, #tpu.memory_space<vmem>>)
    %run_scoped3A = arith.constant 124 : i32
    "tpu.region"() ({
      %run_scoped3A_30 = tpu.sem_alloc : memref<!tpu.dma_semaphore, #tpu.memory_space<semaphore_mem>>
      %dma_start3A_31 = arith.constant 0 : i32
      %dma_start3A_32 = tpu.memref_slice %arg8[%run_scoped3A, %dma_start3A_31] : memref<125x80xi32, #tpu.memory_space<vmem>> -> memref<1x80xi32, #tpu.memory_space<vmem>>
      %dma_start3A_33 = tpu.memref_squeeze %dma_start3A_32 : memref<1x80xi32, #tpu.memory_space<vmem>> -> memref<80xi32, #tpu.memory_space<vmem>>
      %dma_start3A_34 = arith.constant 0 : i32
      %dma_start3A_35 = arith.constant 0 : i32
      %dma_start3A_36 = tpu.memref_slice %arg11[%dma_start3A_34, %dma_start3A_35] : memref<10000x128xf32, #tpu.memory_space<vmem_shared>> -> memref<10000x128xf32, #tpu.memory_space<vmem_shared>>
      tpu.enqueue_indirect_dma source(%arg9 : memref<80x128xf32, #tpu.memory_space<vmem>>) target(%dma_start3A_36 : memref<10000x128xf32, #tpu.memory_space<vmem_shared>>) offsets(%dma_start3A_33 : memref<80xi32, #tpu.memory_space<vmem>>) semaphore(%run_scoped3A_30 : memref<!tpu.dma_semaphore, #tpu.memory_space<semaphore_mem>>) {add = true}
      %dma_wait3A_37 = arith.constant 0 : i32
      %dma_wait3A_38 = tpu.memref_slice %arg8[%run_scoped3A, %dma_wait3A_37] : memref<125x80xi32, #tpu.memory_space<vmem>> -> memref<1x80xi32, #tpu.memory_space<vmem>>
      %dma_wait3A_39 = tpu.memref_squeeze %dma_wait3A_38 : memref<1x80xi32, #tpu.memory_space<vmem>> -> memref<80xi32, #tpu.memory_space<vmem>>
      %dma_wait3A_40 = arith.constant 0 : i32
      %dma_wait3A_41 = arith.constant 0 : i32
      %dma_wait3A_42 = tpu.memref_slice %arg11[%dma_wait3A_40, %dma_wait3A_41] : memref<10000x128xf32, #tpu.memory_space<vmem_shared>> -> memref<10000x128xf32, #tpu.memory_space<vmem_shared>>
      tpu.wait_indirect_dma semaphore(%run_scoped3A_30 : memref<!tpu.dma_semaphore, #tpu.memory_space<semaphore_mem>>) src(%arg9 : memref<80x128xf32, #tpu.memory_space<vmem>>) dst(%dma_wait3A_42 : memref<10000x128xf32, #tpu.memory_space<vmem_shared>>)
      tpu.yield
    }) : () -> ()
    %barrier3A_19 = arith.constant 0 : index
    tpu.barrier barrier_id(%barrier3A_19)
    %lt3A_20 = arith.constant 15 : i32
    %lt3A_21 = arith.cmpi slt, %arg1, %lt3A_20 : i32
    %convert_element_type3A_22 = arith.extui %lt3A_21 : i1 to i32
    %cond3A_23 = arith.constant 0 : i32
    %cond3A_24 = arith.cmpi ne, %convert_element_type3A_22, %cond3A_23 : i32
    scf.if %cond3A_24 {
      %mul3A_30 = arith.constant 632 : i32
      %mul3A_31 = arith.muli %arg1, %mul3A_30 : i32
      %mul3A_32 = arith.constant 632 : i32
      %mul3A_33 = arith.muli %arg1, %mul3A_32 : i32
      "tpu.region"() ({
        %run_scoped3A_34 = tpu.sem_alloc : memref<!tpu.dma_semaphore, #tpu.memory_space<semaphore_mem>>
        %dma_start3A_35 = arith.constant 0 : i32
        %dma_start3A_36 = tpu.memref_slice %arg6[%arg0, %mul3A_33, %dma_start3A_35] : memref<2x10000x128xf32, #tpu.memory_space<hbm>> -> memref<1x632x128xf32, #tpu.memory_space<hbm>>
        %dma_start3A_37 = tpu.memref_squeeze %dma_start3A_36 : memref<1x632x128xf32, #tpu.memory_space<hbm>> -> memref<632x128xf32, #tpu.memory_space<hbm>>
        %dma_start3A_38 = arith.constant 0 : i32
        %dma_start3A_39 = tpu.memref_slice %arg11[%mul3A_31, %dma_start3A_38] : memref<10000x128xf32, #tpu.memory_space<vmem_shared>> -> memref<632x128xf32, #tpu.memory_space<vmem_shared>>
        tpu.enqueue_dma source(%dma_start3A_39 : memref<632x128xf32, #tpu.memory_space<vmem_shared>>) target(%dma_start3A_37 : memref<632x128xf32, #tpu.memory_space<hbm>>) target_semaphore(%run_scoped3A_34 : memref<!tpu.dma_semaphore, #tpu.memory_space<semaphore_mem>>)
        %dma_wait3A_40 = arith.constant 0 : i32
        %dma_wait3A_41 = tpu.memref_slice %arg6[%arg0, %mul3A_33, %dma_wait3A_40] : memref<2x10000x128xf32, #tpu.memory_space<hbm>> -> memref<1x632x128xf32, #tpu.memory_space<hbm>>
        %dma_wait3A_42 = tpu.memref_squeeze %dma_wait3A_41 : memref<1x632x128xf32, #tpu.memory_space<hbm>> -> memref<632x128xf32, #tpu.memory_space<hbm>>
        %dma_wait3A_43 = arith.constant 0 : i32
        %dma_wait3A_44 = tpu.memref_slice %arg11[%mul3A_31, %dma_wait3A_43] : memref<10000x128xf32, #tpu.memory_space<vmem_shared>> -> memref<632x128xf32, #tpu.memory_space<vmem_shared>>
        tpu.wait_dma2 semaphore(%run_scoped3A_34 : memref<!tpu.dma_semaphore, #tpu.memory_space<semaphore_mem>>) src(%dma_wait3A_44 : memref<632x128xf32, #tpu.memory_space<vmem_shared>>) dst(%dma_wait3A_42 : memref<632x128xf32, #tpu.memory_space<hbm>>)
        tpu.yield
      }) : () -> ()
    } else {
    }
    %eq3A_25 = arith.constant 15 : i32
    %eq3A_26 = arith.cmpi eq, %arg1, %eq3A_25 : i32
    %convert_element_type3A_27 = arith.extui %eq3A_26 : i1 to i32
    %cond3A_28 = arith.constant 0 : i32
    %cond3A_29 = arith.cmpi ne, %convert_element_type3A_27, %cond3A_28 : i32
    scf.if %cond3A_29 {
      %mul3A_30 = arith.constant 632 : i32
      %mul3A_31 = arith.muli %arg1, %mul3A_30 : i32
      %mul3A_32 = arith.constant 632 : i32
      %mul3A_33 = arith.muli %arg1, %mul3A_32 : i32
      "tpu.region"() ({
        %run_scoped3A_34 = tpu.sem_alloc : memref<!tpu.dma_semaphore, #tpu.memory_space<semaphore_mem>>
        %dma_start3A_35 = arith.constant 0 : i32
        %dma_start3A_36 = tpu.memref_slice %arg6[%arg0, %mul3A_33, %dma_start3A_35] : memref<2x10000x128xf32, #tpu.memory_space<hbm>> -> memref<1x520x128xf32, #tpu.memory_space<hbm>>
        %dma_start3A_37 = tpu.memref_squeeze %dma_start3A_36 : memref<1x520x128xf32, #tpu.memory_space<hbm>> -> memref<520x128xf32, #tpu.memory_space<hbm>>
        %dma_start3A_38 = arith.constant 0 : i32
        %dma_start3A_39 = tpu.memref_slice %arg11[%mul3A_31, %dma_start3A_38] : memref<10000x128xf32, #tpu.memory_space<vmem_shared>> -> memref<520x128xf32, #tpu.memory_space<vmem_shared>>
        tpu.enqueue_dma source(%dma_start3A_39 : memref<520x128xf32, #tpu.memory_space<vmem_shared>>) target(%dma_start3A_37 : memref<520x128xf32, #tpu.memory_space<hbm>>) target_semaphore(%run_scoped3A_34 : memref<!tpu.dma_semaphore, #tpu.memory_space<semaphore_mem>>)
        %dma_wait3A_40 = arith.constant 0 : i32
        %dma_wait3A_41 = tpu.memref_slice %arg6[%arg0, %mul3A_33, %dma_wait3A_40] : memref<2x10000x128xf32, #tpu.memory_space<hbm>> -> memref<1x520x128xf32, #tpu.memory_space<hbm>>
        %dma_wait3A_42 = tpu.memref_squeeze %dma_wait3A_41 : memref<1x520x128xf32, #tpu.memory_space<hbm>> -> memref<520x128xf32, #tpu.memory_space<hbm>>
        %dma_wait3A_43 = arith.constant 0 : i32
        %dma_wait3A_44 = tpu.memref_slice %arg11[%mul3A_31, %dma_wait3A_43] : memref<10000x128xf32, #tpu.memory_space<vmem_shared>> -> memref<520x128xf32, #tpu.memory_space<vmem_shared>>
        tpu.wait_dma2 semaphore(%run_scoped3A_34 : memref<!tpu.dma_semaphore, #tpu.memory_space<semaphore_mem>>) src(%dma_wait3A_44 : memref<520x128xf32, #tpu.memory_space<vmem_shared>>) dst(%dma_wait3A_42 : memref<520x128xf32, #tpu.memory_space<hbm>>)
        tpu.yield
      }) : () -> ()
    } else {
    }
    return
  }
}

module attributes {stable_mosaic.version = 14 : i64} {
  func.func @body(%arg0: i32, %arg1: memref<2x2000x128xf32, #tpu.memory_space<vmem>>, %arg2: memref<2000x128xf32, #tpu.memory_space<vmem>>, %arg3: memref<128x128xf32, #tpu.memory_space<vmem>>, %arg4: memref<1x128xf32, #tpu.memory_space<vmem>>, %arg5: memref<128x128xf32, #tpu.memory_space<vmem>>, %arg6: memref<1x128xf32, #tpu.memory_space<vmem>>, %arg7: memref<2000x128xf32, #tpu.memory_space<vmem>>) attributes {dimension_semantics = [#tpu.dimension_semantics<arbitrary>], iteration_bounds = array<i64: 5>, scalar_prefetch = 0 : i64, scratch_operands = 0 : i64, tpu.core_type = #tpu.core_type<tc>, window_params = [{transform_indices = @transform_0, window_bounds = array<i64: 2, 2000, 128>}, {transform_indices = @transform_1, window_bounds = array<i64: 2000, 128>}, {pipeline_mode = #tpu.pipeline_mode<synchronous>, transform_indices = @transform_2, window_bounds = array<i64: 128, 128>}, {pipeline_mode = #tpu.pipeline_mode<synchronous>, transform_indices = @transform_3, window_bounds = array<i64: 1, 128>}, {pipeline_mode = #tpu.pipeline_mode<synchronous>, transform_indices = @transform_4, window_bounds = array<i64: 128, 128>}, {pipeline_mode = #tpu.pipeline_mode<synchronous>, transform_indices = @transform_5, window_bounds = array<i64: 1, 128>}, {transform_indices = @transform_6, window_bounds = array<i64: 2000, 128>}]} {
    %get3A = arith.constant 0 : index
    %get3A_0 = arith.constant 0 : index
    %get3A_1 = arith.constant 0 : index
    %get3A_2 = vector.load %arg1[%get3A, %get3A_0, %get3A_1] : memref<2x2000x128xf32, #tpu.memory_space<vmem>>, vector<1x2000x128xf32>
    %get3A_3 = vector.shape_cast %get3A_2 : vector<1x2000x128xf32> to vector<2000x128xf32>
    %get3A_4 = arith.constant 1 : index
    %get3A_5 = arith.constant 0 : index
    %get3A_6 = arith.constant 0 : index
    %get3A_7 = vector.load %arg1[%get3A_4, %get3A_5, %get3A_6] : memref<2x2000x128xf32, #tpu.memory_space<vmem>>, vector<1x2000x128xf32>
    %get3A_8 = vector.shape_cast %get3A_7 : vector<1x2000x128xf32> to vector<2000x128xf32>
    %add3A = arith.addf %get3A_3, %get3A_8 : vector<2000x128xf32>
    %get3A_9 = arith.constant 0 : index
    %get3A_10 = arith.constant 0 : index
    %get3A_11 = vector.load %arg2[%get3A_9, %get3A_10] : memref<2000x128xf32, #tpu.memory_space<vmem>>, vector<2000x128xf32>
    %add3A_12 = arith.addf %add3A, %get3A_11 : vector<2000x128xf32>
    %get3A_13 = arith.constant 0 : index
    %get3A_14 = arith.constant 0 : index
    %get3A_15 = vector.load %arg3[%get3A_13, %get3A_14] : memref<128x128xf32, #tpu.memory_space<vmem>>, vector<128x128xf32>
    %dot_general3A = arith.constant dense<0.000000e+00> : vector<2000x128xf32>
    %dot_general3A_16 = tpu.matmul %add3A_12, %get3A_15, %dot_general3A {dimension_numbers = #tpu.dot_dimension_numbers<[1], [0], [0], [1], [0, 0, 1, 1], [], []>, transpose_lhs_hint = false} : vector<2000x128xf32>, vector<128x128xf32>, vector<2000x128xf32> -> vector<2000x128xf32>
    %get3A_17 = arith.constant 0 : index
    %get3A_18 = arith.constant 0 : index
    %get3A_19 = vector.load %arg4[%get3A_17, %get3A_18] : memref<1x128xf32, #tpu.memory_space<vmem>>, vector<1x128xf32>
    %add3A_20 = vector.broadcast %get3A_19 : vector<1x128xf32> to vector<2000x128xf32>
    %add3A_21 = arith.addf %dot_general3A_16, %add3A_20 : vector<2000x128xf32>
    %max3A = arith.constant 0.000000e+00 : f32
    %max3A_22 = vector.broadcast %max3A : f32 to vector<2000x128xf32>
    %max3A_23 = arith.maximumf %add3A_21, %max3A_22 : vector<2000x128xf32>
    %get3A_24 = arith.constant 0 : index
    %get3A_25 = arith.constant 0 : index
    %get3A_26 = vector.load %arg5[%get3A_24, %get3A_25] : memref<128x128xf32, #tpu.memory_space<vmem>>, vector<128x128xf32>
    %dot_general3A_27 = arith.constant dense<0.000000e+00> : vector<2000x128xf32>
    %dot_general3A_28 = tpu.matmul %max3A_23, %get3A_26, %dot_general3A_27 {dimension_numbers = #tpu.dot_dimension_numbers<[1], [0], [0], [1], [0, 0, 1, 1], [], []>, transpose_lhs_hint = false} : vector<2000x128xf32>, vector<128x128xf32>, vector<2000x128xf32> -> vector<2000x128xf32>
    %get3A_29 = arith.constant 0 : index
    %get3A_30 = arith.constant 0 : index
    %get3A_31 = vector.load %arg6[%get3A_29, %get3A_30] : memref<1x128xf32, #tpu.memory_space<vmem>>, vector<1x128xf32>
    %add3A_32 = vector.broadcast %get3A_31 : vector<1x128xf32> to vector<2000x128xf32>
    %add3A_33 = arith.addf %dot_general3A_28, %add3A_32 : vector<2000x128xf32>
    %max3A_34 = arith.constant 0.000000e+00 : f32
    %max3A_35 = vector.broadcast %max3A_34 : f32 to vector<2000x128xf32>
    %max3A_36 = arith.maximumf %add3A_33, %max3A_35 : vector<2000x128xf32>
    %swap3A = arith.constant 0 : index
    %swap3A_37 = arith.constant 0 : index
    %swap3A_38 = vector.load %arg7[%swap3A, %swap3A_37] : memref<2000x128xf32, #tpu.memory_space<vmem>>, vector<2000x128xf32>
    tpu.vector_store %arg7[%swap3A, %swap3A_37], %max3A_36 {strides = array<i32>} : memref<2000x128xf32, #tpu.memory_space<vmem>>, vector<2000x128xf32>,
    return
  }
  func.func @transform_0(%arg0: i32) -> (i32, i32, i32) {
    %c0_i32 = arith.constant 0 : i32
    %c0_i32_0 = arith.constant 0 : i32
    %c0_i32_1 = arith.constant 0 : i32
    return %c0_i32, %arg0, %c0_i32_0 : i32, i32, i32
  }
  func.func @transform_1(%arg0: i32) -> (i32, i32) {
    %c0_i32 = arith.constant 0 : i32
    %c0_i32_0 = arith.constant 0 : i32
    return %arg0, %c0_i32 : i32, i32
  }
  func.func @transform_2(%arg0: i32) -> (i32, i32) {
    %c0_i32 = arith.constant 0 : i32
    %c0_i32_0 = arith.constant 0 : i32
    %c0_i32_1 = arith.constant 0 : i32
    return %c0_i32, %c0_i32_0 : i32, i32
  }
  func.func @transform_3(%arg0: i32) -> (i32, i32) {
    %c0_i32 = arith.constant 0 : i32
    %c0_i32_0 = arith.constant 0 : i32
    %c0_i32_1 = arith.constant 0 : i32
    return %c0_i32, %c0_i32_0 : i32, i32
  }
  func.func @transform_4(%arg0: i32) -> (i32, i32) {
    %c0_i32 = arith.constant 0 : i32
    %c0_i32_0 = arith.constant 0 : i32
    %c0_i32_1 = arith.constant 0 : i32
    return %c0_i32, %c0_i32_0 : i32, i32
  }
  func.func @transform_5(%arg0: i32) -> (i32, i32) {
    %c0_i32 = arith.constant 0 : i32
    %c0_i32_0 = arith.constant 0 : i32
    %c0_i32_1 = arith.constant 0 : i32
    return %c0_i32, %c0_i32_0 : i32, i32
  }
  func.func @transform_6(%arg0: i32) -> (i32, i32) {
    %c0_i32 = arith.constant 0 : i32
    %c0_i32_0 = arith.constant 0 : i32
    return %arg0, %c0_i32 : i32, i32
  }
}

module attributes {stable_mosaic.version = 14 : i64} {
  func.func @body(%arg0: i32, %arg1: memref<1x1x2000xi32, #tpu.memory_space<vmem>>, %arg2: memref<2x2000x128xf32, #tpu.memory_space<vmem>>, %arg3: memref<2000x128xf32, #tpu.memory_space<vmem>>, %arg4: memref<128x128xf32, #tpu.memory_space<vmem>>, %arg5: memref<1x128xf32, #tpu.memory_space<vmem>>, %arg6: memref<128x128xf32, #tpu.memory_space<vmem>>, %arg7: memref<1x128xf32, #tpu.memory_space<vmem>>, %arg8: memref<2000x128xf32, #tpu.memory_space<vmem>>, %arg9: memref<2000x128xf32, #tpu.memory_space<vmem>>, %arg10: memref<2000x128xf32, #tpu.memory_space<vmem>>, %arg11: memref<4x128x10xf32, #tpu.memory_space<vmem>>, %arg12: memref<1x10xf32, #tpu.memory_space<vmem>>, %arg13: memref<128x10xf32, #tpu.memory_space<vmem>>, %arg14: memref<4x128x128xf32, #tpu.memory_space<vmem>>, %arg15: memref<128x128xf32, #tpu.memory_space<vmem>>) attributes {dimension_semantics = [#tpu.dimension_semantics<arbitrary>], iteration_bounds = array<i64: 5>, scalar_prefetch = 0 : i64, scratch_operands = 2 : i64, tpu.core_type = #tpu.core_type<tc>, window_params = [{transform_indices = @transform_0, window_bounds = array<i64: 1, 1, 2000>}, {transform_indices = @transform_1, window_bounds = array<i64: 2, 2000, 128>}, {transform_indices = @transform_2, window_bounds = array<i64: 2000, 128>}, {pipeline_mode = #tpu.pipeline_mode<synchronous>, transform_indices = @transform_3, window_bounds = array<i64: 128, 128>}, {pipeline_mode = #tpu.pipeline_mode<synchronous>, transform_indices = @transform_4, window_bounds = array<i64: 1, 128>}, {pipeline_mode = #tpu.pipeline_mode<synchronous>, transform_indices = @transform_5, window_bounds = array<i64: 128, 128>}, {pipeline_mode = #tpu.pipeline_mode<synchronous>, transform_indices = @transform_6, window_bounds = array<i64: 1, 128>}, {transform_indices = @transform_7, window_bounds = array<i64: 2000, 128>}, {transform_indices = @transform_8, window_bounds = array<i64: 2000, 128>}, {transform_indices = @transform_9, window_bounds = array<i64: 2000, 128>}, {pipeline_mode = #tpu.pipeline_mode<synchronous>, transform_indices = @transform_10, window_bounds = array<i64: 4, 128, 10>}, {pipeline_mode = #tpu.pipeline_mode<synchronous>, transform_indices = @transform_11, window_bounds = array<i64: 1, 10>}, {pipeline_mode = #tpu.pipeline_mode<synchronous>, transform_indices = @transform_12, window_bounds = array<i64: 128, 10>}]} {
    %eq3A = arith.constant 0 : i32
    %eq3A_0 = arith.cmpi eq, %arg0, %eq3A : i32
    %convert_element_type3A = arith.extui %eq3A_0 : i1 to i32
    %cond3A = arith.constant 0 : i32
    %cond3A_1 = arith.cmpi ne, %convert_element_type3A, %cond3A : i32
    scf.if %cond3A_1 {
      %broadcast_in_dim3A_128 = arith.constant 0.000000e+00 : f32
      %broadcast_in_dim3A_129 = vector.broadcast %broadcast_in_dim3A_128 : f32 to vector<4x128x128xf32>
      %swap3A_130 = arith.constant 0 : index
      %swap3A_131 = arith.constant 0 : index
      %swap3A_132 = arith.constant 0 : index
      %swap3A_133 = vector.load %arg14[%swap3A_130, %swap3A_131, %swap3A_132] : memref<4x128x128xf32, #tpu.memory_space<vmem>>, vector<4x128x128xf32>
      tpu.vector_store %arg14[%swap3A_130, %swap3A_131, %swap3A_132], %broadcast_in_dim3A_129 {strides = array<i32>} : memref<4x128x128xf32, #tpu.memory_space<vmem>>, vector<4x128x128xf32>,
      %broadcast_in_dim3A_134 = arith.constant 0.000000e+00 : f32
      %broadcast_in_dim3A_135 = vector.broadcast %broadcast_in_dim3A_134 : f32 to vector<128x128xf32>
      %swap3A_136 = arith.constant 0 : index
      %swap3A_137 = arith.constant 0 : index
      %swap3A_138 = vector.load %arg15[%swap3A_136, %swap3A_137] : memref<128x128xf32, #tpu.memory_space<vmem>>, vector<128x128xf32>
      tpu.vector_store %arg15[%swap3A_136, %swap3A_137], %broadcast_in_dim3A_135 {strides = array<i32>} : memref<128x128xf32, #tpu.memory_space<vmem>>, vector<128x128xf32>,
    } else {
    }
    %get3A = arith.constant 0 : index
    %get3A_2 = arith.constant 0 : index
    %get3A_3 = arith.constant 0 : index
    %get3A_4 = vector.load %arg2[%get3A, %get3A_2, %get3A_3] : memref<2x2000x128xf32, #tpu.memory_space<vmem>>, vector<1x2000x128xf32>
    %get3A_5 = vector.shape_cast %get3A_4 : vector<1x2000x128xf32> to vector<2000x128xf32>
    %get3A_6 = arith.constant 1 : index
    %get3A_7 = arith.constant 0 : index
    %get3A_8 = arith.constant 0 : index
    %get3A_9 = vector.load %arg2[%get3A_6, %get3A_7, %get3A_8] : memref<2x2000x128xf32, #tpu.memory_space<vmem>>, vector<1x2000x128xf32>
    %get3A_10 = vector.shape_cast %get3A_9 : vector<1x2000x128xf32> to vector<2000x128xf32>
    %add3A = arith.addf %get3A_5, %get3A_10 : vector<2000x128xf32>
    %get3A_11 = arith.constant 0 : index
    %get3A_12 = arith.constant 0 : index
    %get3A_13 = vector.load %arg3[%get3A_11, %get3A_12] : memref<2000x128xf32, #tpu.memory_space<vmem>>, vector<2000x128xf32>
    %add3A_14 = arith.addf %add3A, %get3A_13 : vector<2000x128xf32>
    %get3A_15 = arith.constant 0 : index
    %get3A_16 = arith.constant 0 : index
    %get3A_17 = vector.load %arg4[%get3A_15, %get3A_16] : memref<128x128xf32, #tpu.memory_space<vmem>>, vector<128x128xf32>
    %dot_general3A = arith.constant dense<0.000000e+00> : vector<2000x128xf32>
    %dot_general3A_18 = tpu.matmul %add3A_14, %get3A_17, %dot_general3A {dimension_numbers = #tpu.dot_dimension_numbers<[1], [0], [0], [1], [0, 0, 1, 1], [], []>, transpose_lhs_hint = false} : vector<2000x128xf32>, vector<128x128xf32>, vector<2000x128xf32> -> vector<2000x128xf32>
    %get3A_19 = arith.constant 0 : index
    %get3A_20 = arith.constant 0 : index
    %get3A_21 = vector.load %arg5[%get3A_19, %get3A_20] : memref<1x128xf32, #tpu.memory_space<vmem>>, vector<1x128xf32>
    %add3A_22 = vector.broadcast %get3A_21 : vector<1x128xf32> to vector<2000x128xf32>
    %add3A_23 = arith.addf %dot_general3A_18, %add3A_22 : vector<2000x128xf32>
    %max3A = arith.constant 0.000000e+00 : f32
    %max3A_24 = vector.broadcast %max3A : f32 to vector<2000x128xf32>
    %max3A_25 = arith.maximumf %add3A_23, %max3A_24 : vector<2000x128xf32>
    %get3A_26 = arith.constant 0 : index
    %get3A_27 = arith.constant 0 : index
    %get3A_28 = vector.load %arg6[%get3A_26, %get3A_27] : memref<128x128xf32, #tpu.memory_space<vmem>>, vector<128x128xf32>
    %dot_general3A_29 = arith.constant dense<0.000000e+00> : vector<2000x128xf32>
    %dot_general3A_30 = tpu.matmul %max3A_25, %get3A_28, %dot_general3A_29 {dimension_numbers = #tpu.dot_dimension_numbers<[1], [0], [0], [1], [0, 0, 1, 1], [], []>, transpose_lhs_hint = false} : vector<2000x128xf32>, vector<128x128xf32>, vector<2000x128xf32> -> vector<2000x128xf32>
    %get3A_31 = arith.constant 0 : index
    %get3A_32 = arith.constant 0 : index
    %get3A_33 = vector.load %arg7[%get3A_31, %get3A_32] : memref<1x128xf32, #tpu.memory_space<vmem>>, vector<1x128xf32>
    %add3A_34 = vector.broadcast %get3A_33 : vector<1x128xf32> to vector<2000x128xf32>
    %add3A_35 = arith.addf %dot_general3A_30, %add3A_34 : vector<2000x128xf32>
    %max3A_36 = arith.constant 0.000000e+00 : f32
    %max3A_37 = vector.broadcast %max3A_36 : f32 to vector<2000x128xf32>
    %max3A_38 = arith.maximumf %add3A_35, %max3A_37 : vector<2000x128xf32>
    %get3A_39 = arith.constant 0 : index
    %get3A_40 = arith.constant 0 : index
    %get3A_41 = arith.constant 0 : index
    %get3A_42 = vector.load %arg1[%get3A_39, %get3A_40, %get3A_41] : memref<1x1x2000xi32, #tpu.memory_space<vmem>>, vector<1x1x2000xi32>
    %get3A_43 = vector.shape_cast %get3A_42 : vector<1x1x2000xi32> to vector<2000xi32>
    %broadcast_in_dim3A = vector.shape_cast %get3A_43 : vector<2000xi32> to vector<2000x1xi32>
    %iota3A = tpu.iota {dimensions = array<i32: 1>} : vector<2000x128xi32>
    %eq3A_44 = vector.broadcast %broadcast_in_dim3A : vector<2000x1xi32> to vector<2000x128xi32>
    %eq3A_45 = arith.cmpi eq, %eq3A_44, %iota3A : vector<2000x128xi32>
    %convert_element_type3A_46 = arith.extui %eq3A_45 : vector<2000x128xi1> to vector<2000x128xi32>
    %convert_element_type3A_47 = arith.sitofp %convert_element_type3A_46 : vector<2000x128xi32> to vector<2000x128xf32>
    %get3A_48 = arith.constant 0 : index
    %get3A_49 = arith.constant 0 : index
    %get3A_50 = vector.load %arg8[%get3A_48, %get3A_49] : memref<2000x128xf32, #tpu.memory_space<vmem>>, vector<2000x128xf32>
    %get3A_51 = arith.constant 0 : index
    %get3A_52 = arith.constant 0 : index
    %get3A_53 = vector.load %arg9[%get3A_51, %get3A_52] : memref<2000x128xf32, #tpu.memory_space<vmem>>, vector<2000x128xf32>
    %get3A_54 = arith.constant 0 : index
    %get3A_55 = arith.constant 0 : index
    %get3A_56 = vector.load %arg10[%get3A_54, %get3A_55] : memref<2000x128xf32, #tpu.memory_space<vmem>>, vector<2000x128xf32>
    %get3A_57 = arith.constant 0 : index
    %get3A_58 = arith.constant 0 : index
    %get3A_59 = arith.constant 0 : index
    %get3A_60 = vector.load %arg14[%get3A_57, %get3A_58, %get3A_59] : memref<4x128x128xf32, #tpu.memory_space<vmem>>, vector<1x128x128xf32>
    %get3A_61 = vector.shape_cast %get3A_60 : vector<1x128x128xf32> to vector<128x128xf32>
    %dot_general3A_62 = arith.constant dense<0.000000e+00> : vector<128x128xf32>
    %dot_general3A_63 = tpu.matmul %convert_element_type3A_47, %get3A_50, %dot_general3A_62 {dimension_numbers = #tpu.dot_dimension_numbers<[0], [0], [1], [1], [0, 1, 1, 1], [], []>, transpose_lhs_hint = false} : vector<2000x128xf32>, vector<2000x128xf32>, vector<128x128xf32> -> vector<128x128xf32>
    %add3A_64 = arith.addf %get3A_61, %dot_general3A_63 : vector<128x128xf32>
    %swap3A = arith.constant 0 : index
    %swap3A_65 = arith.constant 0 : index
    %swap3A_66 = arith.constant 0 : index
    %swap3A_67 = vector.load %arg14[%swap3A, %swap3A_65, %swap3A_66] : memref<4x128x128xf32, #tpu.memory_space<vmem>>, vector<1x128x128xf32>
    %swap3A_68 = vector.shape_cast %swap3A_67 : vector<1x128x128xf32> to vector<128x128xf32>
    %swap3A_69 = vector.shape_cast %add3A_64 : vector<128x128xf32> to vector<1x128x128xf32>
    tpu.vector_store %arg14[%swap3A, %swap3A_65, %swap3A_66], %swap3A_69 {strides = array<i32>} : memref<4x128x128xf32, #tpu.memory_space<vmem>>, vector<1x128x128xf32>,
    %get3A_70 = arith.constant 1 : index
    %get3A_71 = arith.constant 0 : index
    %get3A_72 = arith.constant 0 : index
    %get3A_73 = vector.load %arg14[%get3A_70, %get3A_71, %get3A_72] : memref<4x128x128xf32, #tpu.memory_space<vmem>>, vector<1x128x128xf32>
    %get3A_74 = vector.shape_cast %get3A_73 : vector<1x128x128xf32> to vector<128x128xf32>
    %dot_general3A_75 = arith.constant dense<0.000000e+00> : vector<128x128xf32>
    %dot_general3A_76 = tpu.matmul %convert_element_type3A_47, %get3A_53, %dot_general3A_75 {dimension_numbers = #tpu.dot_dimension_numbers<[0], [0], [1], [1], [0, 1, 1, 1], [], []>, transpose_lhs_hint = false} : vector<2000x128xf32>, vector<2000x128xf32>, vector<128x128xf32> -> vector<128x128xf32>
    %add3A_77 = arith.addf %get3A_74, %dot_general3A_76 : vector<128x128xf32>
    %swap3A_78 = arith.constant 1 : index
    %swap3A_79 = arith.constant 0 : index
    %swap3A_80 = arith.constant 0 : index
    %swap3A_81 = vector.load %arg14[%swap3A_78, %swap3A_79, %swap3A_80] : memref<4x128x128xf32, #tpu.memory_space<vmem>>, vector<1x128x128xf32>
    %swap3A_82 = vector.shape_cast %swap3A_81 : vector<1x128x128xf32> to vector<128x128xf32>
    %swap3A_83 = vector.shape_cast %add3A_77 : vector<128x128xf32> to vector<1x128x128xf32>
    tpu.vector_store %arg14[%swap3A_78, %swap3A_79, %swap3A_80], %swap3A_83 {strides = array<i32>} : memref<4x128x128xf32, #tpu.memory_space<vmem>>, vector<1x128x128xf32>,
    %get3A_84 = arith.constant 2 : index
    %get3A_85 = arith.constant 0 : index
    %get3A_86 = arith.constant 0 : index
    %get3A_87 = vector.load %arg14[%get3A_84, %get3A_85, %get3A_86] : memref<4x128x128xf32, #tpu.memory_space<vmem>>, vector<1x128x128xf32>
    %get3A_88 = vector.shape_cast %get3A_87 : vector<1x128x128xf32> to vector<128x128xf32>
    %dot_general3A_89 = arith.constant dense<0.000000e+00> : vector<128x128xf32>
    %dot_general3A_90 = tpu.matmul %convert_element_type3A_47, %get3A_56, %dot_general3A_89 {dimension_numbers = #tpu.dot_dimension_numbers<[0], [0], [1], [1], [0, 1, 1, 1], [], []>, transpose_lhs_hint = false} : vector<2000x128xf32>, vector<2000x128xf32>, vector<128x128xf32> -> vector<128x128xf32>
    %add3A_91 = arith.addf %get3A_88, %dot_general3A_90 : vector<128x128xf32>
    %swap3A_92 = arith.constant 2 : index
    %swap3A_93 = arith.constant 0 : index
    %swap3A_94 = arith.constant 0 : index
    %swap3A_95 = vector.load %arg14[%swap3A_92, %swap3A_93, %swap3A_94] : memref<4x128x128xf32, #tpu.memory_space<vmem>>, vector<1x128x128xf32>
    %swap3A_96 = vector.shape_cast %swap3A_95 : vector<1x128x128xf32> to vector<128x128xf32>
    %swap3A_97 = vector.shape_cast %add3A_91 : vector<128x128xf32> to vector<1x128x128xf32>
    tpu.vector_store %arg14[%swap3A_92, %swap3A_93, %swap3A_94], %swap3A_97 {strides = array<i32>} : memref<4x128x128xf32, #tpu.memory_space<vmem>>, vector<1x128x128xf32>,
    %get3A_98 = arith.constant 3 : index
    %get3A_99 = arith.constant 0 : index
    %get3A_100 = arith.constant 0 : index
    %get3A_101 = vector.load %arg14[%get3A_98, %get3A_99, %get3A_100] : memref<4x128x128xf32, #tpu.memory_space<vmem>>, vector<1x128x128xf32>
    %get3A_102 = vector.shape_cast %get3A_101 : vector<1x128x128xf32> to vector<128x128xf32>
    %dot_general3A_103 = arith.constant dense<0.000000e+00> : vector<128x128xf32>
    %dot_general3A_104 = tpu.matmul %convert_element_type3A_47, %max3A_38, %dot_general3A_103 {dimension_numbers = #tpu.dot_dimension_numbers<[0], [0], [1], [1], [0, 1, 1, 1], [], []>, transpose_lhs_hint = false} : vector<2000x128xf32>, vector<2000x128xf32>, vector<128x128xf32> -> vector<128x128xf32>
    %add3A_105 = arith.addf %get3A_102, %dot_general3A_104 : vector<128x128xf32>
    %swap3A_106 = arith.constant 3 : index
    %swap3A_107 = arith.constant 0 : index
    %swap3A_108 = arith.constant 0 : index
    %swap3A_109 = vector.load %arg14[%swap3A_106, %swap3A_107, %swap3A_108] : memref<4x128x128xf32, #tpu.memory_space<vmem>>, vector<1x128x128xf32>
    %swap3A_110 = vector.shape_cast %swap3A_109 : vector<1x128x128xf32> to vector<128x128xf32>
    %swap3A_111 = vector.shape_cast %add3A_105 : vector<128x128xf32> to vector<1x128x128xf32>
    tpu.vector_store %arg14[%swap3A_106, %swap3A_107, %swap3A_108], %swap3A_111 {strides = array<i32>} : memref<4x128x128xf32, #tpu.memory_space<vmem>>, vector<1x128x128xf32>,
    %get3A_112 = arith.constant 0 : index
    %get3A_113 = arith.constant 0 : index
    %get3A_114 = vector.load %arg15[%get3A_112, %get3A_113] : memref<128x128xf32, #tpu.memory_space<vmem>>, vector<128x128xf32>
    %broadcast_in_dim3A_115 = arith.constant 1.000000e+00 : f32
    %broadcast_in_dim3A_116 = vector.broadcast %broadcast_in_dim3A_115 : f32 to vector<2000x128xf32>
    %dot_general3A_117 = arith.constant dense<0.000000e+00> : vector<128x128xf32>
    %dot_general3A_118 = tpu.matmul %convert_element_type3A_47, %broadcast_in_dim3A_116, %dot_general3A_117 {dimension_numbers = #tpu.dot_dimension_numbers<[0], [0], [1], [1], [0, 1, 1, 1], [], []>, transpose_lhs_hint = false} : vector<2000x128xf32>, vector<2000x128xf32>, vector<128x128xf32> -> vector<128x128xf32>
    %add3A_119 = arith.addf %get3A_114, %dot_general3A_118 : vector<128x128xf32>
    %swap3A_120 = arith.constant 0 : index
    %swap3A_121 = arith.constant 0 : index
    %swap3A_122 = vector.load %arg15[%swap3A_120, %swap3A_121] : memref<128x128xf32, #tpu.memory_space<vmem>>, vector<128x128xf32>
    tpu.vector_store %arg15[%swap3A_120, %swap3A_121], %add3A_119 {strides = array<i32>} : memref<128x128xf32, #tpu.memory_space<vmem>>, vector<128x128xf32>,
    %eq3A_123 = arith.constant 4 : i32
    %eq3A_124 = arith.cmpi eq, %arg0, %eq3A_123 : i32
    %convert_element_type3A_125 = arith.extui %eq3A_124 : i1 to i32
    %cond3A_126 = arith.constant 0 : i32
    %cond3A_127 = arith.cmpi ne, %convert_element_type3A_125, %cond3A_126 : i32
    scf.if %cond3A_127 {
      %get3A_128 = arith.constant 0 : index
      %get3A_129 = arith.constant 0 : index
      %get3A_130 = vector.load %arg15[%get3A_128, %get3A_129] : memref<128x128xf32, #tpu.memory_space<vmem>>, vector<128x128xf32>
      %max3A_131 = arith.constant 1.000000e+00 : f32
      %max3A_132 = vector.broadcast %max3A_131 : f32 to vector<128x128xf32>
      %max3A_133 = arith.maximumf %get3A_130, %max3A_132 : vector<128x128xf32>
      %div3A = arith.constant 1.000000e+00 : f32
      %div3A_134 = vector.broadcast %div3A : f32 to vector<128x128xf32>
      %div3A_135 = arith.divf %div3A_134, %max3A_133 : vector<128x128xf32>
      %get3A_136 = arith.constant 0 : index
      %get3A_137 = arith.constant 0 : index
      %get3A_138 = vector.load %arg12[%get3A_136, %get3A_137] : memref<1x10xf32, #tpu.memory_space<vmem>>, vector<1x10xf32>
      %get3A_139 = arith.constant 0 : index
      %get3A_140 = arith.constant 0 : index
      %get3A_141 = arith.constant 0 : index
      %get3A_142 = vector.load %arg14[%get3A_139, %get3A_140, %get3A_141] : memref<4x128x128xf32, #tpu.memory_space<vmem>>, vector<1x128x128xf32>
      %get3A_143 = vector.shape_cast %get3A_142 : vector<1x128x128xf32> to vector<128x128xf32>
      %mul3A = arith.mulf %get3A_143, %div3A_135 : vector<128x128xf32>
      %get3A_144 = arith.constant 0 : index
      %get3A_145 = arith.constant 0 : index
      %get3A_146 = arith.constant 0 : index
      %get3A_147 = vector.load %arg11[%get3A_144, %get3A_145, %get3A_146] : memref<4x128x10xf32, #tpu.memory_space<vmem>>, vector<1x128x10xf32>
      %get3A_148 = vector.shape_cast %get3A_147 : vector<1x128x10xf32> to vector<128x10xf32>
      %dot_general3A_149 = arith.constant dense<0.000000e+00> : vector<128x10xf32>
      %dot_general3A_150 = tpu.matmul %mul3A, %get3A_148, %dot_general3A_149 {dimension_numbers = #tpu.dot_dimension_numbers<[1], [0], [0], [1], [0, 0, 1, 1], [], []>, transpose_lhs_hint = false} : vector<128x128xf32>, vector<128x10xf32>, vector<128x10xf32> -> vector<128x10xf32>
      %add3A_151 = vector.broadcast %get3A_138 : vector<1x10xf32> to vector<128x10xf32>
      %add3A_152 = arith.addf %add3A_151, %dot_general3A_150 : vector<128x10xf32>
      %get3A_153 = arith.constant 1 : index
      %get3A_154 = arith.constant 0 : index
      %get3A_155 = arith.constant 0 : index
      %get3A_156 = vector.load %arg14[%get3A_153, %get3A_154, %get3A_155] : memref<4x128x128xf32, #tpu.memory_space<vmem>>, vector<1x128x128xf32>
      %get3A_157 = vector.shape_cast %get3A_156 : vector<1x128x128xf32> to vector<128x128xf32>
      %mul3A_158 = arith.mulf %get3A_157, %div3A_135 : vector<128x128xf32>
      %get3A_159 = arith.constant 1 : index
      %get3A_160 = arith.constant 0 : index
      %get3A_161 = arith.constant 0 : index
      %get3A_162 = vector.load %arg11[%get3A_159, %get3A_160, %get3A_161] : memref<4x128x10xf32, #tpu.memory_space<vmem>>, vector<1x128x10xf32>
      %get3A_163 = vector.shape_cast %get3A_162 : vector<1x128x10xf32> to vector<128x10xf32>
      %dot_general3A_164 = arith.constant dense<0.000000e+00> : vector<128x10xf32>
      %dot_general3A_165 = tpu.matmul %mul3A_158, %get3A_163, %dot_general3A_164 {dimension_numbers = #tpu.dot_dimension_numbers<[1], [0], [0], [1], [0, 0, 1, 1], [], []>, transpose_lhs_hint = false} : vector<128x128xf32>, vector<128x10xf32>, vector<128x10xf32> -> vector<128x10xf32>
      %add3A_166 = arith.addf %add3A_152, %dot_general3A_165 : vector<128x10xf32>
      %get3A_167 = arith.constant 2 : index
      %get3A_168 = arith.constant 0 : index
      %get3A_169 = arith.constant 0 : index
      %get3A_170 = vector.load %arg14[%get3A_167, %get3A_168, %get3A_169] : memref<4x128x128xf32, #tpu.memory_space<vmem>>, vector<1x128x128xf32>
      %get3A_171 = vector.shape_cast %get3A_170 : vector<1x128x128xf32> to vector<128x128xf32>
      %mul3A_172 = arith.mulf %get3A_171, %div3A_135 : vector<128x128xf32>
      %get3A_173 = arith.constant 2 : index
      %get3A_174 = arith.constant 0 : index
      %get3A_175 = arith.constant 0 : index
      %get3A_176 = vector.load %arg11[%get3A_173, %get3A_174, %get3A_175] : memref<4x128x10xf32, #tpu.memory_space<vmem>>, vector<1x128x10xf32>
      %get3A_177 = vector.shape_cast %get3A_176 : vector<1x128x10xf32> to vector<128x10xf32>
      %dot_general3A_178 = arith.constant dense<0.000000e+00> : vector<128x10xf32>
      %dot_general3A_179 = tpu.matmul %mul3A_172, %get3A_177, %dot_general3A_178 {dimension_numbers = #tpu.dot_dimension_numbers<[1], [0], [0], [1], [0, 0, 1, 1], [], []>, transpose_lhs_hint = false} : vector<128x128xf32>, vector<128x10xf32>, vector<128x10xf32> -> vector<128x10xf32>
      %add3A_180 = arith.addf %add3A_166, %dot_general3A_179 : vector<128x10xf32>
      %get3A_181 = arith.constant 3 : index
      %get3A_182 = arith.constant 0 : index
      %get3A_183 = arith.constant 0 : index
      %get3A_184 = vector.load %arg14[%get3A_181, %get3A_182, %get3A_183] : memref<4x128x128xf32, #tpu.memory_space<vmem>>, vector<1x128x128xf32>
      %get3A_185 = vector.shape_cast %get3A_184 : vector<1x128x128xf32> to vector<128x128xf32>
      %mul3A_186 = arith.mulf %get3A_185, %div3A_135 : vector<128x128xf32>
      %get3A_187 = arith.constant 3 : index
      %get3A_188 = arith.constant 0 : index
      %get3A_189 = arith.constant 0 : index
      %get3A_190 = vector.load %arg11[%get3A_187, %get3A_188, %get3A_189] : memref<4x128x10xf32, #tpu.memory_space<vmem>>, vector<1x128x10xf32>
      %get3A_191 = vector.shape_cast %get3A_190 : vector<1x128x10xf32> to vector<128x10xf32>
      %dot_general3A_192 = arith.constant dense<0.000000e+00> : vector<128x10xf32>
      %dot_general3A_193 = tpu.matmul %mul3A_186, %get3A_191, %dot_general3A_192 {dimension_numbers = #tpu.dot_dimension_numbers<[1], [0], [0], [1], [0, 0, 1, 1], [], []>, transpose_lhs_hint = false} : vector<128x128xf32>, vector<128x10xf32>, vector<128x10xf32> -> vector<128x10xf32>
      %add3A_194 = arith.addf %add3A_180, %dot_general3A_193 : vector<128x10xf32>
      %reduce_max3A = arith.constant dense<0xFF800000> : vector<128xf32>
      %reduce_max3A_195 = vector.multi_reduction <maximumf>, %add3A_194, %reduce_max3A [1] : vector<128x10xf32> to vector<128xf32>
      %broadcast_in_dim3A_196 = vector.shape_cast %reduce_max3A_195 : vector<128xf32> to vector<128x1xf32>
      %sub3A = vector.broadcast %broadcast_in_dim3A_196 : vector<128x1xf32> to vector<128x10xf32>
      %sub3A_197 = arith.subf %add3A_194, %sub3A : vector<128x10xf32>
      %exp3A = math.exp %sub3A_197 : vector<128x10xf32>
      %sub3A_198 = vector.broadcast %broadcast_in_dim3A_196 : vector<128x1xf32> to vector<128x10xf32>
      %sub3A_199 = arith.subf %add3A_194, %sub3A_198 : vector<128x10xf32>
      %reduce_sum3A = arith.constant dense<0.000000e+00> : vector<128xf32>
      %reduce_sum3A_200 = vector.multi_reduction <add>, %exp3A, %reduce_sum3A [1] : vector<128x10xf32> to vector<128xf32>
      %broadcast_in_dim3A_201 = vector.shape_cast %reduce_sum3A_200 : vector<128xf32> to vector<128x1xf32>
      %log3A = math.log %broadcast_in_dim3A_201 : vector<128x1xf32>
      %sub3A_202 = vector.broadcast %log3A : vector<128x1xf32> to vector<128x10xf32>
      %sub3A_203 = arith.subf %sub3A_199, %sub3A_202 : vector<128x10xf32>
      %swap3A_204 = arith.constant 0 : index
      %swap3A_205 = arith.constant 0 : index
      %swap3A_206 = vector.load %arg13[%swap3A_204, %swap3A_205] : memref<128x10xf32, #tpu.memory_space<vmem>>, vector<128x10xf32>
      tpu.vector_store %arg13[%swap3A_204, %swap3A_205], %sub3A_203 {strides = array<i32>} : memref<128x10xf32, #tpu.memory_space<vmem>>, vector<128x10xf32>,
    } else {
    }
    return
  }
  func.func @transform_0(%arg0: i32) -> (i32, i32, i32) {
    %c0_i32 = arith.constant 0 : i32
    %c0_i32_0 = arith.constant 0 : i32
    %c0_i32_1 = arith.constant 0 : i32
    return %arg0, %c0_i32, %c0_i32_0 : i32, i32, i32
  }
  func.func @transform_1(%arg0: i32) -> (i32, i32, i32) {
    %c0_i32 = arith.constant 0 : i32
    %c0_i32_0 = arith.constant 0 : i32
    %c0_i32_1 = arith.constant 0 : i32
    return %c0_i32, %arg0, %c0_i32_0 : i32, i32, i32
  }
  func.func @transform_2(%arg0: i32) -> (i32, i32) {
    %c0_i32 = arith.constant 0 : i32
    %c0_i32_0 = arith.constant 0 : i32
    return %arg0, %c0_i32 : i32, i32
  }
  func.func @transform_3(%arg0: i32) -> (i32, i32) {
    %c0_i32 = arith.constant 0 : i32
    %c0_i32_0 = arith.constant 0 : i32
    %c0_i32_1 = arith.constant 0 : i32
    return %c0_i32, %c0_i32_0 : i32, i32
  }
  func.func @transform_4(%arg0: i32) -> (i32, i32) {
    %c0_i32 = arith.constant 0 : i32
    %c0_i32_0 = arith.constant 0 : i32
    %c0_i32_1 = arith.constant 0 : i32
    return %c0_i32, %c0_i32_0 : i32, i32
  }
  func.func @transform_5(%arg0: i32) -> (i32, i32) {
    %c0_i32 = arith.constant 0 : i32
    %c0_i32_0 = arith.constant 0 : i32
    %c0_i32_1 = arith.constant 0 : i32
    return %c0_i32, %c0_i32_0 : i32, i32
  }
  func.func @transform_6(%arg0: i32) -> (i32, i32) {
    %c0_i32 = arith.constant 0 : i32
    %c0_i32_0 = arith.constant 0 : i32
    %c0_i32_1 = arith.constant 0 : i32
    return %c0_i32, %c0_i32_0 : i32, i32
  }
  func.func @transform_7(%arg0: i32) -> (i32, i32) {
    %c0_i32 = arith.constant 0 : i32
    %c0_i32_0 = arith.constant 0 : i32
    return %arg0, %c0_i32 : i32, i32
  }
  func.func @transform_8(%arg0: i32) -> (i32, i32) {
    %c0_i32 = arith.constant 0 : i32
    %c0_i32_0 = arith.constant 0 : i32
    return %arg0, %c0_i32 : i32, i32
  }
  func.func @transform_9(%arg0: i32) -> (i32, i32) {
    %c0_i32 = arith.constant 0 : i32
    %c0_i32_0 = arith.constant 0 : i32
    return %arg0, %c0_i32 : i32, i32
  }
  func.func @transform_10(%arg0: i32) -> (i32, i32, i32) {
    %c0_i32 = arith.constant 0 : i32
    %c0_i32_0 = arith.constant 0 : i32
    %c0_i32_1 = arith.constant 0 : i32
    %c0_i32_2 = arith.constant 0 : i32
    return %c0_i32, %c0_i32_0, %c0_i32_1 : i32, i32, i32
  }
  func.func @transform_11(%arg0: i32) -> (i32, i32) {
    %c0_i32 = arith.constant 0 : i32
    %c0_i32_0 = arith.constant 0 : i32
    %c0_i32_1 = arith.constant 0 : i32
    return %c0_i32, %c0_i32_0 : i32, i32
  }
  func.func @transform_12(%arg0: i32) -> (i32, i32) {
    %c0_i32 = arith.constant 0 : i32
    %c0_i32_0 = arith.constant 0 : i32
    %c0_i32_1 = arith.constant 0 : i32
    return %c0_i32, %c0_i32_0 : i32, i32
  }
}

</mosaic_0001>

<sc_bundles>
// kernel: kernel.10.cloned.1.call-start
scs
__scs_entry_jumppad:
0x0: {  	(pc) =	sbr.rel $0x88, $3  }
0x1: {  	(tag) =	ssettag $0x0;
	lr =	simm.s32 $0x1  }
0x2: {  	[smem:$0x3F98] =	sst lr;
	_ =	strace $0xD0000000  }
0x3: {  	_ = 	snop  }
0x4: {  	_ = 	snop  }
0x5: {  	_ = 	snop  }
0x6: {  	_ = 	snop  }
0x7: {  	_ = 	snop  }
__scs_overlays_trampoline_lowered:
0x8: {  	[smem:$0x3FA7] =	sst s0  }
0x9: {  	[smem:$0x3FA8] =	sst s1  }
0xa: {  	[smem:$0x3FA9] =	sst s2  }
0xb: {  	[smem:$0x3FAA] =	sst s3  }
0xc: {  	[smem:$0x3FAB] =	sst s4  }
0xd: {  	[smem:$0x3FAC] =	sst s5  }
0xe: {  	[smem:$0x3FAD] =	sst s6  }
0xf: {  	[smem:$0x3FAE] =	sst s7  }
0x10: {  	[smem:$0x3FAF] =	sst s8  }
0x11: {  	[smem:$0x3FB0] =	sst s9;
	s0 =	simm.s32 @!p0 $0x0  }
0x12: {  	s1 =	sld [smem:$0x3F96];
	s0 =	simm.s32 @p0 $0x1  }
0x13: {  	[smem:$0x3FB1] =	sst s0;
	s0 =	simm.s32 @!p1 $0x0  }
0x14: {  	s2 =	sld [smem:$0x3F95];
	s0 =	simm.s32 @p1 $0x1  }
0x15: {  	[smem:$0x3FB2] =	sst s0;
	s0 =	simm.s32 @!p2 $0x0  }
0x16: {  	s3 =	sld [smem:$0x3FDB];
	s0 =	simm.s32 @p2 $0x1  }
0x17: {  	s4 =	simm.s32 $0x1BF5;
	[smem:$0x3FB4] =	sst s0  }
0x18: {  	s0 =	sld [smem:$0x3F97];
	_ =	swait.ge [sflag:s4], $0x0  }
0x19: {  	s7 =	sld [smem:$0x3F98]  }
0x1a: {  	s8 =	sadd.s32 $0xFFFFE003, lr  }
0x1b: {  	s9 =	sadd.s32 $0xFFFFFEF7, lr;
	s5 =	simm.s32 $0xFFFFFFFF;
	p2 =	slt.u32 s8, $0xFFFFF086  }
0x1c: {  	p1 =	slt.u32 s9, $0xF7A;
	s5 =	simm.s32 @!p2 $0x0  }
0x1d: {  	s5 =	simm.s32 @p1 $0x1;
	p0 =	seq.s32 s7, s2  }
0x1e: {  	s7 =	smul.u32 @!p0 $0xF7A, s2;
	p2 =	seq.s32 @!p0 s5, $0x0  }
0x1f: {  	s9 =	smul.u32 $0xF7A, s1;
	s8 =	simm.s32 @!p0 $0x1BF5;
	p2 =	por !p2, p0  }
0x20: {  	[sflag:s8] =	ssyncset.s32 @!p0 $0xFFFFF086;
	s6 =	sadd.s32 @!p0 s3, s7;
	s7 =	simm.s32 @!p0 $0x108  }
0x21: {  	s3 =	sadd.s32 s3, s9;
	s6 =	sadd.s32 @!p0 $0x88, s6;
	s7 =	simm.s32 @p2 $0x1082  }
0x22: {  	[simem:s7], [sflag:s8] =	dma.local @!p0 [hbm:s6], $0xF7A  }
0x23: {  	s9 =	sor.u32 $0xD0000000, s2;
	s6 =	simm.s32 $0x108;
	_ =	swait.ge @!p0 [sflag:s8], $0x0  }
0x24: {  	s3 =	sadd.s32 $0x88, s3;
	s6 =	simm.s32 @!p1 $0x1082;
	[sflag:s4] =	ssyncset.s32 $0xFFFFF086  }
0x25: {  	[simem:s6], [sflag:s4] =	dma.local [hbm:s3], $0xF7A  }
0x26: {  	[smem:$0x3F98] =	sst s1;
	(tag) =	ssettag s2;
	_ =	strace s9  }
0x27: {  	s1 =	sld [smem:$0x3FA8]  }
0x28: {  	s2 =	sld [smem:$0x3FA9]  }
0x29: {  	s4 =	sld [smem:$0x3FAB]  }
0x2a: {  	p0 =	seq.s32 s5, $0x0;
	s5 =	sld [smem:$0x3FAC]  }
0x2b: {  	s6 =	sld [smem:$0x3FAD]  }
0x2c: {  	s7 =	sld [smem:$0x3FAE]  }
0x2d: {  	s3 =	simm.s32 $0x108;
	s8 =	sld [smem:$0x3FAF]  }
0x2e: {  	s3 =	simm.s32 @!p0 $0x1082;
	s9 =	sld [smem:$0x3FB0]  }
0x2f: {  	lr =	sadd.s32 s0, s3;
	s0 =	sld [smem:$0x3FA7]  }
0x30: {  	s3 =	sld [smem:$0x3FAA]  }
0x31: {  	[smem:$0x3FB3] =	sst s10  }
0x32: {  	s10 =	sld [smem:$0x3FB1];
	_ =	sdelay $0x3  }
0x33: {  	p0 =	seq.s32 s10, $0x1;
	s10 =	sld [smem:$0x3FB3];
	_ =	sdelay $0x3  }
0x34: {  	[smem:$0x3FB3] =	sst s10  }
0x35: {  	s10 =	sld [smem:$0x3FB2];
	_ =	sdelay $0x3  }
0x36: {  	p1 =	seq.s32 s10, $0x1;
	s10 =	sld [smem:$0x3FB3];
	_ =	sdelay $0x3  }
0x37: {  	[smem:$0x3FB3] =	sst s10  }
0x38: {  	s10 =	sld [smem:$0x3FB4]  }
0x39: {  	_ = 	snop;
	(pc) =	sbr.ind lr, $3  }
0x3a: {  	_ = 	snop  }
0x3b: {  	_ = 	snop  }
0x3c: {  	p2 =	seq.s32 s10, $0x1;
	s10 =	sld [smem:$0x3FB3]  }
0x3d: {  	_ =	shalt  }
0x3e: {  	_ =	shalt  }
0x3f: {  	_ =	shalt  }
0x40: {  	_ =	shalt  }
0x41: {  	_ =	shalt  }
0x42: {  	_ =	shalt  }
0x43: {  	_ =	shalt  }
0x44: {  	_ =	shalt  }
0x45: {  	_ =	shalt  }
0x46: {  	_ =	shalt  }
0x47: {  	_ =	shalt  }
0x48: {  	_ =	shalt  }
0x49: {  	_ =	shalt  }
0x4a: {  	_ =	shalt  }
0x4b: {  	_ =	shalt  }
0x4c: {  	_ =	shalt  }
0x4d: {  	_ =	shalt  }
0x4e: {  	_ =	shalt  }
0x4f: {  	_ =	shalt  }
0x50: {  	_ =	shalt  }
0x51: {  	_ =	shalt  }
0x52: {  	_ =	shalt  }
0x53: {  	_ =	shalt  }
0x54: {  	_ =	shalt  }
0x55: {  	_ =	shalt  }
0x56: {  	_ =	shalt  }
0x57: {  	_ =	shalt  }
0x58: {  	_ =	shalt  }
0x59: {  	_ =	shalt  }
0x5a: {  	_ =	shalt  }
0x5b: {  	_ =	shalt  }
0x5c: {  	_ =	shalt  }
0x5d: {  	_ =	shalt  }
0x5e: {  	_ =	shalt  }
0x5f: {  	_ =	shalt  }
0x60: {  	_ =	shalt  }
0x61: {  	_ =	shalt  }
0x62: {  	_ =	shalt  }
0x63: {  	_ =	shalt  }
0x64: {  	_ =	shalt  }
0x65: {  	_ =	shalt  }
0x66: {  	_ =	shalt  }
0x67: {  	_ =	shalt  }
0x68: {  	_ =	shalt  }
0x69: {  	_ =	shalt  }
0x6a: {  	_ =	shalt  }
0x6b: {  	_ =	shalt  }
0x6c: {  	_ =	shalt  }
0x6d: {  	_ =	shalt  }
0x6e: {  	_ =	shalt  }
0x6f: {  	_ =	shalt  }
0x70: {  	_ =	shalt  }
0x71: {  	_ =	shalt  }
0x72: {  	_ =	shalt  }
0x73: {  	_ =	shalt  }
0x74: {  	_ =	shalt  }
0x75: {  	_ =	shalt  }
0x76: {  	_ =	shalt  }
0x77: {  	_ =	shalt  }
0x78: {  	_ =	shalt  }
0x79: {  	_ =	shalt  }
0x7a: {  	_ =	shalt  }
0x7b: {  	_ =	shalt  }
0x7c: {  	_ =	shalt  }
0x7d: {  	_ =	shalt  }
0x7e: {  	_ =	shalt  }
0x7f: {  	_ =	shalt  }
0x80: {  	_ =	shalt  }
0x81: {  	_ =	shalt  }
0x82: {  	_ =	shalt  }
0x83: {  	_ =	shalt  }
0x84: {  	_ =	shalt  }
0x85: {  	_ =	shalt  }
0x86: {  	_ =	shalt  }
0x87: {  	_ =	shalt  }
.Lfunc_end0:
.L_simem_size_0:
called_computation_lowered:
.L_overlay_start_0:
0x88: {  	s2 =	sld [smem:$0x3FD9]  }
0x89: {  	s3 =	sld [smem:$0x3FFE];
	_ =	sdelay $0x1  }
0x8a: {  	s1 =	srdreg.scid  }
0x8b: {  	s0 =	sand.u32 $0x1, s1  }
0x8c: {  	s17 =	sshll.u32 s0, $0xA;
	s2 =	sadd.s32 s3, s2  }
0x8d: {  	s2 =	sadd.s32 s2, s17  }
0x8e: {  	[smem:$0x3FBF] =	sst s2  }
0x8f: {  	_ = 	snop  }
0x90: {  	s2 =	sld [smem:$0x3FC9];
	(tm) =	ssettm $0x1  }
0x91: {  	s18 =	sld [smem:$0x3FFB];
	_ =	sdelay $0x3  }
0x92: {  	_ =	strace s18  }
0x93: {  	s3 =	sld [smem:$0x3FFC];
	_ =	sdelay $0x3  }
0x94: {  	_ =	strace s3  }
0x95: {  	s3 =	sld [smem:$0x3FFD];
	_ =	sdelay $0x3  }
0x96: {  	_ =	strace s3  }
0x97: {  	_ =	strace $0x8FFFFFFF  }
0x98: {  	s19 =	sld [smem:$0x3FDB];
	_ =	sdelay $0x1  }
0x99: {  	s4 =	simm.s32 $_scs_section_size  }
0x9a: {  	s5 =	simm.s32 $_size__tile_overlayer_lowered;
	s6 =	simm.s32 $_tile_overlayer_lowered  }
0x9b: {  	s22 =	simm.s32 $0x1BFF;
	s21 =	sshll.u32 s6, $0x1;
	s3 =	sadd.s32 s4, s19  }
0x9c: {  	s7 =	simm.s32 $0x0;
	s20 =	sshll.u32 s5, $0x1;
	s5 =	sadd.s32 s21, s3  }
0x9d: {  	[timem:s7], [sflag:s22] =	dma.local [hbm:s5], s20  }
0x9e: {  	_ =	swait.ge [sflag:s22], s20  }
0x9f: {  	s4 =	ssub.s32 $0x0, s20;
	[sflag:s22] =	ssyncset.done $0x0  }
0xa0: {  	[sflag:s22] =	ssyncadd.s32 s4;
	_ =	sdelay $0x1  }
0xa1: {  	s23 =	simm.s32 $0x1B8B  }
0xa2: {  	_ =	swait.ge [sflag:s23], $0x1  }
0xa3: {  	[sflag:s23] =	ssyncset.done $0x0  }
0xa4: {  	s25 =	simm.s32 $0x1B8E;
	s24 =	sld [smem:$0x3FFE];
	[sflag:s23] =	ssyncadd.s32 $0xFFFFFFFF  }
0xa5: {  	s26 =	simm.s32 $execute0_lowered;
	[smem:$0x3FD2] =	sst s25  }
0xa6: {  	s5 =	sshll.u32 s26, $0x1;
	_ =	strace $0x80000046;
	[dreg:$0x1] =	wrdreg $0xFFFFFFFF  }
0xa7: {  	s28 =	simm.s32 $_size_execute0_lowered;
	s3 =	sadd.s32 s3, s5;
	[dreg:$0x0] =	wrdreg $0x0  }
0xa8: {  	s5 =	sshll.u32 s28, $0x1;
	[dreg:$0x2] =	wrdreg s3  }
0xa9: {  	[dreg:$0x3] =	wrdreg s5  }
0xaa: {  	[dreg:$0x4] =	wrdreg $0xC0  }
0xab: {  	_ =	task [dreg:s7], $0x5FFFF  }
0xac: {  	[dreg:$0x1] =	wrdreg $0xFFFFFFFF  }
0xad: {  	[dreg:$0x0] =	wrdreg $0x60  }
0xae: {  	[dreg:$0x2] =	wrdreg s2  }
0xaf: {  	[dreg:$0x3] =	wrdreg s24  }
0xb0: {  	[dreg:$0x4] =	wrdreg $0xB7800  }
0xb1: {  	[dreg:$0x5] =	wrdreg $0x9  }
0xb2: {  	_ =	task.clear_ibuf [dreg:s7], $0x6FFFF;
	_ =	strace $0x90000046  }
0xb3: {  	s29 =	simm.s32 $0x9;
	_ =	strace $0x80000048  }
0xb4: {  	_ =	swait.ge [sflag:s29], $0x1  }
0xb5: {  	[sflag:s29] =	ssyncadd.s32 $0xFFFFFFFF  }
0xb6: {  	_ =	strace $0x90000048  }
0xb7: {  	_ =	sfence  }
0xb8: {  	s30 =	sld [smem:$0x0];
	_ =	sdelay $0x2  }
0xb9: {  	s31 =	sshll.u32 s1, $0xD;
	s1 =	sshrl.u32 s1, $0x2  }
0xba: {  	s3 =	sand.u32 $0x4000, s31;
	s1 =	sadd.s32 s1, s30  }
0xbb: {  	s0 =	sor.u32 s3, s0;
	s1 =	sshll.u32 s1, $0x11  }
0xbc: {  	s0 =	sor.u32 s1, s0  }
0xbd: {  	s0 =	sadd.s32 $0x8F2B, s0  }
0xbe: {  	[sflag:s0] =	ssyncadd.remote.s32 $0x1  }
0xbf: {  	_ =	sfence.sel $0xFFFF  }
0xc0: {  	[dreg:$0x0] =	wrdreg $0xFFFFFFFF;
	(pc) =	sbr.abs _section_cstart, $3  }
0xc1: {  	[dreg:$0x1] =	wrdreg $0xFFFFFFFF  }
0xc2: {  	_ =	task.clear_ibuf [dreg:s7], $0x2FFFF;
	_ =	strace $0x9FFFFFFF  }
0xc3: {  	(tm) =	ssettm $0x7FFFFFFF  }
tec
execute0_lowered:
.L_overlay_start_1:
0x0: {  	(tag) =	ssettag $0x1  }
0x1: {  	s1 =	rddreg [dreg:$0x0]  }
0x2: {  	s0 =	srdreg.scid;
	s7 =	rddreg [dreg:$0x1]  }
0x3: {  	s3 =	rddreg [dreg:$0x2];
	s4 =	simm.s32 $0x0;
	s15 =	simm.s32 $0x50  }
0x4: {  	s16 =	simm.s32 $0x6780;
	s20 =	simm.s32 $0x8F80;
	s21 =	simm.s32 $0x1  }
0x5: {  	s22 =	simm.s32 $0x2;
	s23 =	simm.s32 $0x6580;
	s24 =	simm.s32 $0x0  }
0x6: {  	s5 =	sand.u32 $0x1, s0;
	s0 =	stileid.u32;
	[smem:$0x7FF] =	sst s4  }
0x7: {  	s14 =	sadd.s32 $0x1FA00, s7;
	s17 =	sadd.s32 $0x128400, s3;
	s25 =	smul.u32 $0x4F000, s0  }
0x8: {  	s2 =	sshll.u32 s5, $0x4;
	s9 =	sshll.u32 s0, $0x7;
	s11 =	smul.u32 $0x138800, s5  }
0x9: {  	s26 =	ssub.s32 $0x2, s5;
	s5 =	sadd.s32 $0x1D200, s7;
	s13 =	smul.u32 $0x13C00, s0  }
0xa: {  	p0 =	seq.s32 s0, $0xF;
	s6 =	sor.u32 s0, s2;
	s9 =	sand.u32 $0x380, s9  }
0xb: {  	s12 =	sshrl.u32 s26, $0x1;
	s18 =	sshll.u32 @!p0 s0, $0x6;
	s17 =	sshrl.u32 @p0 s17, $0x3  }
0xc: {  	s2 =	sshrl.u32 s6, $0x3;
	s6 =	sshll.u32 s6, $0xB;
	s12 =	ssub.s32 s26, s12  }
0xd: {  	s28 =	sshrl.u32 s25, $0x2;
	s29 =	sadd.s32 s13, s11;
	s31 =	sshrl.u32 s11, $0x3  }
0xe: {  	s11 =	simm.s32 $0x80;
	s13 =	simm.s32 $0x3;
	s8 =	smul.u32 $0x13C00, s2  }
0xf: {  	s18 =	sor.u32 @!p0 $0x1C03, s18;
	s2 =	rddreg [dreg:$0x3];
	_ =	strace $0x80000047  }
0x10: {  	s10 =	sadd.s32 s6, s7;
	s19 =	sadd.s32 s28, s3;
	s8 =	sor.u32 s9, s8  }
0x11: {  	s30 =	sshrl.u32 s29, $0x3;
	s9 =	sadd.s32 s14, s31;
	s8 =	sshrl.u32 s8, $0x3  }
0x12: {  	s19 =	sshrl.u32 @!p0 s19, $0x3;
	s9 =	sadd.s32 $0x25080, s9;
	s8 =	sadd.s32 s8, s7  }
0x13: {  	s7 =	sadd.s32 $0x3400, s10;
	s10 =	smax.u32 s12, $0x1;
	s12 =	simm.s32 $0x400  }
0x14: {  	s6 =	sadd.s32 $0x13400, s8;
	s8 =	sadd.s32 s14, s30;
	s14 =	simm.s32 $0x2780  }
.LBB2_1:
0x15: {  	[tilespmem:s4], [sflag:$0x3] =	stream.strided.gather [hbm4b:s6+s11], $0x2780, s12, s11, $0x38;
	[tilespmem:$0x1F000] =	vst v63  }
0x16: {  	_ =	swait.ge [sflag:s13], $0x2780  }
0x17: {  	[sflag:s13] =	ssyncset.done $0x0  }
0x18: {  	[sflag:s13] =	ssyncadd.s32 $0xFFFFD880  }
0x19: {  	[tilespmem:s14], [sflag:$0x3] =	stream.linear.gather [hbm4b:s7+s4], $0x3E80, $0x38;
	[tilespmem:$0x1F000] =	vst v63  }
0x1a: {  	_ =	swait.ge [sflag:s13], $0x3E80  }
0x1b: {  	[sflag:s13] =	ssyncset.done $0x0  }
0x1c: {  	s25 =	simm.s32 @p0 $0x1FC3;
	[sflag:s13] =	ssyncadd.s32 $0xFFFFC180  }
0x1d: {  	[tilespmem:s16], [sflag:$0x1] =	stream.indirect.gather [hbm4b:s1+s15], $0x80, s4, s15, $0xb8;
	[tilespmem:$0x1F000] =	vst v63  }
0x1e: {  	[spmem:s17], [sflag:s25] =	dma.local @p0 [hbm:s5], $0x2080  }
0x1f: {  	s25 =	simm.s32 @p0 $0x3  }
0x20: {  	_ =	swait.ge @p0 [sflag:s25], $0x2080  }
0x21: {  	[sflag:s25] =	ssyncset.done @p0 $0x0  }
0x22: {  	[sflag:s25] =	ssyncadd.s32 @p0 $0xFFFFDF80;
	s25 =	simm.s32 @!p0 $0x3  }
0x23: {  	[spmem:s19], [sflag:s18] =	dma.local @!p0 [hbm:s5], $0x2780  }
0x24: {  	_ =	swait.ge @!p0 [sflag:s25], $0x2780  }
0x25: {  	[sflag:s25] =	ssyncset.done @!p0 $0x0  }
0x26: {  	[sflag:s25] =	ssyncadd.s32 @!p0 $0xFFFFD880  }
0x27: {  	s26 =	simm.s32 $0x50;
	[bflag:$0x0] =	sbarrier.arrive $0xFFFF  }
0x28: {  	[tilespmem:s20], [sflag:$0x2] =	stream.indirect.gather [hbm4b:s1+s15], $0x80, s26, s15, $0xb8;
	[tilespmem:$0x1F000] =	vst v63  }
0x29: {  	_ =	swait.ge [sflag:s21], $0x2800  }
0x2a: {  	[sflag:s21] =	ssyncset.done $0x0  }
0x2b: {  	s29 =	simm.s32 $0x2780;
	[sflag:s21] =	ssyncadd.s32 $0xFFFFD800  }
0x2c: {  	[spmem:s3] =	stream.indirect.scatter.add.f32 [tilespmem:s16], [sflag:$0x3], $0x80, s29, s15, $0xb8;
	[tilespmem:$0x1F000] =	vst v63  }
0x2d: {  	_ =	swait.ge [sflag:s13], $0x2800  }
0x2e: {  	[sflag:s13] =	ssyncset.done $0x0  }
0x2f: {  	s30 =	simm.s32 $0xA0;
	[sflag:s13] =	ssyncadd.s32 $0xFFFFD800  }
0x30: {  	[tilespmem:s16], [sflag:$0x1] =	stream.indirect.gather [hbm4b:s1+s15], $0x80, s30, s15, $0xb8;
	[tilespmem:$0x1F000] =	vst v63  }
0x31: {  	_ =	swait.ge [sflag:s22], $0x2800  }
0x32: {  	[sflag:s22] =	ssyncset.done $0x0  }
0x33: {  	s31 =	simm.s32 $0x2800;
	[sflag:s22] =	ssyncadd.s32 $0xFFFFD800  }
0x34: {  	[spmem:s3] =	stream.indirect.scatter.add.f32 [tilespmem:s20], [sflag:$0x3], $0x80, s31, s15, $0xb8;
	[tilespmem:$0x1F000] =	vst v63  }
0x35: {  	_ =	swait.ge [sflag:s13], $0x2800  }
0x36: {  	[sflag:s13] =	ssyncset.done $0x0  }
0x37: {  	s26 =	simm.s32 $0xF0;
	[sflag:s13] =	ssyncadd.s32 $0xFFFFD800  }
0x38: {  	[tilespmem:s20], [sflag:$0x2] =	stream.indirect.gather [hbm4b:s1+s15], $0x80, s26, s15, $0xb8;
	[tilespmem:$0x1F000] =	vst v63  }
0x39: {  	_ =	swait.ge [sflag:s21], $0x2800  }
0x3a: {  	[sflag:s21] =	ssyncset.done $0x0  }
0x3b: {  	s29 =	simm.s32 $0x2880;
	[sflag:s21] =	ssyncadd.s32 $0xFFFFD800  }
0x3c: {  	[spmem:s3] =	stream.indirect.scatter.add.f32 [tilespmem:s16], [sflag:$0x3], $0x80, s29, s15, $0xb8;
	[tilespmem:$0x1F000] =	vst v63  }
0x3d: {  	_ =	swait.ge [sflag:s13], $0x2800  }
0x3e: {  	[sflag:s13] =	ssyncset.done $0x0  }
0x3f: {  	s30 =	simm.s32 $0x140;
	[sflag:s13] =	ssyncadd.s32 $0xFFFFD800  }
0x40: {  	[tilespmem:s16], [sflag:$0x1] =	stream.indirect.gather [hbm4b:s1+s15], $0x80, s30, s15, $0xb8;
	[tilespmem:$0x1F000] =	vst v63  }
0x41: {  	_ =	swait.ge [sflag:s22], $0x2800  }
0x42: {  	[sflag:s22] =	ssyncset.done $0x0  }
0x43: {  	s31 =	simm.s32 $0x2900;
	[sflag:s22] =	ssyncadd.s32 $0xFFFFD800  }
0x44: {  	[spmem:s3] =	stream.indirect.scatter.add.f32 [tilespmem:s20], [sflag:$0x3], $0x80, s31, s15, $0xb8;
	[tilespmem:$0x1F000] =	vst v63  }
0x45: {  	s28 =	simm.s32 $0x2;
	_ =	swait.ge [sflag:s13], $0x2800  }
0x46: {  	s25 =	simm.s32 $0x2A80;
	s26 =	simm.s32 $0x280;
	[sflag:s13] =	ssyncset.done $0x0  }
.LBB2_2:
0x47: {  	s28 =	sadd.s32 $0x2, s28;
	s29 =	sadd.s32 $0xFFFFFF10, s26;
	[sflag:s13] =	ssyncadd.s32 $0xFFFFD800  }
0x48: {  	[tilespmem:s20], [sflag:$0x2] =	stream.indirect.gather [hbm4b:s1+s15], $0x80, s29, s15, $0xb8;
	[tilespmem:$0x1F000] =	vst v63  }
0x49: {  	p1 =	slt.u32 s28, $0x3C;
	_ =	swait.ge [sflag:s21], $0x2800  }
0x4a: {  	[sflag:s21] =	ssyncset.done $0x0  }
0x4b: {  	s29 =	sadd.s32 $0xFFFFFF00, s25;
	[sflag:s21] =	ssyncadd.s32 $0xFFFFD800  }
0x4c: {  	[spmem:s3] =	stream.indirect.scatter.add.f32 [tilespmem:s16], [sflag:$0x3], $0x80, s29, s15, $0xb8;
	[tilespmem:$0x1F000] =	vst v63  }
0x4d: {  	_ =	swait.ge [sflag:s13], $0x2800  }
0x4e: {  	[sflag:s13] =	ssyncset.done $0x0  }
0x4f: {  	s29 =	sadd.s32 $0xFFFFFF60, s26;
	[sflag:s13] =	ssyncadd.s32 $0xFFFFD800  }
0x50: {  	[tilespmem:s16], [sflag:$0x1] =	stream.indirect.gather [hbm4b:s1+s15], $0x80, s29, s15, $0xb8;
	[tilespmem:$0x1F000] =	vst v63  }
0x51: {  	_ =	swait.ge [sflag:s22], $0x2800  }
0x52: {  	[sflag:s22] =	ssyncset.done $0x0  }
0x53: {  	s29 =	sadd.s32 $0xFFFFFF80, s25;
	[sflag:s22] =	ssyncadd.s32 $0xFFFFD800  }
0x54: {  	[spmem:s3] =	stream.indirect.scatter.add.f32 [tilespmem:s20], [sflag:$0x3], $0x80, s29, s15, $0xb8;
	[tilespmem:$0x1F000] =	vst v63  }
0x55: {  	_ =	swait.ge [sflag:s13], $0x2800  }
0x56: {  	[sflag:s13] =	ssyncset.done $0x0  }
0x57: {  	s29 =	sadd.s32 $0xFFFFFFB0, s26;
	[sflag:s13] =	ssyncadd.s32 $0xFFFFD800  }
0x58: {  	[tilespmem:s20], [sflag:$0x2] =	stream.indirect.gather [hbm4b:s1+s15], $0x80, s29, s15, $0xb8;
	[tilespmem:$0x1F000] =	vst v63  }
0x59: {  	_ =	swait.ge [sflag:s21], $0x2800  }
0x5a: {  	[sflag:s21] =	ssyncset.done $0x0  }
0x5b: {  	[sflag:s21] =	ssyncadd.s32 $0xFFFFD800  }
0x5c: {  	[spmem:s3] =	stream.indirect.scatter.add.f32 [tilespmem:s16], [sflag:$0x3], $0x80, s25, s15, $0xb8;
	[tilespmem:$0x1F000] =	vst v63  }
0x5d: {  	_ =	swait.ge [sflag:s13], $0x2800  }
0x5e: {  	[sflag:s13] =	ssyncset.done $0x0  }
0x5f: {  	[sflag:s13] =	ssyncadd.s32 $0xFFFFD800  }
0x60: {  	[tilespmem:s16], [sflag:$0x1] =	stream.indirect.gather [hbm4b:s1+s15], $0x80, s26, s15, $0xb8;
	[tilespmem:$0x1F000] =	vst v63  }
0x61: {  	_ =	swait.ge [sflag:s22], $0x2800  }
.Ltmp0:
0x62: {  	[sflag:s22] =	ssyncset.done $0x0;
	(pc) =	sbr.rel @p1 .LBB2_2-.Ltmp0, $4  }
0x63: {  	s29 =	sadd.s32 $0x80, s25;
	[sflag:s22] =	ssyncadd.s32 $0xFFFFD800  }
0x64: {  	[spmem:s3] =	stream.indirect.scatter.add.f32 [tilespmem:s20], [sflag:$0x3], $0x80, s29, s15, $0xb8;
	[tilespmem:$0x1F000] =	vst v63  }
0x65: {  	_ =	swait.ge [sflag:s13], $0x2800  }
0x66: {  	s25 =	sadd.s32 $0x200, s25;
	s26 =	sadd.s32 $0x140, s26;
	[sflag:s13] =	ssyncset.done $0x0  }
0x67: {  	s28 =	sadd.s32 $0xFFFFFF10, s26;
	[sflag:s13] =	ssyncadd.s32 $0xFFFFD800  }
0x68: {  	[tilespmem:s20], [sflag:$0x2] =	stream.indirect.gather [hbm4b:s1+s15], $0x80, s28, s15, $0xb8;
	[tilespmem:$0x1F000] =	vst v63  }
0x69: {  	_ =	swait.ge [sflag:s21], $0x2800  }
0x6a: {  	[sflag:s21] =	ssyncset.done $0x0  }
0x6b: {  	s30 =	sadd.s32 $0xFFFFFF00, s25;
	[sflag:s21] =	ssyncadd.s32 $0xFFFFD800  }
0x6c: {  	[spmem:s3] =	stream.indirect.scatter.add.f32 [tilespmem:s16], [sflag:$0x3], $0x80, s30, s15, $0xb8;
	[tilespmem:$0x1F000] =	vst v63  }
0x6d: {  	_ =	swait.ge [sflag:s13], $0x2800  }
0x6e: {  	[sflag:s13] =	ssyncset.done $0x0  }
0x6f: {  	s31 =	sadd.s32 $0xFFFFFF60, s26;
	[sflag:s13] =	ssyncadd.s32 $0xFFFFD800  }
0x70: {  	[tilespmem:s16], [sflag:$0x1] =	stream.indirect.gather [hbm4b:s1+s15], $0x80, s31, s15, $0xb8;
	[tilespmem:$0x1F000] =	vst v63  }
0x71: {  	_ =	swait.ge [sflag:s22], $0x2800  }
0x72: {  	[sflag:s22] =	ssyncset.done $0x0  }
0x73: {  	s29 =	sadd.s32 $0xFFFFFF80, s25;
	[sflag:s22] =	ssyncadd.s32 $0xFFFFD800  }
0x74: {  	[spmem:s3] =	stream.indirect.scatter.add.f32 [tilespmem:s20], [sflag:$0x3], $0x80, s29, s15, $0xb8;
	[tilespmem:$0x1F000] =	vst v63  }
0x75: {  	_ =	swait.ge [sflag:s13], $0x2800  }
0x76: {  	[sflag:s13] =	ssyncset.done $0x0  }
0x77: {  	s30 =	sadd.s32 $0xFFFFFFB0, s26;
	[sflag:s13] =	ssyncadd.s32 $0xFFFFD800  }
0x78: {  	[tilespmem:s20], [sflag:$0x2] =	stream.indirect.gather [hbm4b:s1+s15], $0x80, s30, s15, $0xb8;
	[tilespmem:$0x1F000] =	vst v63  }
0x79: {  	_ =	swait.ge [sflag:s21], $0x2800  }
0x7a: {  	[sflag:s21] =	ssyncset.done $0x0  }
0x7b: {  	[sflag:s21] =	ssyncadd.s32 $0xFFFFD800  }
0x7c: {  	[spmem:s3] =	stream.indirect.scatter.add.f32 [tilespmem:s16], [sflag:$0x3], $0x80, s25, s15, $0xb8;
	[tilespmem:$0x1F000] =	vst v63  }
0x7d: {  	_ =	swait.ge [sflag:s13], $0x2800  }
0x7e: {  	[sflag:s13] =	ssyncset.done $0x0  }
0x7f: {  	[sflag:s13] =	ssyncadd.s32 $0xFFFFD800  }
0x80: {  	[tilespmem:s16], [sflag:$0x1] =	stream.indirect.gather [hbm4b:s1+s15], $0x80, s26, s15, $0xb8;
	[tilespmem:$0x1F000] =	vst v63  }
0x81: {  	_ =	swait.ge [sflag:s22], $0x2800  }
0x82: {  	[sflag:s22] =	ssyncset.done $0x0  }
0x83: {  	s31 =	sadd.s32 $0x80, s25;
	[sflag:s22] =	ssyncadd.s32 $0xFFFFD800  }
0x84: {  	[spmem:s3] =	stream.indirect.scatter.add.f32 [tilespmem:s20], [sflag:$0x3], $0x80, s31, s15, $0xb8;
	[tilespmem:$0x1F000] =	vst v63  }
0x85: {  	_ =	swait.ge [sflag:s13], $0x2800  }
0x86: {  	[sflag:s13] =	ssyncset.done $0x0  }
0x87: {  	[sflag:s13] =	ssyncadd.s32 $0xFFFFD800  }
0x88: {  	_ =	swait.ge [sflag:s21], $0x2800  }
0x89: {  	[sflag:s21] =	ssyncset.done $0x0  }
0x8a: {  	[sflag:s21] =	ssyncadd.s32 $0xFFFFD800  }
0x8b: {  	[spmem:s3] =	stream.indirect.scatter.add.f32 [tilespmem:s16], [sflag:$0x3], $0x80, s23, s15, $0xb8;
	[tilespmem:$0x1F000] =	vst v63  }
0x8c: {  	_ =	swait.ge [sflag:s13], $0x2800  }
0x8d: {  	[sflag:s13] =	ssyncset.done $0x0  }
0x8e: {  	[sflag:s13] =	ssyncadd.s32 $0xFFFFD800  }
0x8f: {  	s25 =	simm.s32 @p0 $0x1FC3;
	[bflag:$0x0] =	sbarrier.arrive $0xFFFF  }
0x90: {  	[hbm:s9], [sflag:s25] =	dma.local @p0 [spmem:s17], $0x2080  }
0x91: {  	s25 =	simm.s32 @p0 $0x3  }
0x92: {  	s24 =	sadd.s32 $0x1, s24;
	_ =	swait.ge @p0 [sflag:s25], $0x2080  }
0x93: {  	p1 =	sne.s32 s24, s10;
	[sflag:s25] =	ssyncset.done @p0 $0x0  }
.Ltmp1:
0x94: {  	[sflag:s25] =	ssyncadd.s32 @p0 $0xFFFFDF80;
	s25 =	simm.s32 @!p0 $0x3;
	(pc) =	sbr.rel @p1 .LBB2_1-.Ltmp1, $4  }
0x95: {  	[hbm:s8], [sflag:s18] =	dma.local @!p0 [spmem:s19], $0x2780  }
0x96: {  	_ =	swait.ge @!p0 [sflag:s25], $0x2780  }
0x97: {  	[sflag:s25] =	ssyncset.done @!p0 $0x0  }
0x98: {  	[sflag:s25] =	ssyncadd.s32 @!p0 $0xFFFFD880  }
0x99: {  	_ =	sfence.sel $0x180000  }
0x9a: {  	[bflag:$0x0] =	sbarrier.arrive $0xFFFF  }
0x9b: {  	p0 =	sne.s32 s0, $0x0;
	_ =	strace $0x90000047  }
0x9c: {  	s0 =	sadd.s32 @!p0 $0x100000, s2;
	[bflag:$0x2] =	sbarrier.arrive $0xFFFF  }
0x9d: {  	[sflag:s0] =	ssyncadd.tile.s32 @!p0 $0x1;
	_ =	shalt  }
.Lfunc_end2:
_tile_overlayer_lowered:
.L_overlay_start_2:
0x9e: {  	(tag) =	ssettag $0x2  }
0x9f: {  	s0 =	rddreg [dreg:$0x0];
	s2 =	stileid.u32  }
0xa0: {  	s1 =	rddreg [dreg:$0x1];
	p0 =	sne.s32 s2, $0x0  }
0xa1: {  	s3 =	rddreg [dreg:$0x2];
	[bflag:$0x3] =	sbarrier.arrive $0xFFFF;
	s2 =	simm.s32 @!p0 $0x1C03  }
0xa2: {  	[timem:s3], [sflag:s2] =	dma.local @!p0 [hbm:s0], s1  }
0xa3: {  	s0 =	simm.s32 @!p0 $0x3  }
0xa4: {  	_ =	swait.ge @!p0 [sflag:s0], s1  }
0xa5: {  	s1 =	ssub.s32 @!p0 $0x0, s1;
	[sflag:s0] =	ssyncset.done @!p0 $0x0  }
0xa6: {  	[sflag:s0] =	ssyncadd.s32 @!p0 s1  }
0xa7: {  	[bflag:$0x3] =	sbarrier.arrive $0xFFFF  }
0xa8: {  	_ =	shalt  }

// kernel: kernel.13.cloned.1.call-start
scs
__scs_entry_jumppad:
0x0: {  	(pc) =	sbr.rel $0x88, $3  }
0x1: {  	(tag) =	ssettag $0x0;
	lr =	simm.s32 $0x1  }
0x2: {  	[smem:$0x3F98] =	sst lr;
	_ =	strace $0xD0000000  }
0x3: {  	_ = 	snop  }
0x4: {  	_ = 	snop  }
0x5: {  	_ = 	snop  }
0x6: {  	_ = 	snop  }
0x7: {  	_ = 	snop  }
__scs_overlays_trampoline_lowered:
0x8: {  	[smem:$0x3FA7] =	sst s0  }
0x9: {  	[smem:$0x3FA8] =	sst s1  }
0xa: {  	[smem:$0x3FA9] =	sst s2  }
0xb: {  	[smem:$0x3FAA] =	sst s3  }
0xc: {  	[smem:$0x3FAB] =	sst s4  }
0xd: {  	[smem:$0x3FAC] =	sst s5  }
0xe: {  	[smem:$0x3FAD] =	sst s6  }
0xf: {  	[smem:$0x3FAE] =	sst s7  }
0x10: {  	[smem:$0x3FAF] =	sst s8  }
0x11: {  	[smem:$0x3FB0] =	sst s9;
	s0 =	simm.s32 @!p0 $0x0  }
0x12: {  	s1 =	sld [smem:$0x3F96];
	s0 =	simm.s32 @p0 $0x1  }
0x13: {  	[smem:$0x3FB1] =	sst s0;
	s0 =	simm.s32 @!p1 $0x0  }
0x14: {  	s2 =	sld [smem:$0x3F95];
	s0 =	simm.s32 @p1 $0x1  }
0x15: {  	[smem:$0x3FB2] =	sst s0;
	s0 =	simm.s32 @!p2 $0x0  }
0x16: {  	s3 =	sld [smem:$0x3FDB];
	s0 =	simm.s32 @p2 $0x1  }
0x17: {  	s4 =	simm.s32 $0x1BF5;
	[smem:$0x3FB4] =	sst s0  }
0x18: {  	s0 =	sld [smem:$0x3F97];
	_ =	swait.ge [sflag:s4], $0x0  }
0x19: {  	s7 =	sld [smem:$0x3F98]  }
0x1a: {  	s8 =	sadd.s32 $0xFFFFE003, lr  }
0x1b: {  	s9 =	sadd.s32 $0xFFFFFEF7, lr;
	s5 =	simm.s32 $0xFFFFFFFF;
	p2 =	slt.u32 s8, $0xFFFFF086  }
0x1c: {  	p1 =	slt.u32 s9, $0xF7A;
	s5 =	simm.s32 @!p2 $0x0  }
0x1d: {  	s5 =	simm.s32 @p1 $0x1;
	p0 =	seq.s32 s7, s2  }
0x1e: {  	s7 =	smul.u32 @!p0 $0xF7A, s2;
	p2 =	seq.s32 @!p0 s5, $0x0  }
0x1f: {  	s9 =	smul.u32 $0xF7A, s1;
	s8 =	simm.s32 @!p0 $0x1BF5;
	p2 =	por !p2, p0  }
0x20: {  	[sflag:s8] =	ssyncset.s32 @!p0 $0xFFFFF086;
	s6 =	sadd.s32 @!p0 s3, s7;
	s7 =	simm.s32 @!p0 $0x108  }
0x21: {  	s3 =	sadd.s32 s3, s9;
	s6 =	sadd.s32 @!p0 $0x88, s6;
	s7 =	simm.s32 @p2 $0x1082  }
0x22: {  	[simem:s7], [sflag:s8] =	dma.local @!p0 [hbm:s6], $0xF7A  }
0x23: {  	s9 =	sor.u32 $0xD0000000, s2;
	s6 =	simm.s32 $0x108;
	_ =	swait.ge @!p0 [sflag:s8], $0x0  }
0x24: {  	s3 =	sadd.s32 $0x88, s3;
	s6 =	simm.s32 @!p1 $0x1082;
	[sflag:s4] =	ssyncset.s32 $0xFFFFF086  }
0x25: {  	[simem:s6], [sflag:s4] =	dma.local [hbm:s3], $0xF7A  }
0x26: {  	[smem:$0x3F98] =	sst s1;
	(tag) =	ssettag s2;
	_ =	strace s9  }
0x27: {  	s1 =	sld [smem:$0x3FA8]  }
0x28: {  	s2 =	sld [smem:$0x3FA9]  }
0x29: {  	s4 =	sld [smem:$0x3FAB]  }
0x2a: {  	p0 =	seq.s32 s5, $0x0;
	s5 =	sld [smem:$0x3FAC]  }
0x2b: {  	s6 =	sld [smem:$0x3FAD]  }
0x2c: {  	s7 =	sld [smem:$0x3FAE]  }
0x2d: {  	s3 =	simm.s32 $0x108;
	s8 =	sld [smem:$0x3FAF]  }
0x2e: {  	s3 =	simm.s32 @!p0 $0x1082;
	s9 =	sld [smem:$0x3FB0]  }
0x2f: {  	lr =	sadd.s32 s0, s3;
	s0 =	sld [smem:$0x3FA7]  }
0x30: {  	s3 =	sld [smem:$0x3FAA]  }
0x31: {  	[smem:$0x3FB3] =	sst s10  }
0x32: {  	s10 =	sld [smem:$0x3FB1];
	_ =	sdelay $0x3  }
0x33: {  	p0 =	seq.s32 s10, $0x1;
	s10 =	sld [smem:$0x3FB3];
	_ =	sdelay $0x3  }
0x34: {  	[smem:$0x3FB3] =	sst s10  }
0x35: {  	s10 =	sld [smem:$0x3FB2];
	_ =	sdelay $0x3  }
0x36: {  	p1 =	seq.s32 s10, $0x1;
	s10 =	sld [smem:$0x3FB3];
	_ =	sdelay $0x3  }
0x37: {  	[smem:$0x3FB3] =	sst s10  }
0x38: {  	s10 =	sld [smem:$0x3FB4]  }
0x39: {  	_ = 	snop;
	(pc) =	sbr.ind lr, $3  }
0x3a: {  	_ = 	snop  }
0x3b: {  	_ = 	snop  }
0x3c: {  	p2 =	seq.s32 s10, $0x1;
	s10 =	sld [smem:$0x3FB3]  }
0x3d: {  	_ =	shalt  }
0x3e: {  	_ =	shalt  }
0x3f: {  	_ =	shalt  }
0x40: {  	_ =	shalt  }
0x41: {  	_ =	shalt  }
0x42: {  	_ =	shalt  }
0x43: {  	_ =	shalt  }
0x44: {  	_ =	shalt  }
0x45: {  	_ =	shalt  }
0x46: {  	_ =	shalt  }
0x47: {  	_ =	shalt  }
0x48: {  	_ =	shalt  }
0x49: {  	_ =	shalt  }
0x4a: {  	_ =	shalt  }
0x4b: {  	_ =	shalt  }
0x4c: {  	_ =	shalt  }
0x4d: {  	_ =	shalt  }
0x4e: {  	_ =	shalt  }
0x4f: {  	_ =	shalt  }
0x50: {  	_ =	shalt  }
0x51: {  	_ =	shalt  }
0x52: {  	_ =	shalt  }
0x53: {  	_ =	shalt  }
0x54: {  	_ =	shalt  }
0x55: {  	_ =	shalt  }
0x56: {  	_ =	shalt  }
0x57: {  	_ =	shalt  }
0x58: {  	_ =	shalt  }
0x59: {  	_ =	shalt  }
0x5a: {  	_ =	shalt  }
0x5b: {  	_ =	shalt  }
0x5c: {  	_ =	shalt  }
0x5d: {  	_ =	shalt  }
0x5e: {  	_ =	shalt  }
0x5f: {  	_ =	shalt  }
0x60: {  	_ =	shalt  }
0x61: {  	_ =	shalt  }
0x62: {  	_ =	shalt  }
0x63: {  	_ =	shalt  }
0x64: {  	_ =	shalt  }
0x65: {  	_ =	shalt  }
0x66: {  	_ =	shalt  }
0x67: {  	_ =	shalt  }
0x68: {  	_ =	shalt  }
0x69: {  	_ =	shalt  }
0x6a: {  	_ =	shalt  }
0x6b: {  	_ =	shalt  }
0x6c: {  	_ =	shalt  }
0x6d: {  	_ =	shalt  }
0x6e: {  	_ =	shalt  }
0x6f: {  	_ =	shalt  }
0x70: {  	_ =	shalt  }
0x71: {  	_ =	shalt  }
0x72: {  	_ =	shalt  }
0x73: {  	_ =	shalt  }
0x74: {  	_ =	shalt  }
0x75: {  	_ =	shalt  }
0x76: {  	_ =	shalt  }
0x77: {  	_ =	shalt  }
0x78: {  	_ =	shalt  }
0x79: {  	_ =	shalt  }
0x7a: {  	_ =	shalt  }
0x7b: {  	_ =	shalt  }
0x7c: {  	_ =	shalt  }
0x7d: {  	_ =	shalt  }
0x7e: {  	_ =	shalt  }
0x7f: {  	_ =	shalt  }
0x80: {  	_ =	shalt  }
0x81: {  	_ =	shalt  }
0x82: {  	_ =	shalt  }
0x83: {  	_ =	shalt  }
0x84: {  	_ =	shalt  }
0x85: {  	_ =	shalt  }
0x86: {  	_ =	shalt  }
0x87: {  	_ =	shalt  }
.Lfunc_end0:
.L_simem_size_0:
called_computation.1_lowered:
.L_overlay_start_0:
0x88: {  	s2 =	sld [smem:$0x3FD9]  }
0x89: {  	s3 =	sld [smem:$0x3FFE];
	_ =	sdelay $0x1  }
0x8a: {  	s1 =	srdreg.scid  }
0x8b: {  	s0 =	sand.u32 $0x1, s1  }
0x8c: {  	s16 =	sshll.u32 s0, $0xA;
	s2 =	sadd.s32 s3, s2  }
0x8d: {  	s2 =	sadd.s32 s2, s16  }
0x8e: {  	[smem:$0x3FBF] =	sst s2  }
0x8f: {  	_ = 	snop  }
0x90: {  	(tm) =	ssettm $0x1  }
0x91: {  	s17 =	sld [smem:$0x3FFB];
	_ =	sdelay $0x3  }
0x92: {  	_ =	strace s17  }
0x93: {  	s2 =	sld [smem:$0x3FFC];
	_ =	sdelay $0x3  }
0x94: {  	_ =	strace s2  }
0x95: {  	s2 =	sld [smem:$0x3FFD];
	_ =	sdelay $0x3  }
0x96: {  	_ =	strace s2  }
0x97: {  	_ =	strace $0x8FFFFFFF  }
0x98: {  	s18 =	sld [smem:$0x3FDB];
	_ =	sdelay $0x1  }
0x99: {  	s19 =	simm.s32 $_scs_section_size  }
0x9a: {  	s4 =	simm.s32 $_size__tile_overlayer_lowered;
	s5 =	simm.s32 $_tile_overlayer_lowered  }
0x9b: {  	s22 =	simm.s32 $0x1BFF;
	s21 =	sshll.u32 s5, $0x1;
	s2 =	sadd.s32 s19, s18  }
0x9c: {  	s6 =	simm.s32 $0x0;
	s20 =	sshll.u32 s4, $0x1;
	s4 =	sadd.s32 s21, s2  }
0x9d: {  	[timem:s6], [sflag:s22] =	dma.local [hbm:s4], s20  }
0x9e: {  	_ =	swait.ge [sflag:s22], s20  }
0x9f: {  	s3 =	ssub.s32 $0x0, s20;
	[sflag:s22] =	ssyncset.done $0x0  }
0xa0: {  	[sflag:s22] =	ssyncadd.s32 s3;
	_ =	sdelay $0x1  }
0xa1: {  	s23 =	simm.s32 $0x1B8B  }
0xa2: {  	_ =	swait.ge [sflag:s23], $0x1  }
0xa3: {  	[sflag:s23] =	ssyncset.done $0x0  }
0xa4: {  	s25 =	simm.s32 $0x1B8E;
	s24 =	sld [smem:$0x3FFE];
	[sflag:s23] =	ssyncadd.s32 $0xFFFFFFFF  }
0xa5: {  	s26 =	simm.s32 $execute0_lowered;
	[smem:$0x3FD2] =	sst s25  }
0xa6: {  	s4 =	sshll.u32 s26, $0x1;
	_ =	strace $0x80000049;
	[dreg:$0x1] =	wrdreg $0xFFFFFFFF  }
0xa7: {  	s28 =	simm.s32 $_size_execute0_lowered;
	s2 =	sadd.s32 s2, s4;
	[dreg:$0x0] =	wrdreg $0x0  }
0xa8: {  	s4 =	sshll.u32 s28, $0x1;
	[dreg:$0x2] =	wrdreg s2  }
0xa9: {  	[dreg:$0x3] =	wrdreg s4  }
0xaa: {  	[dreg:$0x4] =	wrdreg $0xC0  }
0xab: {  	_ =	task [dreg:s6], $0x5FFFF  }
0xac: {  	[dreg:$0x1] =	wrdreg $0xFFFFFFFF  }
0xad: {  	[dreg:$0x0] =	wrdreg $0x60  }
0xae: {  	[dreg:$0x2] =	wrdreg s24  }
0xaf: {  	[dreg:$0x3] =	wrdreg $0xB7800  }
0xb0: {  	[dreg:$0x4] =	wrdreg $0x9  }
0xb1: {  	_ =	task.clear_ibuf [dreg:s6], $0x5FFFF;
	_ =	strace $0x90000049  }
0xb2: {  	s29 =	simm.s32 $0x9;
	_ =	strace $0x8000004B  }
0xb3: {  	_ =	swait.ge [sflag:s29], $0x1  }
0xb4: {  	[sflag:s29] =	ssyncadd.s32 $0xFFFFFFFF  }
0xb5: {  	_ =	strace $0x9000004B  }
0xb6: {  	_ =	sfence  }
0xb7: {  	s30 =	sld [smem:$0x0];
	_ =	sdelay $0x2  }
0xb8: {  	s31 =	sshll.u32 s1, $0xD;
	s1 =	sshrl.u32 s1, $0x2  }
0xb9: {  	s3 =	sand.u32 $0x4000, s31;
	s1 =	sadd.s32 s1, s30  }
0xba: {  	s0 =	sor.u32 s3, s0;
	s1 =	sshll.u32 s1, $0x11  }
0xbb: {  	s0 =	sor.u32 s1, s0  }
0xbc: {  	s0 =	sadd.s32 $0x8F2B, s0  }
0xbd: {  	[sflag:s0] =	ssyncadd.remote.s32 $0x1  }
0xbe: {  	_ =	sfence.sel $0xFFFF  }
0xbf: {  	[dreg:$0x0] =	wrdreg $0xFFFFFFFF;
	(pc) =	sbr.abs _section_cstart, $3  }
0xc0: {  	[dreg:$0x1] =	wrdreg $0xFFFFFFFF  }
0xc1: {  	_ =	task.clear_ibuf [dreg:s6], $0x2FFFF;
	_ =	strace $0x9FFFFFFF  }
0xc2: {  	(tm) =	ssettm $0x7FFFFFFF  }
0xc3: {  	_ =	shalt  }
tec
execute0_lowered:
.L_overlay_start_1:
0x0: {  	(tag) =	ssettag $0x1  }
0x1: {  	s7 =	rddreg [dreg:$0x0]  }
0x2: {  	s0 =	srdreg.scid;
	s2 =	rddreg [dreg:$0x1]  }
0x3: {  	s3 =	simm.s32 $0x0;
	s15 =	simm.s32 $0x50;
	s16 =	simm.s32 $0x6780  }
0x4: {  	s20 =	simm.s32 $0x8F80;
	s21 =	simm.s32 $0x1;
	s22 =	simm.s32 $0x2  }
0x5: {  	s23 =	simm.s32 $0x6580;
	s24 =	simm.s32 $0x0;
	s5 =	sand.u32 $0x1, s0  }
0x6: {  	s0 =	stileid.u32;
	[smem:$0x7FF] =	sst s3;
	s14 =	sadd.s32 $0x46C00, s7  }
0x7: {  	s17 =	sadd.s32 $0x128400, s2;
	s1 =	sshll.u32 s5, $0x4;
	s9 =	smul.u32 $0x4F000, s0  }
0x8: {  	s8 =	sshll.u32 s0, $0x7;
	s26 =	ssub.s32 $0x2, s5;
	s11 =	smul.u32 $0x138800, s5  }
0x9: {  	s5 =	sadd.s32 $0x1D200, s7;
	s13 =	smul.u32 $0x13C00, s0;
	p0 =	seq.s32 s0, $0xF  }
0xa: {  	s6 =	sor.u32 s0, s1;
	s8 =	sand.u32 $0x380, s8;
	s12 =	sshrl.u32 s26, $0x1  }
0xb: {  	s18 =	sshll.u32 @!p0 s0, $0x6;
	s17 =	sshrl.u32 @p0 s17, $0x3;
	s1 =	sshrl.u32 s6, $0x3  }
0xc: {  	s6 =	sshll.u32 s6, $0xB;
	s12 =	ssub.s32 s26, s12;
	s28 =	sshrl.u32 s9, $0x2  }
0xd: {  	s29 =	sadd.s32 s13, s11;
	s31 =	sshrl.u32 s11, $0x3;
	s11 =	simm.s32 $0x80  }
0xe: {  	s13 =	simm.s32 $0x3;
	s18 =	sor.u32 @!p0 $0x1C03, s18;
	s4 =	smul.u32 $0x13C00, s1  }
0xf: {  	s1 =	rddreg [dreg:$0x2];
	_ =	strace $0x8000004A;
	s10 =	sadd.s32 s6, s7  }
0x10: {  	s19 =	sadd.s32 s28, s2;
	s9 =	sadd.s32 s14, s31;
	s8 =	sor.u32 s8, s4  }
0x11: {  	s30 =	sshrl.u32 s29, $0x3;
	s9 =	sadd.s32 $0x25080, s9;
	s8 =	sshrl.u32 s8, $0x3  }
0x12: {  	s19 =	sshrl.u32 @!p0 s19, $0x3;
	s4 =	sadd.s32 $0x1FA00, s7;
	s8 =	sadd.s32 s8, s7  }
0x13: {  	s7 =	sadd.s32 $0x3400, s10;
	s10 =	smax.u32 s12, $0x1;
	s12 =	simm.s32 $0x400  }
0x14: {  	s6 =	sadd.s32 $0x13400, s8;
	s8 =	sadd.s32 s14, s30;
	s14 =	simm.s32 $0x2780  }
.LBB2_1:
0x15: {  	[tilespmem:s3], [sflag:$0x3] =	stream.strided.gather [hbm4b:s6+s11], $0x2780, s12, s11, $0x38;
	[tilespmem:$0x1F000] =	vst v63  }
0x16: {  	_ =	swait.ge [sflag:s13], $0x2780  }
0x17: {  	[sflag:s13] =	ssyncset.done $0x0  }
0x18: {  	[sflag:s13] =	ssyncadd.s32 $0xFFFFD880  }
0x19: {  	[tilespmem:s14], [sflag:$0x3] =	stream.linear.gather [hbm4b:s7+s3], $0x3E80, $0x38;
	[tilespmem:$0x1F000] =	vst v63  }
0x1a: {  	_ =	swait.ge [sflag:s13], $0x3E80  }
0x1b: {  	[sflag:s13] =	ssyncset.done $0x0  }
0x1c: {  	s25 =	simm.s32 @p0 $0x1FC3;
	[sflag:s13] =	ssyncadd.s32 $0xFFFFC180  }
0x1d: {  	[tilespmem:s16], [sflag:$0x1] =	stream.indirect.gather [hbm4b:s4+s15], $0x80, s3, s15, $0xb8;
	[tilespmem:$0x1F000] =	vst v63  }
0x1e: {  	[spmem:s17], [sflag:s25] =	dma.local @p0 [hbm:s5], $0x2080  }
0x1f: {  	s25 =	simm.s32 @p0 $0x3  }
0x20: {  	_ =	swait.ge @p0 [sflag:s25], $0x2080  }
0x21: {  	[sflag:s25] =	ssyncset.done @p0 $0x0  }
0x22: {  	[sflag:s25] =	ssyncadd.s32 @p0 $0xFFFFDF80;
	s25 =	simm.s32 @!p0 $0x3  }
0x23: {  	[spmem:s19], [sflag:s18] =	dma.local @!p0 [hbm:s5], $0x2780  }
0x24: {  	_ =	swait.ge @!p0 [sflag:s25], $0x2780  }
0x25: {  	[sflag:s25] =	ssyncset.done @!p0 $0x0  }
0x26: {  	[sflag:s25] =	ssyncadd.s32 @!p0 $0xFFFFD880  }
0x27: {  	s26 =	simm.s32 $0x50;
	[bflag:$0x0] =	sbarrier.arrive $0xFFFF  }
0x28: {  	[tilespmem:s20], [sflag:$0x2] =	stream.indirect.gather [hbm4b:s4+s15], $0x80, s26, s15, $0xb8;
	[tilespmem:$0x1F000] =	vst v63  }
0x29: {  	_ =	swait.ge [sflag:s21], $0x2800  }
0x2a: {  	[sflag:s21] =	ssyncset.done $0x0  }
0x2b: {  	s29 =	simm.s32 $0x2780;
	[sflag:s21] =	ssyncadd.s32 $0xFFFFD800  }
0x2c: {  	[spmem:s2] =	stream.indirect.scatter.add.f32 [tilespmem:s16], [sflag:$0x3], $0x80, s29, s15, $0xb8;
	[tilespmem:$0x1F000] =	vst v63  }
0x2d: {  	_ =	swait.ge [sflag:s13], $0x2800  }
0x2e: {  	[sflag:s13] =	ssyncset.done $0x0  }
0x2f: {  	s30 =	simm.s32 $0xA0;
	[sflag:s13] =	ssyncadd.s32 $0xFFFFD800  }
0x30: {  	[tilespmem:s16], [sflag:$0x1] =	stream.indirect.gather [hbm4b:s4+s15], $0x80, s30, s15, $0xb8;
	[tilespmem:$0x1F000] =	vst v63  }
0x31: {  	_ =	swait.ge [sflag:s22], $0x2800  }
0x32: {  	[sflag:s22] =	ssyncset.done $0x0  }
0x33: {  	s31 =	simm.s32 $0x2800;
	[sflag:s22] =	ssyncadd.s32 $0xFFFFD800  }
0x34: {  	[spmem:s2] =	stream.indirect.scatter.add.f32 [tilespmem:s20], [sflag:$0x3], $0x80, s31, s15, $0xb8;
	[tilespmem:$0x1F000] =	vst v63  }
0x35: {  	_ =	swait.ge [sflag:s13], $0x2800  }
0x36: {  	[sflag:s13] =	ssyncset.done $0x0  }
0x37: {  	s26 =	simm.s32 $0xF0;
	[sflag:s13] =	ssyncadd.s32 $0xFFFFD800  }
0x38: {  	[tilespmem:s20], [sflag:$0x2] =	stream.indirect.gather [hbm4b:s4+s15], $0x80, s26, s15, $0xb8;
	[tilespmem:$0x1F000] =	vst v63  }
0x39: {  	_ =	swait.ge [sflag:s21], $0x2800  }
0x3a: {  	[sflag:s21] =	ssyncset.done $0x0  }
0x3b: {  	s29 =	simm.s32 $0x2880;
	[sflag:s21] =	ssyncadd.s32 $0xFFFFD800  }
0x3c: {  	[spmem:s2] =	stream.indirect.scatter.add.f32 [tilespmem:s16], [sflag:$0x3], $0x80, s29, s15, $0xb8;
	[tilespmem:$0x1F000] =	vst v63  }
0x3d: {  	_ =	swait.ge [sflag:s13], $0x2800  }
0x3e: {  	[sflag:s13] =	ssyncset.done $0x0  }
0x3f: {  	s30 =	simm.s32 $0x140;
	[sflag:s13] =	ssyncadd.s32 $0xFFFFD800  }
0x40: {  	[tilespmem:s16], [sflag:$0x1] =	stream.indirect.gather [hbm4b:s4+s15], $0x80, s30, s15, $0xb8;
	[tilespmem:$0x1F000] =	vst v63  }
0x41: {  	_ =	swait.ge [sflag:s22], $0x2800  }
0x42: {  	[sflag:s22] =	ssyncset.done $0x0  }
0x43: {  	s31 =	simm.s32 $0x2900;
	[sflag:s22] =	ssyncadd.s32 $0xFFFFD800  }
0x44: {  	[spmem:s2] =	stream.indirect.scatter.add.f32 [tilespmem:s20], [sflag:$0x3], $0x80, s31, s15, $0xb8;
	[tilespmem:$0x1F000] =	vst v63  }
0x45: {  	s28 =	simm.s32 $0x2;
	_ =	swait.ge [sflag:s13], $0x2800  }
0x46: {  	s25 =	simm.s32 $0x2A80;
	s26 =	simm.s32 $0x280;
	[sflag:s13] =	ssyncset.done $0x0  }
.LBB2_2:
0x47: {  	s28 =	sadd.s32 $0x2, s28;
	s29 =	sadd.s32 $0xFFFFFF10, s26;
	[sflag:s13] =	ssyncadd.s32 $0xFFFFD800  }
0x48: {  	[tilespmem:s20], [sflag:$0x2] =	stream.indirect.gather [hbm4b:s4+s15], $0x80, s29, s15, $0xb8;
	[tilespmem:$0x1F000] =	vst v63  }
0x49: {  	p1 =	slt.u32 s28, $0x3C;
	_ =	swait.ge [sflag:s21], $0x2800  }
0x4a: {  	[sflag:s21] =	ssyncset.done $0x0  }
0x4b: {  	s29 =	sadd.s32 $0xFFFFFF00, s25;
	[sflag:s21] =	ssyncadd.s32 $0xFFFFD800  }
0x4c: {  	[spmem:s2] =	stream.indirect.scatter.add.f32 [tilespmem:s16], [sflag:$0x3], $0x80, s29, s15, $0xb8;
	[tilespmem:$0x1F000] =	vst v63  }
0x4d: {  	_ =	swait.ge [sflag:s13], $0x2800  }
0x4e: {  	[sflag:s13] =	ssyncset.done $0x0  }
0x4f: {  	s29 =	sadd.s32 $0xFFFFFF60, s26;
	[sflag:s13] =	ssyncadd.s32 $0xFFFFD800  }
0x50: {  	[tilespmem:s16], [sflag:$0x1] =	stream.indirect.gather [hbm4b:s4+s15], $0x80, s29, s15, $0xb8;
	[tilespmem:$0x1F000] =	vst v63  }
0x51: {  	_ =	swait.ge [sflag:s22], $0x2800  }
0x52: {  	[sflag:s22] =	ssyncset.done $0x0  }
0x53: {  	s29 =	sadd.s32 $0xFFFFFF80, s25;
	[sflag:s22] =	ssyncadd.s32 $0xFFFFD800  }
0x54: {  	[spmem:s2] =	stream.indirect.scatter.add.f32 [tilespmem:s20], [sflag:$0x3], $0x80, s29, s15, $0xb8;
	[tilespmem:$0x1F000] =	vst v63  }
0x55: {  	_ =	swait.ge [sflag:s13], $0x2800  }
0x56: {  	[sflag:s13] =	ssyncset.done $0x0  }
0x57: {  	s29 =	sadd.s32 $0xFFFFFFB0, s26;
	[sflag:s13] =	ssyncadd.s32 $0xFFFFD800  }
0x58: {  	[tilespmem:s20], [sflag:$0x2] =	stream.indirect.gather [hbm4b:s4+s15], $0x80, s29, s15, $0xb8;
	[tilespmem:$0x1F000] =	vst v63  }
0x59: {  	_ =	swait.ge [sflag:s21], $0x2800  }
0x5a: {  	[sflag:s21] =	ssyncset.done $0x0  }
0x5b: {  	[sflag:s21] =	ssyncadd.s32 $0xFFFFD800  }
0x5c: {  	[spmem:s2] =	stream.indirect.scatter.add.f32 [tilespmem:s16], [sflag:$0x3], $0x80, s25, s15, $0xb8;
	[tilespmem:$0x1F000] =	vst v63  }
0x5d: {  	_ =	swait.ge [sflag:s13], $0x2800  }
0x5e: {  	[sflag:s13] =	ssyncset.done $0x0  }
0x5f: {  	[sflag:s13] =	ssyncadd.s32 $0xFFFFD800  }
0x60: {  	[tilespmem:s16], [sflag:$0x1] =	stream.indirect.gather [hbm4b:s4+s15], $0x80, s26, s15, $0xb8;
	[tilespmem:$0x1F000] =	vst v63  }
0x61: {  	_ =	swait.ge [sflag:s22], $0x2800  }
.Ltmp0:
0x62: {  	[sflag:s22] =	ssyncset.done $0x0;
	(pc) =	sbr.rel @p1 .LBB2_2-.Ltmp0, $4  }
0x63: {  	s29 =	sadd.s32 $0x80, s25;
	[sflag:s22] =	ssyncadd.s32 $0xFFFFD800  }
0x64: {  	[spmem:s2] =	stream.indirect.scatter.add.f32 [tilespmem:s20], [sflag:$0x3], $0x80, s29, s15, $0xb8;
	[tilespmem:$0x1F000] =	vst v63  }
0x65: {  	_ =	swait.ge [sflag:s13], $0x2800  }
0x66: {  	s25 =	sadd.s32 $0x200, s25;
	s26 =	sadd.s32 $0x140, s26;
	[sflag:s13] =	ssyncset.done $0x0  }
0x67: {  	s28 =	sadd.s32 $0xFFFFFF10, s26;
	[sflag:s13] =	ssyncadd.s32 $0xFFFFD800  }
0x68: {  	[tilespmem:s20], [sflag:$0x2] =	stream.indirect.gather [hbm4b:s4+s15], $0x80, s28, s15, $0xb8;
	[tilespmem:$0x1F000] =	vst v63  }
0x69: {  	_ =	swait.ge [sflag:s21], $0x2800  }
0x6a: {  	[sflag:s21] =	ssyncset.done $0x0  }
0x6b: {  	s30 =	sadd.s32 $0xFFFFFF00, s25;
	[sflag:s21] =	ssyncadd.s32 $0xFFFFD800  }
0x6c: {  	[spmem:s2] =	stream.indirect.scatter.add.f32 [tilespmem:s16], [sflag:$0x3], $0x80, s30, s15, $0xb8;
	[tilespmem:$0x1F000] =	vst v63  }
0x6d: {  	_ =	swait.ge [sflag:s13], $0x2800  }
0x6e: {  	[sflag:s13] =	ssyncset.done $0x0  }
0x6f: {  	s31 =	sadd.s32 $0xFFFFFF60, s26;
	[sflag:s13] =	ssyncadd.s32 $0xFFFFD800  }
0x70: {  	[tilespmem:s16], [sflag:$0x1] =	stream.indirect.gather [hbm4b:s4+s15], $0x80, s31, s15, $0xb8;
	[tilespmem:$0x1F000] =	vst v63  }
0x71: {  	_ =	swait.ge [sflag:s22], $0x2800  }
0x72: {  	[sflag:s22] =	ssyncset.done $0x0  }
0x73: {  	s29 =	sadd.s32 $0xFFFFFF80, s25;
	[sflag:s22] =	ssyncadd.s32 $0xFFFFD800  }
0x74: {  	[spmem:s2] =	stream.indirect.scatter.add.f32 [tilespmem:s20], [sflag:$0x3], $0x80, s29, s15, $0xb8;
	[tilespmem:$0x1F000] =	vst v63  }
0x75: {  	_ =	swait.ge [sflag:s13], $0x2800  }
0x76: {  	[sflag:s13] =	ssyncset.done $0x0  }
0x77: {  	s30 =	sadd.s32 $0xFFFFFFB0, s26;
	[sflag:s13] =	ssyncadd.s32 $0xFFFFD800  }
0x78: {  	[tilespmem:s20], [sflag:$0x2] =	stream.indirect.gather [hbm4b:s4+s15], $0x80, s30, s15, $0xb8;
	[tilespmem:$0x1F000] =	vst v63  }
0x79: {  	_ =	swait.ge [sflag:s21], $0x2800  }
0x7a: {  	[sflag:s21] =	ssyncset.done $0x0  }
0x7b: {  	[sflag:s21] =	ssyncadd.s32 $0xFFFFD800  }
0x7c: {  	[spmem:s2] =	stream.indirect.scatter.add.f32 [tilespmem:s16], [sflag:$0x3], $0x80, s25, s15, $0xb8;
	[tilespmem:$0x1F000] =	vst v63  }
0x7d: {  	_ =	swait.ge [sflag:s13], $0x2800  }
0x7e: {  	[sflag:s13] =	ssyncset.done $0x0  }
0x7f: {  	[sflag:s13] =	ssyncadd.s32 $0xFFFFD800  }
0x80: {  	[tilespmem:s16], [sflag:$0x1] =	stream.indirect.gather [hbm4b:s4+s15], $0x80, s26, s15, $0xb8;
	[tilespmem:$0x1F000] =	vst v63  }
0x81: {  	_ =	swait.ge [sflag:s22], $0x2800  }
0x82: {  	[sflag:s22] =	ssyncset.done $0x0  }
0x83: {  	s31 =	sadd.s32 $0x80, s25;
	[sflag:s22] =	ssyncadd.s32 $0xFFFFD800  }
0x84: {  	[spmem:s2] =	stream.indirect.scatter.add.f32 [tilespmem:s20], [sflag:$0x3], $0x80, s31, s15, $0xb8;
	[tilespmem:$0x1F000] =	vst v63  }
0x85: {  	_ =	swait.ge [sflag:s13], $0x2800  }
0x86: {  	[sflag:s13] =	ssyncset.done $0x0  }
0x87: {  	[sflag:s13] =	ssyncadd.s32 $0xFFFFD800  }
0x88: {  	_ =	swait.ge [sflag:s21], $0x2800  }
0x89: {  	[sflag:s21] =	ssyncset.done $0x0  }
0x8a: {  	[sflag:s21] =	ssyncadd.s32 $0xFFFFD800  }
0x8b: {  	[spmem:s2] =	stream.indirect.scatter.add.f32 [tilespmem:s16], [sflag:$0x3], $0x80, s23, s15, $0xb8;
	[tilespmem:$0x1F000] =	vst v63  }
0x8c: {  	_ =	swait.ge [sflag:s13], $0x2800  }
0x8d: {  	[sflag:s13] =	ssyncset.done $0x0  }
0x8e: {  	[sflag:s13] =	ssyncadd.s32 $0xFFFFD800  }
0x8f: {  	s25 =	simm.s32 @p0 $0x1FC3;
	[bflag:$0x0] =	sbarrier.arrive $0xFFFF  }
0x90: {  	[hbm:s9], [sflag:s25] =	dma.local @p0 [spmem:s17], $0x2080  }
0x91: {  	s25 =	simm.s32 @p0 $0x3  }
0x92: {  	s24 =	sadd.s32 $0x1, s24;
	_ =	swait.ge @p0 [sflag:s25], $0x2080  }
0x93: {  	p1 =	sne.s32 s24, s10;
	[sflag:s25] =	ssyncset.done @p0 $0x0  }
.Ltmp1:
0x94: {  	[sflag:s25] =	ssyncadd.s32 @p0 $0xFFFFDF80;
	s25 =	simm.s32 @!p0 $0x3;
	(pc) =	sbr.rel @p1 .LBB2_1-.Ltmp1, $4  }
0x95: {  	[hbm:s8], [sflag:s18] =	dma.local @!p0 [spmem:s19], $0x2780  }
0x96: {  	_ =	swait.ge @!p0 [sflag:s25], $0x2780  }
0x97: {  	[sflag:s25] =	ssyncset.done @!p0 $0x0  }
0x98: {  	[sflag:s25] =	ssyncadd.s32 @!p0 $0xFFFFD880  }
0x99: {  	_ =	sfence.sel $0x180000  }
0x9a: {  	[bflag:$0x0] =	sbarrier.arrive $0xFFFF  }
0x9b: {  	p0 =	sne.s32 s0, $0x0;
	_ =	strace $0x9000004A  }
0x9c: {  	s0 =	sadd.s32 @!p0 $0x100000, s1;
	[bflag:$0x2] =	sbarrier.arrive $0xFFFF  }
0x9d: {  	[sflag:s0] =	ssyncadd.tile.s32 @!p0 $0x1;
	_ =	shalt  }
.Lfunc_end2:
_tile_overlayer_lowered:
.L_overlay_start_2:
0x9e: {  	(tag) =	ssettag $0x2  }
0x9f: {  	s0 =	rddreg [dreg:$0x0];
	s2 =	stileid.u32  }
0xa0: {  	s1 =	rddreg [dreg:$0x1];
	p0 =	sne.s32 s2, $0x0  }
0xa1: {  	s3 =	rddreg [dreg:$0x2];
	[bflag:$0x3] =	sbarrier.arrive $0xFFFF;
	s2 =	simm.s32 @!p0 $0x1C03  }
0xa2: {  	[timem:s3], [sflag:s2] =	dma.local @!p0 [hbm:s0], s1  }
0xa3: {  	s0 =	simm.s32 @!p0 $0x3  }
0xa4: {  	_ =	swait.ge @!p0 [sflag:s0], s1  }
0xa5: {  	s1 =	ssub.s32 @!p0 $0x0, s1;
	[sflag:s0] =	ssyncset.done @!p0 $0x0  }
0xa6: {  	[sflag:s0] =	ssyncadd.s32 @!p0 s1  }
0xa7: {  	[bflag:$0x3] =	sbarrier.arrive $0xFFFF  }
0xa8: {  	_ =	shalt  }

// kernel: kernel.16.cloned.1.call-start
scs
__scs_entry_jumppad:
0x0: {  	(pc) =	sbr.rel $0x88, $3  }
0x1: {  	(tag) =	ssettag $0x0;
	lr =	simm.s32 $0x1  }
0x2: {  	[smem:$0x3F98] =	sst lr;
	_ =	strace $0xD0000000  }
0x3: {  	_ = 	snop  }
0x4: {  	_ = 	snop  }
0x5: {  	_ = 	snop  }
0x6: {  	_ = 	snop  }
0x7: {  	_ = 	snop  }
__scs_overlays_trampoline_lowered:
0x8: {  	[smem:$0x3FA7] =	sst s0  }
0x9: {  	[smem:$0x3FA8] =	sst s1  }
0xa: {  	[smem:$0x3FA9] =	sst s2  }
0xb: {  	[smem:$0x3FAA] =	sst s3  }
0xc: {  	[smem:$0x3FAB] =	sst s4  }
0xd: {  	[smem:$0x3FAC] =	sst s5  }
0xe: {  	[smem:$0x3FAD] =	sst s6  }
0xf: {  	[smem:$0x3FAE] =	sst s7  }
0x10: {  	[smem:$0x3FAF] =	sst s8  }
0x11: {  	[smem:$0x3FB0] =	sst s9;
	s0 =	simm.s32 @!p0 $0x0  }
0x12: {  	s1 =	sld [smem:$0x3F96];
	s0 =	simm.s32 @p0 $0x1  }
0x13: {  	[smem:$0x3FB1] =	sst s0;
	s0 =	simm.s32 @!p1 $0x0  }
0x14: {  	s2 =	sld [smem:$0x3F95];
	s0 =	simm.s32 @p1 $0x1  }
0x15: {  	[smem:$0x3FB2] =	sst s0;
	s0 =	simm.s32 @!p2 $0x0  }
0x16: {  	s3 =	sld [smem:$0x3FDB];
	s0 =	simm.s32 @p2 $0x1  }
0x17: {  	s4 =	simm.s32 $0x1BF5;
	[smem:$0x3FB4] =	sst s0  }
0x18: {  	s0 =	sld [smem:$0x3F97];
	_ =	swait.ge [sflag:s4], $0x0  }
0x19: {  	s7 =	sld [smem:$0x3F98]  }
0x1a: {  	s8 =	sadd.s32 $0xFFFFE003, lr  }
0x1b: {  	s9 =	sadd.s32 $0xFFFFFEF7, lr;
	s5 =	simm.s32 $0xFFFFFFFF;
	p2 =	slt.u32 s8, $0xFFFFF086  }
0x1c: {  	p1 =	slt.u32 s9, $0xF7A;
	s5 =	simm.s32 @!p2 $0x0  }
0x1d: {  	s5 =	simm.s32 @p1 $0x1;
	p0 =	seq.s32 s7, s2  }
0x1e: {  	s7 =	smul.u32 @!p0 $0xF7A, s2;
	p2 =	seq.s32 @!p0 s5, $0x0  }
0x1f: {  	s9 =	smul.u32 $0xF7A, s1;
	s8 =	simm.s32 @!p0 $0x1BF5;
	p2 =	por !p2, p0  }
0x20: {  	[sflag:s8] =	ssyncset.s32 @!p0 $0xFFFFF086;
	s6 =	sadd.s32 @!p0 s3, s7;
	s7 =	simm.s32 @!p0 $0x108  }
0x21: {  	s3 =	sadd.s32 s3, s9;
	s6 =	sadd.s32 @!p0 $0x88, s6;
	s7 =	simm.s32 @p2 $0x1082  }
0x22: {  	[simem:s7], [sflag:s8] =	dma.local @!p0 [hbm:s6], $0xF7A  }
0x23: {  	s9 =	sor.u32 $0xD0000000, s2;
	s6 =	simm.s32 $0x108;
	_ =	swait.ge @!p0 [sflag:s8], $0x0  }
0x24: {  	s3 =	sadd.s32 $0x88, s3;
	s6 =	simm.s32 @!p1 $0x1082;
	[sflag:s4] =	ssyncset.s32 $0xFFFFF086  }
0x25: {  	[simem:s6], [sflag:s4] =	dma.local [hbm:s3], $0xF7A  }
0x26: {  	[smem:$0x3F98] =	sst s1;
	(tag) =	ssettag s2;
	_ =	strace s9  }
0x27: {  	s1 =	sld [smem:$0x3FA8]  }
0x28: {  	s2 =	sld [smem:$0x3FA9]  }
0x29: {  	s4 =	sld [smem:$0x3FAB]  }
0x2a: {  	p0 =	seq.s32 s5, $0x0;
	s5 =	sld [smem:$0x3FAC]  }
0x2b: {  	s6 =	sld [smem:$0x3FAD]  }
0x2c: {  	s7 =	sld [smem:$0x3FAE]  }
0x2d: {  	s3 =	simm.s32 $0x108;
	s8 =	sld [smem:$0x3FAF]  }
0x2e: {  	s3 =	simm.s32 @!p0 $0x1082;
	s9 =	sld [smem:$0x3FB0]  }
0x2f: {  	lr =	sadd.s32 s0, s3;
	s0 =	sld [smem:$0x3FA7]  }
0x30: {  	s3 =	sld [smem:$0x3FAA]  }
0x31: {  	[smem:$0x3FB3] =	sst s10  }
0x32: {  	s10 =	sld [smem:$0x3FB1];
	_ =	sdelay $0x3  }
0x33: {  	p0 =	seq.s32 s10, $0x1;
	s10 =	sld [smem:$0x3FB3];
	_ =	sdelay $0x3  }
0x34: {  	[smem:$0x3FB3] =	sst s10  }
0x35: {  	s10 =	sld [smem:$0x3FB2];
	_ =	sdelay $0x3  }
0x36: {  	p1 =	seq.s32 s10, $0x1;
	s10 =	sld [smem:$0x3FB3];
	_ =	sdelay $0x3  }
0x37: {  	[smem:$0x3FB3] =	sst s10  }
0x38: {  	s10 =	sld [smem:$0x3FB4]  }
0x39: {  	_ = 	snop;
	(pc) =	sbr.ind lr, $3  }
0x3a: {  	_ = 	snop  }
0x3b: {  	_ = 	snop  }
0x3c: {  	p2 =	seq.s32 s10, $0x1;
	s10 =	sld [smem:$0x3FB3]  }
0x3d: {  	_ =	shalt  }
0x3e: {  	_ =	shalt  }
0x3f: {  	_ =	shalt  }
0x40: {  	_ =	shalt  }
0x41: {  	_ =	shalt  }
0x42: {  	_ =	shalt  }
0x43: {  	_ =	shalt  }
0x44: {  	_ =	shalt  }
0x45: {  	_ =	shalt  }
0x46: {  	_ =	shalt  }
0x47: {  	_ =	shalt  }
0x48: {  	_ =	shalt  }
0x49: {  	_ =	shalt  }
0x4a: {  	_ =	shalt  }
0x4b: {  	_ =	shalt  }
0x4c: {  	_ =	shalt  }
0x4d: {  	_ =	shalt  }
0x4e: {  	_ =	shalt  }
0x4f: {  	_ =	shalt  }
0x50: {  	_ =	shalt  }
0x51: {  	_ =	shalt  }
0x52: {  	_ =	shalt  }
0x53: {  	_ =	shalt  }
0x54: {  	_ =	shalt  }
0x55: {  	_ =	shalt  }
0x56: {  	_ =	shalt  }
0x57: {  	_ =	shalt  }
0x58: {  	_ =	shalt  }
0x59: {  	_ =	shalt  }
0x5a: {  	_ =	shalt  }
0x5b: {  	_ =	shalt  }
0x5c: {  	_ =	shalt  }
0x5d: {  	_ =	shalt  }
0x5e: {  	_ =	shalt  }
0x5f: {  	_ =	shalt  }
0x60: {  	_ =	shalt  }
0x61: {  	_ =	shalt  }
0x62: {  	_ =	shalt  }
0x63: {  	_ =	shalt  }
0x64: {  	_ =	shalt  }
0x65: {  	_ =	shalt  }
0x66: {  	_ =	shalt  }
0x67: {  	_ =	shalt  }
0x68: {  	_ =	shalt  }
0x69: {  	_ =	shalt  }
0x6a: {  	_ =	shalt  }
0x6b: {  	_ =	shalt  }
0x6c: {  	_ =	shalt  }
0x6d: {  	_ =	shalt  }
0x6e: {  	_ =	shalt  }
0x6f: {  	_ =	shalt  }
0x70: {  	_ =	shalt  }
0x71: {  	_ =	shalt  }
0x72: {  	_ =	shalt  }
0x73: {  	_ =	shalt  }
0x74: {  	_ =	shalt  }
0x75: {  	_ =	shalt  }
0x76: {  	_ =	shalt  }
0x77: {  	_ =	shalt  }
0x78: {  	_ =	shalt  }
0x79: {  	_ =	shalt  }
0x7a: {  	_ =	shalt  }
0x7b: {  	_ =	shalt  }
0x7c: {  	_ =	shalt  }
0x7d: {  	_ =	shalt  }
0x7e: {  	_ =	shalt  }
0x7f: {  	_ =	shalt  }
0x80: {  	_ =	shalt  }
0x81: {  	_ =	shalt  }
0x82: {  	_ =	shalt  }
0x83: {  	_ =	shalt  }
0x84: {  	_ =	shalt  }
0x85: {  	_ =	shalt  }
0x86: {  	_ =	shalt  }
0x87: {  	_ =	shalt  }
.Lfunc_end0:
.L_simem_size_0:
called_computation.2_lowered:
.L_overlay_start_0:
0x88: {  	s2 =	sld [smem:$0x3FD9]  }
0x89: {  	s3 =	sld [smem:$0x3FFE];
	_ =	sdelay $0x1  }
0x8a: {  	s1 =	srdreg.scid  }
0x8b: {  	s0 =	sand.u32 $0x1, s1  }
0x8c: {  	s16 =	sshll.u32 s0, $0xA;
	s2 =	sadd.s32 s3, s2  }
0x8d: {  	s2 =	sadd.s32 s2, s16  }
0x8e: {  	[smem:$0x3FBF] =	sst s2  }
0x8f: {  	_ = 	snop  }
0x90: {  	(tm) =	ssettm $0x1  }
0x91: {  	s17 =	sld [smem:$0x3FFB];
	_ =	sdelay $0x3  }
0x92: {  	_ =	strace s17  }
0x93: {  	s2 =	sld [smem:$0x3FFC];
	_ =	sdelay $0x3  }
0x94: {  	_ =	strace s2  }
0x95: {  	s2 =	sld [smem:$0x3FFD];
	_ =	sdelay $0x3  }
0x96: {  	_ =	strace s2  }
0x97: {  	_ =	strace $0x8FFFFFFF  }
0x98: {  	s18 =	sld [smem:$0x3FDB];
	_ =	sdelay $0x1  }
0x99: {  	s19 =	simm.s32 $_scs_section_size  }
0x9a: {  	s4 =	simm.s32 $_size__tile_overlayer_lowered;
	s5 =	simm.s32 $_tile_overlayer_lowered  }
0x9b: {  	s22 =	simm.s32 $0x1BFF;
	s21 =	sshll.u32 s5, $0x1;
	s2 =	sadd.s32 s19, s18  }
0x9c: {  	s6 =	simm.s32 $0x0;
	s20 =	sshll.u32 s4, $0x1;
	s4 =	sadd.s32 s21, s2  }
0x9d: {  	[timem:s6], [sflag:s22] =	dma.local [hbm:s4], s20  }
0x9e: {  	_ =	swait.ge [sflag:s22], s20  }
0x9f: {  	s3 =	ssub.s32 $0x0, s20;
	[sflag:s22] =	ssyncset.done $0x0  }
0xa0: {  	[sflag:s22] =	ssyncadd.s32 s3;
	_ =	sdelay $0x1  }
0xa1: {  	s23 =	simm.s32 $0x1B8B  }
0xa2: {  	_ =	swait.ge [sflag:s23], $0x1  }
0xa3: {  	[sflag:s23] =	ssyncset.done $0x0  }
0xa4: {  	s25 =	simm.s32 $0x1B8E;
	s24 =	sld [smem:$0x3FFE];
	[sflag:s23] =	ssyncadd.s32 $0xFFFFFFFF  }
0xa5: {  	s26 =	simm.s32 $execute0_lowered;
	[smem:$0x3FD2] =	sst s25  }
0xa6: {  	s4 =	sshll.u32 s26, $0x1;
	_ =	strace $0x8000004C;
	[dreg:$0x1] =	wrdreg $0xFFFFFFFF  }
0xa7: {  	s28 =	simm.s32 $_size_execute0_lowered;
	s2 =	sadd.s32 s2, s4;
	[dreg:$0x0] =	wrdreg $0x0  }
0xa8: {  	s4 =	sshll.u32 s28, $0x1;
	[dreg:$0x2] =	wrdreg s2  }
0xa9: {  	[dreg:$0x3] =	wrdreg s4  }
0xaa: {  	[dreg:$0x4] =	wrdreg $0xC0  }
0xab: {  	_ =	task [dreg:s6], $0x5FFFF  }
0xac: {  	[dreg:$0x1] =	wrdreg $0xFFFFFFFF  }
0xad: {  	[dreg:$0x0] =	wrdreg $0x60  }
0xae: {  	[dreg:$0x2] =	wrdreg s24  }
0xaf: {  	[dreg:$0x3] =	wrdreg $0xB7800  }
0xb0: {  	[dreg:$0x4] =	wrdreg $0x9  }
0xb1: {  	_ =	task.clear_ibuf [dreg:s6], $0x5FFFF;
	_ =	strace $0x9000004C  }
0xb2: {  	s29 =	simm.s32 $0x9;
	_ =	strace $0x8000004E  }
0xb3: {  	_ =	swait.ge [sflag:s29], $0x1  }
0xb4: {  	[sflag:s29] =	ssyncadd.s32 $0xFFFFFFFF  }
0xb5: {  	_ =	strace $0x9000004E  }
0xb6: {  	_ =	sfence  }
0xb7: {  	s30 =	sld [smem:$0x0];
	_ =	sdelay $0x2  }
0xb8: {  	s31 =	sshll.u32 s1, $0xD;
	s1 =	sshrl.u32 s1, $0x2  }
0xb9: {  	s3 =	sand.u32 $0x4000, s31;
	s1 =	sadd.s32 s1, s30  }
0xba: {  	s0 =	sor.u32 s3, s0;
	s1 =	sshll.u32 s1, $0x11  }
0xbb: {  	s0 =	sor.u32 s1, s0  }
0xbc: {  	s0 =	sadd.s32 $0x8F2B, s0  }
0xbd: {  	[sflag:s0] =	ssyncadd.remote.s32 $0x1  }
0xbe: {  	_ =	sfence.sel $0xFFFF  }
0xbf: {  	[dreg:$0x0] =	wrdreg $0xFFFFFFFF;
	(pc) =	sbr.abs _section_cstart, $3  }
0xc0: {  	[dreg:$0x1] =	wrdreg $0xFFFFFFFF  }
0xc1: {  	_ =	task.clear_ibuf [dreg:s6], $0x2FFFF;
	_ =	strace $0x9FFFFFFF  }
0xc2: {  	(tm) =	ssettm $0x7FFFFFFF  }
0xc3: {  	_ =	shalt  }
tec
execute0_lowered:
.L_overlay_start_1:
0x0: {  	(tag) =	ssettag $0x1  }
0x1: {  	s7 =	rddreg [dreg:$0x0]  }
0x2: {  	s0 =	srdreg.scid;
	s2 =	rddreg [dreg:$0x1]  }
0x3: {  	s3 =	simm.s32 $0x0;
	s15 =	simm.s32 $0x50;
	s16 =	simm.s32 $0x6780  }
0x4: {  	s20 =	simm.s32 $0x8F80;
	s21 =	simm.s32 $0x1;
	s22 =	simm.s32 $0x2  }
0x5: {  	s23 =	simm.s32 $0x6580;
	s24 =	simm.s32 $0x0;
	s5 =	sand.u32 $0x1, s0  }
0x6: {  	s0 =	stileid.u32;
	[smem:$0x7FF] =	sst s3;
	s14 =	sadd.s32 $0x46C00, s7  }
0x7: {  	s17 =	sadd.s32 $0x128400, s2;
	s1 =	sshll.u32 s5, $0x4;
	s9 =	smul.u32 $0x4F000, s0  }
0x8: {  	s8 =	sshll.u32 s0, $0x7;
	s26 =	ssub.s32 $0x2, s5;
	s11 =	smul.u32 $0x138800, s5  }
0x9: {  	s5 =	sadd.s32 $0x1D200, s7;
	s13 =	smul.u32 $0x13C00, s0;
	p0 =	seq.s32 s0, $0xF  }
0xa: {  	s6 =	sor.u32 s0, s1;
	s8 =	sand.u32 $0x380, s8;
	s12 =	sshrl.u32 s26, $0x1  }
0xb: {  	s18 =	sshll.u32 @!p0 s0, $0x6;
	s17 =	sshrl.u32 @p0 s17, $0x3;
	s1 =	sshrl.u32 s6, $0x3  }
0xc: {  	s6 =	sshll.u32 s6, $0xB;
	s12 =	ssub.s32 s26, s12;
	s28 =	sshrl.u32 s9, $0x2  }
0xd: {  	s29 =	sadd.s32 s13, s11;
	s31 =	sshrl.u32 s11, $0x3;
	s11 =	simm.s32 $0x80  }
0xe: {  	s13 =	simm.s32 $0x3;
	s18 =	sor.u32 @!p0 $0x1C03, s18;
	s4 =	smul.u32 $0x13C00, s1  }
0xf: {  	s1 =	rddreg [dreg:$0x2];
	_ =	strace $0x8000004D;
	s10 =	sadd.s32 s6, s7  }
0x10: {  	s19 =	sadd.s32 s28, s2;
	s9 =	sadd.s32 s14, s31;
	s8 =	sor.u32 s8, s4  }
0x11: {  	s30 =	sshrl.u32 s29, $0x3;
	s9 =	sadd.s32 $0x25080, s9;
	s8 =	sshrl.u32 s8, $0x3  }
0x12: {  	s19 =	sshrl.u32 @!p0 s19, $0x3;
	s4 =	sadd.s32 $0x1FA00, s7;
	s8 =	sadd.s32 s8, s7  }
0x13: {  	s7 =	sadd.s32 $0x3400, s10;
	s10 =	smax.u32 s12, $0x1;
	s12 =	simm.s32 $0x400  }
0x14: {  	s6 =	sadd.s32 $0x13400, s8;
	s8 =	sadd.s32 s14, s30;
	s14 =	simm.s32 $0x2780  }
.LBB2_1:
0x15: {  	[tilespmem:s3], [sflag:$0x3] =	stream.strided.gather [hbm4b:s6+s11], $0x2780, s12, s11, $0x38;
	[tilespmem:$0x1F000] =	vst v63  }
0x16: {  	_ =	swait.ge [sflag:s13], $0x2780  }
0x17: {  	[sflag:s13] =	ssyncset.done $0x0  }
0x18: {  	[sflag:s13] =	ssyncadd.s32 $0xFFFFD880  }
0x19: {  	[tilespmem:s14], [sflag:$0x3] =	stream.linear.gather [hbm4b:s7+s3], $0x3E80, $0x38;
	[tilespmem:$0x1F000] =	vst v63  }
0x1a: {  	_ =	swait.ge [sflag:s13], $0x3E80  }
0x1b: {  	[sflag:s13] =	ssyncset.done $0x0  }
0x1c: {  	s25 =	simm.s32 @p0 $0x1FC3;
	[sflag:s13] =	ssyncadd.s32 $0xFFFFC180  }
0x1d: {  	[tilespmem:s16], [sflag:$0x1] =	stream.indirect.gather [hbm4b:s4+s15], $0x80, s3, s15, $0xb8;
	[tilespmem:$0x1F000] =	vst v63  }
0x1e: {  	[spmem:s17], [sflag:s25] =	dma.local @p0 [hbm:s5], $0x2080  }
0x1f: {  	s25 =	simm.s32 @p0 $0x3  }
0x20: {  	_ =	swait.ge @p0 [sflag:s25], $0x2080  }
0x21: {  	[sflag:s25] =	ssyncset.done @p0 $0x0  }
0x22: {  	[sflag:s25] =	ssyncadd.s32 @p0 $0xFFFFDF80;
	s25 =	simm.s32 @!p0 $0x3  }
0x23: {  	[spmem:s19], [sflag:s18] =	dma.local @!p0 [hbm:s5], $0x2780  }
0x24: {  	_ =	swait.ge @!p0 [sflag:s25], $0x2780  }
0x25: {  	[sflag:s25] =	ssyncset.done @!p0 $0x0  }
0x26: {  	[sflag:s25] =	ssyncadd.s32 @!p0 $0xFFFFD880  }
0x27: {  	s26 =	simm.s32 $0x50;
	[bflag:$0x0] =	sbarrier.arrive $0xFFFF  }
0x28: {  	[tilespmem:s20], [sflag:$0x2] =	stream.indirect.gather [hbm4b:s4+s15], $0x80, s26, s15, $0xb8;
	[tilespmem:$0x1F000] =	vst v63  }
0x29: {  	_ =	swait.ge [sflag:s21], $0x2800  }
0x2a: {  	[sflag:s21] =	ssyncset.done $0x0  }
0x2b: {  	s29 =	simm.s32 $0x2780;
	[sflag:s21] =	ssyncadd.s32 $0xFFFFD800  }
0x2c: {  	[spmem:s2] =	stream.indirect.scatter.add.f32 [tilespmem:s16], [sflag:$0x3], $0x80, s29, s15, $0xb8;
	[tilespmem:$0x1F000] =	vst v63  }
0x2d: {  	_ =	swait.ge [sflag:s13], $0x2800  }
0x2e: {  	[sflag:s13] =	ssyncset.done $0x0  }
0x2f: {  	s30 =	simm.s32 $0xA0;
	[sflag:s13] =	ssyncadd.s32 $0xFFFFD800  }
0x30: {  	[tilespmem:s16], [sflag:$0x1] =	stream.indirect.gather [hbm4b:s4+s15], $0x80, s30, s15, $0xb8;
	[tilespmem:$0x1F000] =	vst v63  }
0x31: {  	_ =	swait.ge [sflag:s22], $0x2800  }
0x32: {  	[sflag:s22] =	ssyncset.done $0x0  }
0x33: {  	s31 =	simm.s32 $0x2800;
	[sflag:s22] =	ssyncadd.s32 $0xFFFFD800  }
0x34: {  	[spmem:s2] =	stream.indirect.scatter.add.f32 [tilespmem:s20], [sflag:$0x3], $0x80, s31, s15, $0xb8;
	[tilespmem:$0x1F000] =	vst v63  }
0x35: {  	_ =	swait.ge [sflag:s13], $0x2800  }
0x36: {  	[sflag:s13] =	ssyncset.done $0x0  }
0x37: {  	s26 =	simm.s32 $0xF0;
	[sflag:s13] =	ssyncadd.s32 $0xFFFFD800  }
0x38: {  	[tilespmem:s20], [sflag:$0x2] =	stream.indirect.gather [hbm4b:s4+s15], $0x80, s26, s15, $0xb8;
	[tilespmem:$0x1F000] =	vst v63  }
0x39: {  	_ =	swait.ge [sflag:s21], $0x2800  }
0x3a: {  	[sflag:s21] =	ssyncset.done $0x0  }
0x3b: {  	s29 =	simm.s32 $0x2880;
	[sflag:s21] =	ssyncadd.s32 $0xFFFFD800  }
0x3c: {  	[spmem:s2] =	stream.indirect.scatter.add.f32 [tilespmem:s16], [sflag:$0x3], $0x80, s29, s15, $0xb8;
	[tilespmem:$0x1F000] =	vst v63  }
0x3d: {  	_ =	swait.ge [sflag:s13], $0x2800  }
0x3e: {  	[sflag:s13] =	ssyncset.done $0x0  }
0x3f: {  	s30 =	simm.s32 $0x140;
	[sflag:s13] =	ssyncadd.s32 $0xFFFFD800  }
0x40: {  	[tilespmem:s16], [sflag:$0x1] =	stream.indirect.gather [hbm4b:s4+s15], $0x80, s30, s15, $0xb8;
	[tilespmem:$0x1F000] =	vst v63  }
0x41: {  	_ =	swait.ge [sflag:s22], $0x2800  }
0x42: {  	[sflag:s22] =	ssyncset.done $0x0  }
0x43: {  	s31 =	simm.s32 $0x2900;
	[sflag:s22] =	ssyncadd.s32 $0xFFFFD800  }
0x44: {  	[spmem:s2] =	stream.indirect.scatter.add.f32 [tilespmem:s20], [sflag:$0x3], $0x80, s31, s15, $0xb8;
	[tilespmem:$0x1F000] =	vst v63  }
0x45: {  	s28 =	simm.s32 $0x2;
	_ =	swait.ge [sflag:s13], $0x2800  }
0x46: {  	s25 =	simm.s32 $0x2A80;
	s26 =	simm.s32 $0x280;
	[sflag:s13] =	ssyncset.done $0x0  }
.LBB2_2:
0x47: {  	s28 =	sadd.s32 $0x2, s28;
	s29 =	sadd.s32 $0xFFFFFF10, s26;
	[sflag:s13] =	ssyncadd.s32 $0xFFFFD800  }
0x48: {  	[tilespmem:s20], [sflag:$0x2] =	stream.indirect.gather [hbm4b:s4+s15], $0x80, s29, s15, $0xb8;
	[tilespmem:$0x1F000] =	vst v63  }
0x49: {  	p1 =	slt.u32 s28, $0x3C;
	_ =	swait.ge [sflag:s21], $0x2800  }
0x4a: {  	[sflag:s21] =	ssyncset.done $0x0  }
0x4b: {  	s29 =	sadd.s32 $0xFFFFFF00, s25;
	[sflag:s21] =	ssyncadd.s32 $0xFFFFD800  }
0x4c: {  	[spmem:s2] =	stream.indirect.scatter.add.f32 [tilespmem:s16], [sflag:$0x3], $0x80, s29, s15, $0xb8;
	[tilespmem:$0x1F000] =	vst v63  }
0x4d: {  	_ =	swait.ge [sflag:s13], $0x2800  }
0x4e: {  	[sflag:s13] =	ssyncset.done $0x0  }
0x4f: {  	s29 =	sadd.s32 $0xFFFFFF60, s26;
	[sflag:s13] =	ssyncadd.s32 $0xFFFFD800  }
0x50: {  	[tilespmem:s16], [sflag:$0x1] =	stream.indirect.gather [hbm4b:s4+s15], $0x80, s29, s15, $0xb8;
	[tilespmem:$0x1F000] =	vst v63  }
0x51: {  	_ =	swait.ge [sflag:s22], $0x2800  }
0x52: {  	[sflag:s22] =	ssyncset.done $0x0  }
0x53: {  	s29 =	sadd.s32 $0xFFFFFF80, s25;
	[sflag:s22] =	ssyncadd.s32 $0xFFFFD800  }
0x54: {  	[spmem:s2] =	stream.indirect.scatter.add.f32 [tilespmem:s20], [sflag:$0x3], $0x80, s29, s15, $0xb8;
	[tilespmem:$0x1F000] =	vst v63  }
0x55: {  	_ =	swait.ge [sflag:s13], $0x2800  }
0x56: {  	[sflag:s13] =	ssyncset.done $0x0  }
0x57: {  	s29 =	sadd.s32 $0xFFFFFFB0, s26;
	[sflag:s13] =	ssyncadd.s32 $0xFFFFD800  }
0x58: {  	[tilespmem:s20], [sflag:$0x2] =	stream.indirect.gather [hbm4b:s4+s15], $0x80, s29, s15, $0xb8;
	[tilespmem:$0x1F000] =	vst v63  }
0x59: {  	_ =	swait.ge [sflag:s21], $0x2800  }
0x5a: {  	[sflag:s21] =	ssyncset.done $0x0  }
0x5b: {  	[sflag:s21] =	ssyncadd.s32 $0xFFFFD800  }
0x5c: {  	[spmem:s2] =	stream.indirect.scatter.add.f32 [tilespmem:s16], [sflag:$0x3], $0x80, s25, s15, $0xb8;
	[tilespmem:$0x1F000] =	vst v63  }
0x5d: {  	_ =	swait.ge [sflag:s13], $0x2800  }
0x5e: {  	[sflag:s13] =	ssyncset.done $0x0  }
0x5f: {  	[sflag:s13] =	ssyncadd.s32 $0xFFFFD800  }
0x60: {  	[tilespmem:s16], [sflag:$0x1] =	stream.indirect.gather [hbm4b:s4+s15], $0x80, s26, s15, $0xb8;
	[tilespmem:$0x1F000] =	vst v63  }
0x61: {  	_ =	swait.ge [sflag:s22], $0x2800  }
.Ltmp0:
0x62: {  	[sflag:s22] =	ssyncset.done $0x0;
	(pc) =	sbr.rel @p1 .LBB2_2-.Ltmp0, $4  }
0x63: {  	s29 =	sadd.s32 $0x80, s25;
	[sflag:s22] =	ssyncadd.s32 $0xFFFFD800  }
0x64: {  	[spmem:s2] =	stream.indirect.scatter.add.f32 [tilespmem:s20], [sflag:$0x3], $0x80, s29, s15, $0xb8;
	[tilespmem:$0x1F000] =	vst v63  }
0x65: {  	_ =	swait.ge [sflag:s13], $0x2800  }
0x66: {  	s25 =	sadd.s32 $0x200, s25;
	s26 =	sadd.s32 $0x140, s26;
	[sflag:s13] =	ssyncset.done $0x0  }
0x67: {  	s28 =	sadd.s32 $0xFFFFFF10, s26;
	[sflag:s13] =	ssyncadd.s32 $0xFFFFD800  }
0x68: {  	[tilespmem:s20], [sflag:$0x2] =	stream.indirect.gather [hbm4b:s4+s15], $0x80, s28, s15, $0xb8;
	[tilespmem:$0x1F000] =	vst v63  }
0x69: {  	_ =	swait.ge [sflag:s21], $0x2800  }
0x6a: {  	[sflag:s21] =	ssyncset.done $0x0  }
0x6b: {  	s30 =	sadd.s32 $0xFFFFFF00, s25;
	[sflag:s21] =	ssyncadd.s32 $0xFFFFD800  }
0x6c: {  	[spmem:s2] =	stream.indirect.scatter.add.f32 [tilespmem:s16], [sflag:$0x3], $0x80, s30, s15, $0xb8;
	[tilespmem:$0x1F000] =	vst v63  }
0x6d: {  	_ =	swait.ge [sflag:s13], $0x2800  }
0x6e: {  	[sflag:s13] =	ssyncset.done $0x0  }
0x6f: {  	s31 =	sadd.s32 $0xFFFFFF60, s26;
	[sflag:s13] =	ssyncadd.s32 $0xFFFFD800  }
0x70: {  	[tilespmem:s16], [sflag:$0x1] =	stream.indirect.gather [hbm4b:s4+s15], $0x80, s31, s15, $0xb8;
	[tilespmem:$0x1F000] =	vst v63  }
0x71: {  	_ =	swait.ge [sflag:s22], $0x2800  }
0x72: {  	[sflag:s22] =	ssyncset.done $0x0  }
0x73: {  	s29 =	sadd.s32 $0xFFFFFF80, s25;
	[sflag:s22] =	ssyncadd.s32 $0xFFFFD800  }
0x74: {  	[spmem:s2] =	stream.indirect.scatter.add.f32 [tilespmem:s20], [sflag:$0x3], $0x80, s29, s15, $0xb8;
	[tilespmem:$0x1F000] =	vst v63  }
0x75: {  	_ =	swait.ge [sflag:s13], $0x2800  }
0x76: {  	[sflag:s13] =	ssyncset.done $0x0  }
0x77: {  	s30 =	sadd.s32 $0xFFFFFFB0, s26;
	[sflag:s13] =	ssyncadd.s32 $0xFFFFD800  }
0x78: {  	[tilespmem:s20], [sflag:$0x2] =	stream.indirect.gather [hbm4b:s4+s15], $0x80, s30, s15, $0xb8;
	[tilespmem:$0x1F000] =	vst v63  }
0x79: {  	_ =	swait.ge [sflag:s21], $0x2800  }
0x7a: {  	[sflag:s21] =	ssyncset.done $0x0  }
0x7b: {  	[sflag:s21] =	ssyncadd.s32 $0xFFFFD800  }
0x7c: {  	[spmem:s2] =	stream.indirect.scatter.add.f32 [tilespmem:s16], [sflag:$0x3], $0x80, s25, s15, $0xb8;
	[tilespmem:$0x1F000] =	vst v63  }
0x7d: {  	_ =	swait.ge [sflag:s13], $0x2800  }
0x7e: {  	[sflag:s13] =	ssyncset.done $0x0  }
0x7f: {  	[sflag:s13] =	ssyncadd.s32 $0xFFFFD800  }
0x80: {  	[tilespmem:s16], [sflag:$0x1] =	stream.indirect.gather [hbm4b:s4+s15], $0x80, s26, s15, $0xb8;
	[tilespmem:$0x1F000] =	vst v63  }
0x81: {  	_ =	swait.ge [sflag:s22], $0x2800  }
0x82: {  	[sflag:s22] =	ssyncset.done $0x0  }
0x83: {  	s31 =	sadd.s32 $0x80, s25;
	[sflag:s22] =	ssyncadd.s32 $0xFFFFD800  }
0x84: {  	[spmem:s2] =	stream.indirect.scatter.add.f32 [tilespmem:s20], [sflag:$0x3], $0x80, s31, s15, $0xb8;
	[tilespmem:$0x1F000] =	vst v63  }
0x85: {  	_ =	swait.ge [sflag:s13], $0x2800  }
0x86: {  	[sflag:s13] =	ssyncset.done $0x0  }
0x87: {  	[sflag:s13] =	ssyncadd.s32 $0xFFFFD800  }
0x88: {  	_ =	swait.ge [sflag:s21], $0x2800  }
0x89: {  	[sflag:s21] =	ssyncset.done $0x0  }
0x8a: {  	[sflag:s21] =	ssyncadd.s32 $0xFFFFD800  }
0x8b: {  	[spmem:s2] =	stream.indirect.scatter.add.f32 [tilespmem:s16], [sflag:$0x3], $0x80, s23, s15, $0xb8;
	[tilespmem:$0x1F000] =	vst v63  }
0x8c: {  	_ =	swait.ge [sflag:s13], $0x2800  }
0x8d: {  	[sflag:s13] =	ssyncset.done $0x0  }
0x8e: {  	[sflag:s13] =	ssyncadd.s32 $0xFFFFD800  }
0x8f: {  	s25 =	simm.s32 @p0 $0x1FC3;
	[bflag:$0x0] =	sbarrier.arrive $0xFFFF  }
0x90: {  	[hbm:s9], [sflag:s25] =	dma.local @p0 [spmem:s17], $0x2080  }
0x91: {  	s25 =	simm.s32 @p0 $0x3  }
0x92: {  	s24 =	sadd.s32 $0x1, s24;
	_ =	swait.ge @p0 [sflag:s25], $0x2080  }
0x93: {  	p1 =	sne.s32 s24, s10;
	[sflag:s25] =	ssyncset.done @p0 $0x0  }
.Ltmp1:
0x94: {  	[sflag:s25] =	ssyncadd.s32 @p0 $0xFFFFDF80;
	s25 =	simm.s32 @!p0 $0x3;
	(pc) =	sbr.rel @p1 .LBB2_1-.Ltmp1, $4  }
0x95: {  	[hbm:s8], [sflag:s18] =	dma.local @!p0 [spmem:s19], $0x2780  }
0x96: {  	_ =	swait.ge @!p0 [sflag:s25], $0x2780  }
0x97: {  	[sflag:s25] =	ssyncset.done @!p0 $0x0  }
0x98: {  	[sflag:s25] =	ssyncadd.s32 @!p0 $0xFFFFD880  }
0x99: {  	_ =	sfence.sel $0x180000  }
0x9a: {  	[bflag:$0x0] =	sbarrier.arrive $0xFFFF  }
0x9b: {  	p0 =	sne.s32 s0, $0x0;
	_ =	strace $0x9000004D  }
0x9c: {  	s0 =	sadd.s32 @!p0 $0x100000, s1;
	[bflag:$0x2] =	sbarrier.arrive $0xFFFF  }
0x9d: {  	[sflag:s0] =	ssyncadd.tile.s32 @!p0 $0x1;
	_ =	shalt  }
.Lfunc_end2:
_tile_overlayer_lowered:
.L_overlay_start_2:
0x9e: {  	(tag) =	ssettag $0x2  }
0x9f: {  	s0 =	rddreg [dreg:$0x0];
	s2 =	stileid.u32  }
0xa0: {  	s1 =	rddreg [dreg:$0x1];
	p0 =	sne.s32 s2, $0x0  }
0xa1: {  	s3 =	rddreg [dreg:$0x2];
	[bflag:$0x3] =	sbarrier.arrive $0xFFFF;
	s2 =	simm.s32 @!p0 $0x1C03  }
0xa2: {  	[timem:s3], [sflag:s2] =	dma.local @!p0 [hbm:s0], s1  }
0xa3: {  	s0 =	simm.s32 @!p0 $0x3  }
0xa4: {  	_ =	swait.ge @!p0 [sflag:s0], s1  }
0xa5: {  	s1 =	ssub.s32 @!p0 $0x0, s1;
	[sflag:s0] =	ssyncset.done @!p0 $0x0  }
0xa6: {  	[sflag:s0] =	ssyncadd.s32 @!p0 s1  }
0xa7: {  	[bflag:$0x3] =	sbarrier.arrive $0xFFFF  }
0xa8: {  	_ =	shalt  }

// kernel: kernel.19.cloned.1.call-start
scs
__scs_entry_jumppad:
0x0: {  	(pc) =	sbr.rel $0x88, $3  }
0x1: {  	(tag) =	ssettag $0x0;
	lr =	simm.s32 $0x1  }
0x2: {  	[smem:$0x3F98] =	sst lr;
	_ =	strace $0xD0000000  }
0x3: {  	_ = 	snop  }
0x4: {  	_ = 	snop  }
0x5: {  	_ = 	snop  }
0x6: {  	_ = 	snop  }
0x7: {  	_ = 	snop  }
__scs_overlays_trampoline_lowered:
0x8: {  	[smem:$0x3FA7] =	sst s0  }
0x9: {  	[smem:$0x3FA8] =	sst s1  }
0xa: {  	[smem:$0x3FA9] =	sst s2  }
0xb: {  	[smem:$0x3FAA] =	sst s3  }
0xc: {  	[smem:$0x3FAB] =	sst s4  }
0xd: {  	[smem:$0x3FAC] =	sst s5  }
0xe: {  	[smem:$0x3FAD] =	sst s6  }
0xf: {  	[smem:$0x3FAE] =	sst s7  }
0x10: {  	[smem:$0x3FAF] =	sst s8  }
0x11: {  	[smem:$0x3FB0] =	sst s9;
	s0 =	simm.s32 @!p0 $0x0  }
0x12: {  	s1 =	sld [smem:$0x3F96];
	s0 =	simm.s32 @p0 $0x1  }
0x13: {  	[smem:$0x3FB1] =	sst s0;
	s0 =	simm.s32 @!p1 $0x0  }
0x14: {  	s2 =	sld [smem:$0x3F95];
	s0 =	simm.s32 @p1 $0x1  }
0x15: {  	[smem:$0x3FB2] =	sst s0;
	s0 =	simm.s32 @!p2 $0x0  }
0x16: {  	s3 =	sld [smem:$0x3FDB];
	s0 =	simm.s32 @p2 $0x1  }
0x17: {  	s4 =	simm.s32 $0x1BF5;
	[smem:$0x3FB4] =	sst s0  }
0x18: {  	s0 =	sld [smem:$0x3F97];
	_ =	swait.ge [sflag:s4], $0x0  }
0x19: {  	s7 =	sld [smem:$0x3F98]  }
0x1a: {  	s8 =	sadd.s32 $0xFFFFE003, lr  }
0x1b: {  	s9 =	sadd.s32 $0xFFFFFEF7, lr;
	s5 =	simm.s32 $0xFFFFFFFF;
	p2 =	slt.u32 s8, $0xFFFFF086  }
0x1c: {  	p1 =	slt.u32 s9, $0xF7A;
	s5 =	simm.s32 @!p2 $0x0  }
0x1d: {  	s5 =	simm.s32 @p1 $0x1;
	p0 =	seq.s32 s7, s2  }
0x1e: {  	s7 =	smul.u32 @!p0 $0xF7A, s2;
	p2 =	seq.s32 @!p0 s5, $0x0  }
0x1f: {  	s9 =	smul.u32 $0xF7A, s1;
	s8 =	simm.s32 @!p0 $0x1BF5;
	p2 =	por !p2, p0  }
0x20: {  	[sflag:s8] =	ssyncset.s32 @!p0 $0xFFFFF086;
	s6 =	sadd.s32 @!p0 s3, s7;
	s7 =	simm.s32 @!p0 $0x108  }
0x21: {  	s3 =	sadd.s32 s3, s9;
	s6 =	sadd.s32 @!p0 $0x88, s6;
	s7 =	simm.s32 @p2 $0x1082  }
0x22: {  	[simem:s7], [sflag:s8] =	dma.local @!p0 [hbm:s6], $0xF7A  }
0x23: {  	s9 =	sor.u32 $0xD0000000, s2;
	s6 =	simm.s32 $0x108;
	_ =	swait.ge @!p0 [sflag:s8], $0x0  }
0x24: {  	s3 =	sadd.s32 $0x88, s3;
	s6 =	simm.s32 @!p1 $0x1082;
	[sflag:s4] =	ssyncset.s32 $0xFFFFF086  }
0x25: {  	[simem:s6], [sflag:s4] =	dma.local [hbm:s3], $0xF7A  }
0x26: {  	[smem:$0x3F98] =	sst s1;
	(tag) =	ssettag s2;
	_ =	strace s9  }
0x27: {  	s1 =	sld [smem:$0x3FA8]  }
0x28: {  	s2 =	sld [smem:$0x3FA9]  }
0x29: {  	s4 =	sld [smem:$0x3FAB]  }
0x2a: {  	p0 =	seq.s32 s5, $0x0;
	s5 =	sld [smem:$0x3FAC]  }
0x2b: {  	s6 =	sld [smem:$0x3FAD]  }
0x2c: {  	s7 =	sld [smem:$0x3FAE]  }
0x2d: {  	s3 =	simm.s32 $0x108;
	s8 =	sld [smem:$0x3FAF]  }
0x2e: {  	s3 =	simm.s32 @!p0 $0x1082;
	s9 =	sld [smem:$0x3FB0]  }
0x2f: {  	lr =	sadd.s32 s0, s3;
	s0 =	sld [smem:$0x3FA7]  }
0x30: {  	s3 =	sld [smem:$0x3FAA]  }
0x31: {  	[smem:$0x3FB3] =	sst s10  }
0x32: {  	s10 =	sld [smem:$0x3FB1];
	_ =	sdelay $0x3  }
0x33: {  	p0 =	seq.s32 s10, $0x1;
	s10 =	sld [smem:$0x3FB3];
	_ =	sdelay $0x3  }
0x34: {  	[smem:$0x3FB3] =	sst s10  }
0x35: {  	s10 =	sld [smem:$0x3FB2];
	_ =	sdelay $0x3  }
0x36: {  	p1 =	seq.s32 s10, $0x1;
	s10 =	sld [smem:$0x3FB3];
	_ =	sdelay $0x3  }
0x37: {  	[smem:$0x3FB3] =	sst s10  }
0x38: {  	s10 =	sld [smem:$0x3FB4]  }
0x39: {  	_ = 	snop;
	(pc) =	sbr.ind lr, $3  }
0x3a: {  	_ = 	snop  }
0x3b: {  	_ = 	snop  }
0x3c: {  	p2 =	seq.s32 s10, $0x1;
	s10 =	sld [smem:$0x3FB3]  }
0x3d: {  	_ =	shalt  }
0x3e: {  	_ =	shalt  }
0x3f: {  	_ =	shalt  }
0x40: {  	_ =	shalt  }
0x41: {  	_ =	shalt  }
0x42: {  	_ =	shalt  }
0x43: {  	_ =	shalt  }
0x44: {  	_ =	shalt  }
0x45: {  	_ =	shalt  }
0x46: {  	_ =	shalt  }
0x47: {  	_ =	shalt  }
0x48: {  	_ =	shalt  }
0x49: {  	_ =	shalt  }
0x4a: {  	_ =	shalt  }
0x4b: {  	_ =	shalt  }
0x4c: {  	_ =	shalt  }
0x4d: {  	_ =	shalt  }
0x4e: {  	_ =	shalt  }
0x4f: {  	_ =	shalt  }
0x50: {  	_ =	shalt  }
0x51: {  	_ =	shalt  }
0x52: {  	_ =	shalt  }
0x53: {  	_ =	shalt  }
0x54: {  	_ =	shalt  }
0x55: {  	_ =	shalt  }
0x56: {  	_ =	shalt  }
0x57: {  	_ =	shalt  }
0x58: {  	_ =	shalt  }
0x59: {  	_ =	shalt  }
0x5a: {  	_ =	shalt  }
0x5b: {  	_ =	shalt  }
0x5c: {  	_ =	shalt  }
0x5d: {  	_ =	shalt  }
0x5e: {  	_ =	shalt  }
0x5f: {  	_ =	shalt  }
0x60: {  	_ =	shalt  }
0x61: {  	_ =	shalt  }
0x62: {  	_ =	shalt  }
0x63: {  	_ =	shalt  }
0x64: {  	_ =	shalt  }
0x65: {  	_ =	shalt  }
0x66: {  	_ =	shalt  }
0x67: {  	_ =	shalt  }
0x68: {  	_ =	shalt  }
0x69: {  	_ =	shalt  }
0x6a: {  	_ =	shalt  }
0x6b: {  	_ =	shalt  }
0x6c: {  	_ =	shalt  }
0x6d: {  	_ =	shalt  }
0x6e: {  	_ =	shalt  }
0x6f: {  	_ =	shalt  }
0x70: {  	_ =	shalt  }
0x71: {  	_ =	shalt  }
0x72: {  	_ =	shalt  }
0x73: {  	_ =	shalt  }
0x74: {  	_ =	shalt  }
0x75: {  	_ =	shalt  }
0x76: {  	_ =	shalt  }
0x77: {  	_ =	shalt  }
0x78: {  	_ =	shalt  }
0x79: {  	_ =	shalt  }
0x7a: {  	_ =	shalt  }
0x7b: {  	_ =	shalt  }
0x7c: {  	_ =	shalt  }
0x7d: {  	_ =	shalt  }
0x7e: {  	_ =	shalt  }
0x7f: {  	_ =	shalt  }
0x80: {  	_ =	shalt  }
0x81: {  	_ =	shalt  }
0x82: {  	_ =	shalt  }
0x83: {  	_ =	shalt  }
0x84: {  	_ =	shalt  }
0x85: {  	_ =	shalt  }
0x86: {  	_ =	shalt  }
0x87: {  	_ =	shalt  }
.Lfunc_end0:
.L_simem_size_0:
called_computation.3_lowered:
.L_overlay_start_0:
0x88: {  	s2 =	sld [smem:$0x3FD9]  }
0x89: {  	s3 =	sld [smem:$0x3FFE];
	_ =	sdelay $0x1  }
0x8a: {  	s1 =	srdreg.scid  }
0x8b: {  	s0 =	sand.u32 $0x1, s1  }
0x8c: {  	s16 =	sshll.u32 s0, $0xA;
	s2 =	sadd.s32 s3, s2  }
0x8d: {  	s2 =	sadd.s32 s2, s16  }
0x8e: {  	[smem:$0x3FBF] =	sst s2  }
0x8f: {  	_ = 	snop  }
0x90: {  	(tm) =	ssettm $0x1  }
0x91: {  	s17 =	sld [smem:$0x3FFB];
	_ =	sdelay $0x3  }
0x92: {  	_ =	strace s17  }
0x93: {  	s2 =	sld [smem:$0x3FFC];
	_ =	sdelay $0x3  }
0x94: {  	_ =	strace s2  }
0x95: {  	s2 =	sld [smem:$0x3FFD];
	_ =	sdelay $0x3  }
0x96: {  	_ =	strace s2  }
0x97: {  	_ =	strace $0x8FFFFFFF  }
0x98: {  	s18 =	sld [smem:$0x3FDB];
	_ =	sdelay $0x1  }
0x99: {  	s19 =	simm.s32 $_scs_section_size  }
0x9a: {  	s4 =	simm.s32 $_size__tile_overlayer_lowered;
	s5 =	simm.s32 $_tile_overlayer_lowered  }
0x9b: {  	s22 =	simm.s32 $0x1BFF;
	s21 =	sshll.u32 s5, $0x1;
	s2 =	sadd.s32 s19, s18  }
0x9c: {  	s6 =	simm.s32 $0x0;
	s20 =	sshll.u32 s4, $0x1;
	s4 =	sadd.s32 s21, s2  }
0x9d: {  	[timem:s6], [sflag:s22] =	dma.local [hbm:s4], s20  }
0x9e: {  	_ =	swait.ge [sflag:s22], s20  }
0x9f: {  	s3 =	ssub.s32 $0x0, s20;
	[sflag:s22] =	ssyncset.done $0x0  }
0xa0: {  	[sflag:s22] =	ssyncadd.s32 s3;
	_ =	sdelay $0x1  }
0xa1: {  	s23 =	simm.s32 $0x1B8B  }
0xa2: {  	_ =	swait.ge [sflag:s23], $0x1  }
0xa3: {  	[sflag:s23] =	ssyncset.done $0x0  }
0xa4: {  	s25 =	simm.s32 $0x1B8E;
	s24 =	sld [smem:$0x3FFE];
	[sflag:s23] =	ssyncadd.s32 $0xFFFFFFFF  }
0xa5: {  	s26 =	simm.s32 $execute0_lowered;
	[smem:$0x3FD2] =	sst s25  }
0xa6: {  	s4 =	sshll.u32 s26, $0x1;
	_ =	strace $0x8000004F;
	[dreg:$0x1] =	wrdreg $0xFFFFFFFF  }
0xa7: {  	s28 =	simm.s32 $_size_execute0_lowered;
	s2 =	sadd.s32 s2, s4;
	[dreg:$0x0] =	wrdreg $0x0  }
0xa8: {  	s4 =	sshll.u32 s28, $0x1;
	[dreg:$0x2] =	wrdreg s2  }
0xa9: {  	[dreg:$0x3] =	wrdreg s4  }
0xaa: {  	[dreg:$0x4] =	wrdreg $0xC0  }
0xab: {  	_ =	task [dreg:s6], $0x5FFFF  }
0xac: {  	[dreg:$0x1] =	wrdreg $0xFFFFFFFF  }
0xad: {  	[dreg:$0x0] =	wrdreg $0x60  }
0xae: {  	[dreg:$0x2] =	wrdreg s24  }
0xaf: {  	[dreg:$0x3] =	wrdreg $0xB7800  }
0xb0: {  	[dreg:$0x4] =	wrdreg $0x9  }
0xb1: {  	_ =	task.clear_ibuf [dreg:s6], $0x5FFFF;
	_ =	strace $0x9000004F  }
0xb2: {  	s29 =	simm.s32 $0x9;
	_ =	strace $0x80000051  }
0xb3: {  	_ =	swait.ge [sflag:s29], $0x1  }
0xb4: {  	[sflag:s29] =	ssyncadd.s32 $0xFFFFFFFF  }
0xb5: {  	_ =	strace $0x90000051  }
0xb6: {  	_ =	sfence  }
0xb7: {  	s30 =	sld [smem:$0x0];
	_ =	sdelay $0x2  }
0xb8: {  	s31 =	sshll.u32 s1, $0xD;
	s1 =	sshrl.u32 s1, $0x2  }
0xb9: {  	s3 =	sand.u32 $0x4000, s31;
	s1 =	sadd.s32 s1, s30  }
0xba: {  	s0 =	sor.u32 s3, s0;
	s1 =	sshll.u32 s1, $0x11  }
0xbb: {  	s0 =	sor.u32 s1, s0  }
0xbc: {  	s0 =	sadd.s32 $0x8F2B, s0  }
0xbd: {  	[sflag:s0] =	ssyncadd.remote.s32 $0x1  }
0xbe: {  	_ =	sfence.sel $0xFFFF  }
0xbf: {  	[dreg:$0x0] =	wrdreg $0xFFFFFFFF;
	(pc) =	sbr.abs _section_cstart, $3  }
0xc0: {  	[dreg:$0x1] =	wrdreg $0xFFFFFFFF  }
0xc1: {  	_ =	task.clear_ibuf [dreg:s6], $0x2FFFF;
	_ =	strace $0x9FFFFFFF  }
0xc2: {  	(tm) =	ssettm $0x7FFFFFFF  }
0xc3: {  	_ =	shalt  }
tec
execute0_lowered:
.L_overlay_start_1:
0x0: {  	(tag) =	ssettag $0x1  }
0x1: {  	s7 =	rddreg [dreg:$0x0]  }
0x2: {  	s0 =	srdreg.scid;
	s2 =	rddreg [dreg:$0x1]  }
0x3: {  	s3 =	simm.s32 $0x0;
	s15 =	simm.s32 $0x50;
	s16 =	simm.s32 $0x6780  }
0x4: {  	s20 =	simm.s32 $0x8F80;
	s21 =	simm.s32 $0x1;
	s22 =	simm.s32 $0x2  }
0x5: {  	s23 =	simm.s32 $0x6580;
	s24 =	simm.s32 $0x0;
	s5 =	sand.u32 $0x1, s0  }
0x6: {  	s0 =	stileid.u32;
	[smem:$0x7FF] =	sst s3;
	s14 =	sadd.s32 $0x46C00, s7  }
0x7: {  	s17 =	sadd.s32 $0x128400, s2;
	s1 =	sshll.u32 s5, $0x4;
	s9 =	smul.u32 $0x4F000, s0  }
0x8: {  	s8 =	sshll.u32 s0, $0x7;
	s26 =	ssub.s32 $0x2, s5;
	s11 =	smul.u32 $0x138800, s5  }
0x9: {  	s5 =	sadd.s32 $0x1D200, s7;
	s13 =	smul.u32 $0x13C00, s0;
	p0 =	seq.s32 s0, $0xF  }
0xa: {  	s6 =	sor.u32 s0, s1;
	s8 =	sand.u32 $0x380, s8;
	s12 =	sshrl.u32 s26, $0x1  }
0xb: {  	s18 =	sshll.u32 @!p0 s0, $0x6;
	s17 =	sshrl.u32 @p0 s17, $0x3;
	s1 =	sshrl.u32 s6, $0x3  }
0xc: {  	s6 =	sshll.u32 s6, $0xB;
	s12 =	ssub.s32 s26, s12;
	s28 =	sshrl.u32 s9, $0x2  }
0xd: {  	s29 =	sadd.s32 s13, s11;
	s31 =	sshrl.u32 s11, $0x3;
	s11 =	simm.s32 $0x80  }
0xe: {  	s13 =	simm.s32 $0x3;
	s18 =	sor.u32 @!p0 $0x1C03, s18;
	s4 =	smul.u32 $0x13C00, s1  }
0xf: {  	s1 =	rddreg [dreg:$0x2];
	_ =	strace $0x80000050;
	s10 =	sadd.s32 s6, s7  }
0x10: {  	s19 =	sadd.s32 s28, s2;
	s9 =	sadd.s32 s14, s31;
	s8 =	sor.u32 s8, s4  }
0x11: {  	s30 =	sshrl.u32 s29, $0x3;
	s9 =	sadd.s32 $0x25080, s9;
	s8 =	sshrl.u32 s8, $0x3  }
0x12: {  	s19 =	sshrl.u32 @!p0 s19, $0x3;
	s4 =	sadd.s32 $0x1FA00, s7;
	s8 =	sadd.s32 s8, s7  }
0x13: {  	s7 =	sadd.s32 $0x3400, s10;
	s10 =	smax.u32 s12, $0x1;
	s12 =	simm.s32 $0x400  }
0x14: {  	s6 =	sadd.s32 $0x13400, s8;
	s8 =	sadd.s32 s14, s30;
	s14 =	simm.s32 $0x2780  }
.LBB2_1:
0x15: {  	[tilespmem:s3], [sflag:$0x3] =	stream.strided.gather [hbm4b:s6+s11], $0x2780, s12, s11, $0x38;
	[tilespmem:$0x1F000] =	vst v63  }
0x16: {  	_ =	swait.ge [sflag:s13], $0x2780  }
0x17: {  	[sflag:s13] =	ssyncset.done $0x0  }
0x18: {  	[sflag:s13] =	ssyncadd.s32 $0xFFFFD880  }
0x19: {  	[tilespmem:s14], [sflag:$0x3] =	stream.linear.gather [hbm4b:s7+s3], $0x3E80, $0x38;
	[tilespmem:$0x1F000] =	vst v63  }
0x1a: {  	_ =	swait.ge [sflag:s13], $0x3E80  }
0x1b: {  	[sflag:s13] =	ssyncset.done $0x0  }
0x1c: {  	s25 =	simm.s32 @p0 $0x1FC3;
	[sflag:s13] =	ssyncadd.s32 $0xFFFFC180  }
0x1d: {  	[tilespmem:s16], [sflag:$0x1] =	stream.indirect.gather [hbm4b:s4+s15], $0x80, s3, s15, $0xb8;
	[tilespmem:$0x1F000] =	vst v63  }
0x1e: {  	[spmem:s17], [sflag:s25] =	dma.local @p0 [hbm:s5], $0x2080  }
0x1f: {  	s25 =	simm.s32 @p0 $0x3  }
0x20: {  	_ =	swait.ge @p0 [sflag:s25], $0x2080  }
0x21: {  	[sflag:s25] =	ssyncset.done @p0 $0x0  }
0x22: {  	[sflag:s25] =	ssyncadd.s32 @p0 $0xFFFFDF80;
	s25 =	simm.s32 @!p0 $0x3  }
0x23: {  	[spmem:s19], [sflag:s18] =	dma.local @!p0 [hbm:s5], $0x2780  }
0x24: {  	_ =	swait.ge @!p0 [sflag:s25], $0x2780  }
0x25: {  	[sflag:s25] =	ssyncset.done @!p0 $0x0  }
0x26: {  	[sflag:s25] =	ssyncadd.s32 @!p0 $0xFFFFD880  }
0x27: {  	s26 =	simm.s32 $0x50;
	[bflag:$0x0] =	sbarrier.arrive $0xFFFF  }
0x28: {  	[tilespmem:s20], [sflag:$0x2] =	stream.indirect.gather [hbm4b:s4+s15], $0x80, s26, s15, $0xb8;
	[tilespmem:$0x1F000] =	vst v63  }
0x29: {  	_ =	swait.ge [sflag:s21], $0x2800  }
0x2a: {  	[sflag:s21] =	ssyncset.done $0x0  }
0x2b: {  	s29 =	simm.s32 $0x2780;
	[sflag:s21] =	ssyncadd.s32 $0xFFFFD800  }
0x2c: {  	[spmem:s2] =	stream.indirect.scatter.add.f32 [tilespmem:s16], [sflag:$0x3], $0x80, s29, s15, $0xb8;
	[tilespmem:$0x1F000] =	vst v63  }
0x2d: {  	_ =	swait.ge [sflag:s13], $0x2800  }
0x2e: {  	[sflag:s13] =	ssyncset.done $0x0  }
0x2f: {  	s30 =	simm.s32 $0xA0;
	[sflag:s13] =	ssyncadd.s32 $0xFFFFD800  }
0x30: {  	[tilespmem:s16], [sflag:$0x1] =	stream.indirect.gather [hbm4b:s4+s15], $0x80, s30, s15, $0xb8;
	[tilespmem:$0x1F000] =	vst v63  }
0x31: {  	_ =	swait.ge [sflag:s22], $0x2800  }
0x32: {  	[sflag:s22] =	ssyncset.done $0x0  }
0x33: {  	s31 =	simm.s32 $0x2800;
	[sflag:s22] =	ssyncadd.s32 $0xFFFFD800  }
0x34: {  	[spmem:s2] =	stream.indirect.scatter.add.f32 [tilespmem:s20], [sflag:$0x3], $0x80, s31, s15, $0xb8;
	[tilespmem:$0x1F000] =	vst v63  }
0x35: {  	_ =	swait.ge [sflag:s13], $0x2800  }
0x36: {  	[sflag:s13] =	ssyncset.done $0x0  }
0x37: {  	s26 =	simm.s32 $0xF0;
	[sflag:s13] =	ssyncadd.s32 $0xFFFFD800  }
0x38: {  	[tilespmem:s20], [sflag:$0x2] =	stream.indirect.gather [hbm4b:s4+s15], $0x80, s26, s15, $0xb8;
	[tilespmem:$0x1F000] =	vst v63  }
0x39: {  	_ =	swait.ge [sflag:s21], $0x2800  }
0x3a: {  	[sflag:s21] =	ssyncset.done $0x0  }
0x3b: {  	s29 =	simm.s32 $0x2880;
	[sflag:s21] =	ssyncadd.s32 $0xFFFFD800  }
0x3c: {  	[spmem:s2] =	stream.indirect.scatter.add.f32 [tilespmem:s16], [sflag:$0x3], $0x80, s29, s15, $0xb8;
	[tilespmem:$0x1F000] =	vst v63  }
0x3d: {  	_ =	swait.ge [sflag:s13], $0x2800  }
0x3e: {  	[sflag:s13] =	ssyncset.done $0x0  }
0x3f: {  	s30 =	simm.s32 $0x140;
	[sflag:s13] =	ssyncadd.s32 $0xFFFFD800  }
0x40: {  	[tilespmem:s16], [sflag:$0x1] =	stream.indirect.gather [hbm4b:s4+s15], $0x80, s30, s15, $0xb8;
	[tilespmem:$0x1F000] =	vst v63  }
0x41: {  	_ =	swait.ge [sflag:s22], $0x2800  }
0x42: {  	[sflag:s22] =	ssyncset.done $0x0  }
0x43: {  	s31 =	simm.s32 $0x2900;
	[sflag:s22] =	ssyncadd.s32 $0xFFFFD800  }
0x44: {  	[spmem:s2] =	stream.indirect.scatter.add.f32 [tilespmem:s20], [sflag:$0x3], $0x80, s31, s15, $0xb8;
	[tilespmem:$0x1F000] =	vst v63  }
0x45: {  	s28 =	simm.s32 $0x2;
	_ =	swait.ge [sflag:s13], $0x2800  }
0x46: {  	s25 =	simm.s32 $0x2A80;
	s26 =	simm.s32 $0x280;
	[sflag:s13] =	ssyncset.done $0x0  }
.LBB2_2:
0x47: {  	s28 =	sadd.s32 $0x2, s28;
	s29 =	sadd.s32 $0xFFFFFF10, s26;
	[sflag:s13] =	ssyncadd.s32 $0xFFFFD800  }
0x48: {  	[tilespmem:s20], [sflag:$0x2] =	stream.indirect.gather [hbm4b:s4+s15], $0x80, s29, s15, $0xb8;
	[tilespmem:$0x1F000] =	vst v63  }
0x49: {  	p1 =	slt.u32 s28, $0x3C;
	_ =	swait.ge [sflag:s21], $0x2800  }
0x4a: {  	[sflag:s21] =	ssyncset.done $0x0  }
0x4b: {  	s29 =	sadd.s32 $0xFFFFFF00, s25;
	[sflag:s21] =	ssyncadd.s32 $0xFFFFD800  }
0x4c: {  	[spmem:s2] =	stream.indirect.scatter.add.f32 [tilespmem:s16], [sflag:$0x3], $0x80, s29, s15, $0xb8;
	[tilespmem:$0x1F000] =	vst v63  }
0x4d: {  	_ =	swait.ge [sflag:s13], $0x2800  }
0x4e: {  	[sflag:s13] =	ssyncset.done $0x0  }
0x4f: {  	s29 =	sadd.s32 $0xFFFFFF60, s26;
	[sflag:s13] =	ssyncadd.s32 $0xFFFFD800  }
0x50: {  	[tilespmem:s16], [sflag:$0x1] =	stream.indirect.gather [hbm4b:s4+s15], $0x80, s29, s15, $0xb8;
	[tilespmem:$0x1F000] =	vst v63  }
0x51: {  	_ =	swait.ge [sflag:s22], $0x2800  }
0x52: {  	[sflag:s22] =	ssyncset.done $0x0  }
0x53: {  	s29 =	sadd.s32 $0xFFFFFF80, s25;
	[sflag:s22] =	ssyncadd.s32 $0xFFFFD800  }
0x54: {  	[spmem:s2] =	stream.indirect.scatter.add.f32 [tilespmem:s20], [sflag:$0x3], $0x80, s29, s15, $0xb8;
	[tilespmem:$0x1F000] =	vst v63  }
0x55: {  	_ =	swait.ge [sflag:s13], $0x2800  }
0x56: {  	[sflag:s13] =	ssyncset.done $0x0  }
0x57: {  	s29 =	sadd.s32 $0xFFFFFFB0, s26;
	[sflag:s13] =	ssyncadd.s32 $0xFFFFD800  }
0x58: {  	[tilespmem:s20], [sflag:$0x2] =	stream.indirect.gather [hbm4b:s4+s15], $0x80, s29, s15, $0xb8;
	[tilespmem:$0x1F000] =	vst v63  }
0x59: {  	_ =	swait.ge [sflag:s21], $0x2800  }
0x5a: {  	[sflag:s21] =	ssyncset.done $0x0  }
0x5b: {  	[sflag:s21] =	ssyncadd.s32 $0xFFFFD800  }
0x5c: {  	[spmem:s2] =	stream.indirect.scatter.add.f32 [tilespmem:s16], [sflag:$0x3], $0x80, s25, s15, $0xb8;
	[tilespmem:$0x1F000] =	vst v63  }
0x5d: {  	_ =	swait.ge [sflag:s13], $0x2800  }
0x5e: {  	[sflag:s13] =	ssyncset.done $0x0  }
0x5f: {  	[sflag:s13] =	ssyncadd.s32 $0xFFFFD800  }
0x60: {  	[tilespmem:s16], [sflag:$0x1] =	stream.indirect.gather [hbm4b:s4+s15], $0x80, s26, s15, $0xb8;
	[tilespmem:$0x1F000] =	vst v63  }
0x61: {  	_ =	swait.ge [sflag:s22], $0x2800  }
.Ltmp0:
0x62: {  	[sflag:s22] =	ssyncset.done $0x0;
	(pc) =	sbr.rel @p1 .LBB2_2-.Ltmp0, $4  }
0x63: {  	s29 =	sadd.s32 $0x80, s25;
	[sflag:s22] =	ssyncadd.s32 $0xFFFFD800  }
0x64: {  	[spmem:s2] =	stream.indirect.scatter.add.f32 [tilespmem:s20], [sflag:$0x3], $0x80, s29, s15, $0xb8;
	[tilespmem:$0x1F000] =	vst v63  }
0x65: {  	_ =	swait.ge [sflag:s13], $0x2800  }
0x66: {  	s25 =	sadd.s32 $0x200, s25;
	s26 =	sadd.s32 $0x140, s26;
	[sflag:s13] =	ssyncset.done $0x0  }
0x67: {  	s28 =	sadd.s32 $0xFFFFFF10, s26;
	[sflag:s13] =	ssyncadd.s32 $0xFFFFD800  }
0x68: {  	[tilespmem:s20], [sflag:$0x2] =	stream.indirect.gather [hbm4b:s4+s15], $0x80, s28, s15, $0xb8;
	[tilespmem:$0x1F000] =	vst v63  }
0x69: {  	_ =	swait.ge [sflag:s21], $0x2800  }
0x6a: {  	[sflag:s21] =	ssyncset.done $0x0  }
0x6b: {  	s30 =	sadd.s32 $0xFFFFFF00, s25;
	[sflag:s21] =	ssyncadd.s32 $0xFFFFD800  }
0x6c: {  	[spmem:s2] =	stream.indirect.scatter.add.f32 [tilespmem:s16], [sflag:$0x3], $0x80, s30, s15, $0xb8;
	[tilespmem:$0x1F000] =	vst v63  }
0x6d: {  	_ =	swait.ge [sflag:s13], $0x2800  }
0x6e: {  	[sflag:s13] =	ssyncset.done $0x0  }
0x6f: {  	s31 =	sadd.s32 $0xFFFFFF60, s26;
	[sflag:s13] =	ssyncadd.s32 $0xFFFFD800  }
0x70: {  	[tilespmem:s16], [sflag:$0x1] =	stream.indirect.gather [hbm4b:s4+s15], $0x80, s31, s15, $0xb8;
	[tilespmem:$0x1F000] =	vst v63  }
0x71: {  	_ =	swait.ge [sflag:s22], $0x2800  }
0x72: {  	[sflag:s22] =	ssyncset.done $0x0  }
0x73: {  	s29 =	sadd.s32 $0xFFFFFF80, s25;
	[sflag:s22] =	ssyncadd.s32 $0xFFFFD800  }
0x74: {  	[spmem:s2] =	stream.indirect.scatter.add.f32 [tilespmem:s20], [sflag:$0x3], $0x80, s29, s15, $0xb8;
	[tilespmem:$0x1F000] =	vst v63  }
0x75: {  	_ =	swait.ge [sflag:s13], $0x2800  }
0x76: {  	[sflag:s13] =	ssyncset.done $0x0  }
0x77: {  	s30 =	sadd.s32 $0xFFFFFFB0, s26;
	[sflag:s13] =	ssyncadd.s32 $0xFFFFD800  }
0x78: {  	[tilespmem:s20], [sflag:$0x2] =	stream.indirect.gather [hbm4b:s4+s15], $0x80, s30, s15, $0xb8;
	[tilespmem:$0x1F000] =	vst v63  }
0x79: {  	_ =	swait.ge [sflag:s21], $0x2800  }
0x7a: {  	[sflag:s21] =	ssyncset.done $0x0  }
0x7b: {  	[sflag:s21] =	ssyncadd.s32 $0xFFFFD800  }
0x7c: {  	[spmem:s2] =	stream.indirect.scatter.add.f32 [tilespmem:s16], [sflag:$0x3], $0x80, s25, s15, $0xb8;
	[tilespmem:$0x1F000] =	vst v63  }
0x7d: {  	_ =	swait.ge [sflag:s13], $0x2800  }
0x7e: {  	[sflag:s13] =	ssyncset.done $0x0  }
0x7f: {  	[sflag:s13] =	ssyncadd.s32 $0xFFFFD800  }
0x80: {  	[tilespmem:s16], [sflag:$0x1] =	stream.indirect.gather [hbm4b:s4+s15], $0x80, s26, s15, $0xb8;
	[tilespmem:$0x1F000] =	vst v63  }
0x81: {  	_ =	swait.ge [sflag:s22], $0x2800  }
0x82: {  	[sflag:s22] =	ssyncset.done $0x0  }
0x83: {  	s31 =	sadd.s32 $0x80, s25;
	[sflag:s22] =	ssyncadd.s32 $0xFFFFD800  }
0x84: {  	[spmem:s2] =	stream.indirect.scatter.add.f32 [tilespmem:s20], [sflag:$0x3], $0x80, s31, s15, $0xb8;
	[tilespmem:$0x1F000] =	vst v63  }
0x85: {  	_ =	swait.ge [sflag:s13], $0x2800  }
0x86: {  	[sflag:s13] =	ssyncset.done $0x0  }
0x87: {  	[sflag:s13] =	ssyncadd.s32 $0xFFFFD800  }
0x88: {  	_ =	swait.ge [sflag:s21], $0x2800  }
0x89: {  	[sflag:s21] =	ssyncset.done $0x0  }
0x8a: {  	[sflag:s21] =	ssyncadd.s32 $0xFFFFD800  }
0x8b: {  	[spmem:s2] =	stream.indirect.scatter.add.f32 [tilespmem:s16], [sflag:$0x3], $0x80, s23, s15, $0xb8;
	[tilespmem:$0x1F000] =	vst v63  }
0x8c: {  	_ =	swait.ge [sflag:s13], $0x2800  }
0x8d: {  	[sflag:s13] =	ssyncset.done $0x0  }
0x8e: {  	[sflag:s13] =	ssyncadd.s32 $0xFFFFD800  }
0x8f: {  	s25 =	simm.s32 @p0 $0x1FC3;
	[bflag:$0x0] =	sbarrier.arrive $0xFFFF  }
0x90: {  	[hbm:s9], [sflag:s25] =	dma.local @p0 [spmem:s17], $0x2080  }
0x91: {  	s25 =	simm.s32 @p0 $0x3  }
0x92: {  	s24 =	sadd.s32 $0x1, s24;
	_ =	swait.ge @p0 [sflag:s25], $0x2080  }
0x93: {  	p1 =	sne.s32 s24, s10;
	[sflag:s25] =	ssyncset.done @p0 $0x0  }
.Ltmp1:
0x94: {  	[sflag:s25] =	ssyncadd.s32 @p0 $0xFFFFDF80;
	s25 =	simm.s32 @!p0 $0x3;
	(pc) =	sbr.rel @p1 .LBB2_1-.Ltmp1, $4  }
0x95: {  	[hbm:s8], [sflag:s18] =	dma.local @!p0 [spmem:s19], $0x2780  }
0x96: {  	_ =	swait.ge @!p0 [sflag:s25], $0x2780  }
0x97: {  	[sflag:s25] =	ssyncset.done @!p0 $0x0  }
0x98: {  	[sflag:s25] =	ssyncadd.s32 @!p0 $0xFFFFD880  }
0x99: {  	_ =	sfence.sel $0x180000  }
0x9a: {  	[bflag:$0x0] =	sbarrier.arrive $0xFFFF  }
0x9b: {  	p0 =	sne.s32 s0, $0x0;
	_ =	strace $0x90000050  }
0x9c: {  	s0 =	sadd.s32 @!p0 $0x100000, s1;
	[bflag:$0x2] =	sbarrier.arrive $0xFFFF  }
0x9d: {  	[sflag:s0] =	ssyncadd.tile.s32 @!p0 $0x1;
	_ =	shalt  }
.Lfunc_end2:
_tile_overlayer_lowered:
.L_overlay_start_2:
0x9e: {  	(tag) =	ssettag $0x2  }
0x9f: {  	s0 =	rddreg [dreg:$0x0];
	s2 =	stileid.u32  }
0xa0: {  	s1 =	rddreg [dreg:$0x1];
	p0 =	sne.s32 s2, $0x0  }
0xa1: {  	s3 =	rddreg [dreg:$0x2];
	[bflag:$0x3] =	sbarrier.arrive $0xFFFF;
	s2 =	simm.s32 @!p0 $0x1C03  }
0xa2: {  	[timem:s3], [sflag:s2] =	dma.local @!p0 [hbm:s0], s1  }
0xa3: {  	s0 =	simm.s32 @!p0 $0x3  }
0xa4: {  	_ =	swait.ge @!p0 [sflag:s0], s1  }
0xa5: {  	s1 =	ssub.s32 @!p0 $0x0, s1;
	[sflag:s0] =	ssyncset.done @!p0 $0x0  }
0xa6: {  	[sflag:s0] =	ssyncadd.s32 @!p0 s1  }
0xa7: {  	[bflag:$0x3] =	sbarrier.arrive $0xFFFF  }
0xa8: {  	_ =	shalt  }

</sc_bundles>
